<compile_context>
chip_gen: v7x
topology: tpu7x:2x2x1
jax: 0.10.2.dev20260603
libtpu: 0.0.44.dev20260713+nightly
codegen_flags: <defaults>
</compile_context>

<pallas_src>
import functools

import jax
import jax.numpy as jnp
from jax import lax
from jax.experimental import pallas as pl
from jax.experimental.pallas import tpu as pltpu
from jax.experimental.pallas import tpu_sc as plsc

N_NODES = 10000
N_HEDGES = 5000
N_INC = 320000
D = 128
HEADS = 8

NC = 2
NS = 16
NW = NC * NS

E_PAD = 5120
E_ROWS = E_PAD // NS
N_PAD = 10240
HALF = N_PAD // 2
TRASH = 512
AR = HALF + TRASH
A_ROWS = AR // NS

K = 80
SCH = 25
PER_TILE = N_INC // NW
NCH1 = PER_TILE // K
NSC1 = NCH1 // SCH
PER_TILE2 = N_INC // NS
NCH2 = PER_TILE2 // K
NSC2 = NCH2 // SCH

_SC_PARAMS = pltpu.CompilerParams(needs_layout_passes=False)


@functools.lru_cache(maxsize=None)
def _get_mesh():
  return plsc.VectorSubcoreMesh(
      core_axis_name="c", subcore_axis_name="s", num_cores=NC, num_subcores=NS)


DEPTH = 5


def _ring_loop(src_hbm, gidx, sidx, acc, bufs, gsems, ssems, nch,
               pre=None, post=None):
  depth = len(bufs)

  def g_issue(j, q):
    pltpu.async_copy(src_hbm.at[gidx.at[j]], bufs[q], gsems[q])

  def g_wait(q):
    pltpu.make_async_copy(src_hbm.at[gidx.at[0]], bufs[q], gsems[q]).wait()

  def s_wait(q):
    pltpu.make_async_copy(bufs[q], acc.at[sidx.at[0]], ssems[q]).wait()

  g_issue(0, 0)
  g_issue(1, 1)

  def body(i, carry):
    for q in range(depth):
      j = depth * i + q
      g_wait(q)
      if pre is not None:
        pre(j)
      pltpu.async_copy(bufs[q], acc.at[sidx.at[j]], ssems[q], add=True)
      q2 = (q + 2) % depth
      pl.when(j >= depth - 2)(lambda q2=q2: s_wait(q2))
      pl.when(j + 2 < nch)(lambda j=j, q2=q2: g_issue(j + 2, q2))
      if post is not None:
        post(j)
    return carry

  lax.fori_loop(0, nch // depth, body, 0)
  for dq in range(depth - 2, 0, -1):
    s_wait((nch - dq) % depth)


def _stage1_body(x_hbm, v4_hbm, e4_hbm, zrow_hbm, zflat_hbm,
                 outp_hbm, outce_hbm, outcv_hbm,
                 acc, vloc, eloc, b0, b1, b2, b3, b4, cnt_e, cnt_v,
                 g0, g1, g2, g3, g4, s0, s1, s2, s3, s4):
  cid = lax.axis_index("c")
  sid = lax.axis_index("s")
  wid = cid * NS + sid
  bufs = (b0, b1, b2, b3, b4)
  gsems = (g0, g1, g2, g3, g4)
  ssems = (s0, s1, s2, s3, s4)
  sl = pl.ds(sid * E_ROWS, E_ROWS)
  pltpu.sync_copy(zrow_hbm.at[pl.ds(0, E_ROWS)], acc.at[sl])
  pltpu.sync_copy(zflat_hbm.at[pl.ds(0, E_PAD)], cnt_e)
  pltpu.sync_copy(zflat_hbm, cnt_v)
  plsc.subcore_barrier()

  ones16 = jnp.ones((16,), jnp.float32)

  def hist(j):
    for t in range(K // 16):
      tsl = pl.ds(t * 16, 16)
      plsc.addupdate_scatter(cnt_e, [eloc[j, tsl]], ones16)
      plsc.addupdate_scatter(cnt_v, [vloc[j, tsl]], ones16)

  def sbody(sc, carry):
    pltpu.sync_copy(v4_hbm.at[wid, sc], vloc)
    pltpu.sync_copy(e4_hbm.at[wid, sc], eloc)
    _ring_loop(x_hbm, vloc, eloc, acc, bufs, gsems, ssems, SCH, post=hist)
    return carry

  lax.fori_loop(0, NSC1, sbody, 0)
  plsc.subcore_barrier()
  pltpu.sync_copy(acc.at[sl], outp_hbm.at[cid, sl])
  pltpu.sync_copy(cnt_e, outce_hbm.at[cid, sid])
  pltpu.sync_copy(cnt_v, outcv_hbm.at[cid, sid])


@functools.lru_cache(maxsize=None)
def _make_stage1():
  return functools.partial(
      pl.kernel,
      mesh=_get_mesh(),
      compiler_params=_SC_PARAMS,
      out_type=(
          jax.ShapeDtypeStruct((NC, E_PAD, D), jnp.float32),
          jax.ShapeDtypeStruct((NC, NS, E_PAD), jnp.float32),
          jax.ShapeDtypeStruct((NC, NS, N_PAD), jnp.float32),
      ),
      scratch_types=(
          [pltpu.VMEM_SHARED((E_PAD, D), jnp.float32),
           pltpu.VMEM((SCH, K), jnp.int32),
           pltpu.VMEM((SCH, K), jnp.int32)]
          + [pltpu.VMEM((K, D), jnp.float32)] * DEPTH
          + [pltpu.VMEM((E_PAD,), jnp.float32),
             pltpu.VMEM((N_PAD,), jnp.float32)]
          + [pltpu.SemaphoreType.DMA] * (2 * DEPTH)
      ),
  )(_stage1_body)


def _stage2_body(xe_hbm, e4_hbm, v4_hbm, zrow_hbm,
                 outp_hbm,
                 acc, gloc, sloc, lloc, b0, b1, b2, b3, b4,
                 g0, g1, g2, g3, g4, s0, s1, s2, s3, s4):
  cid = lax.axis_index("c")
  sid = lax.axis_index("s")
  lo = cid * HALF
  bufs = (b0, b1, b2, b3, b4)
  gsems = (g0, g1, g2, g3, g4)
  ssems = (s0, s1, s2, s3, s4)
  sl = pl.ds(sid * A_ROWS, A_ROWS)
  pltpu.sync_copy(zrow_hbm.at[pl.ds(0, A_ROWS)], acc.at[sl])
  plsc.subcore_barrier()

  def lcompute(j):
    for t in range(K // 16):
      tsl = pl.ds(t * 16, 16)
      v16 = sloc[j, tsl]
      inr = (v16 >= lo) & (v16 < lo + HALF)
      lloc[j, tsl] = jnp.where(inr, v16 - lo, HALF + (v16 & (TRASH - 1)))

  def sbody(sc, carry):
    pltpu.sync_copy(e4_hbm.at[sid, sc], gloc)
    pltpu.sync_copy(v4_hbm.at[sid, sc], sloc)
    _ring_loop(xe_hbm, gloc, lloc, acc, bufs, gsems, ssems, SCH, pre=lcompute)
    return carry

  lax.fori_loop(0, NSC2, sbody, 0)
  plsc.subcore_barrier()
  pltpu.sync_copy(acc.at[sl], outp_hbm.at[cid, sl])


@functools.lru_cache(maxsize=None)
def _make_stage2():
  return functools.partial(
      pl.kernel,
      mesh=_get_mesh(),
      compiler_params=_SC_PARAMS,
      out_type=jax.ShapeDtypeStruct((NC, AR, D), jnp.float32),
      scratch_types=(
          [pltpu.VMEM_SHARED((AR, D), jnp.float32),
           pltpu.VMEM((SCH, K), jnp.int32),
           pltpu.VMEM((SCH, K), jnp.int32),
           pltpu.VMEM((SCH, K), jnp.int32)]
          + [pltpu.VMEM((K, D), jnp.float32)] * DEPTH
          + [pltpu.SemaphoreType.DMA] * (2 * DEPTH)
      ),
  )(_stage2_body)


def _combine_body(p_ref, c_ref, o_ref):
  p = p_ref[0] + p_ref[1]
  c = jnp.sum(c_ref[...], axis=(0, 1))[:, None]
  o_ref[...] = p / jnp.maximum(c, 1.0)


def _combine(edge_p, edge_c):
  blk = 512
  grid = E_PAD // blk
  return pl.pallas_call(
      _combine_body,
      grid=(grid,),
      in_specs=[
          pl.BlockSpec((NC, blk, D), lambda i: (0, i, 0)),
          pl.BlockSpec((NC, NS, blk), lambda i: (0, 0, i)),
      ],
      out_specs=pl.BlockSpec((blk, D), lambda i: (i, 0)),
      out_shape=jax.ShapeDtypeStruct((E_PAD, D), jnp.float32),
  )(edge_p, edge_c)


def _linear_body(x_ref, w_ref, b_ref, y_ref):
  y_ref[...] = (jnp.dot(x_ref[...], w_ref[...],
                        preferred_element_type=jnp.float32) + b_ref[...])


def _linear(x, w_t, b2d):
  blk = 1000
  grid = N_NODES // blk
  return pl.pallas_call(
      _linear_body,
      grid=(grid,),
      in_specs=[
          pl.BlockSpec((blk, D), lambda i: (i, 0)),
          pl.BlockSpec((D, D), lambda i: (0, 0)),
          pl.BlockSpec((1, D), lambda i: (0, 0)),
      ],
      out_specs=pl.BlockSpec((blk, D), lambda i: (i, 0)),
      out_shape=jax.ShapeDtypeStruct((N_NODES, D), jnp.float32),
  )(x, w_t, b2d)


def _final_body(p_ref, c_ref, a_ref, x_ref, loss_ref):
  c = jnp.sum(c_ref[...], axis=(0, 1))[:, None]
  x = jnp.maximum(p_ref[0] / jnp.maximum(c, 1.0), 0.0)
  x_ref[...] = x

  blk_rows = x.shape[0]
  att = jnp.tile(a_ref[...], (blk_rows // HEADS, 1))
  a = jnp.sum(x * att, axis=1, keepdims=True) * (1.0 / D)
  a = jnp.where(a >= 0.0, a, 0.2 * a)
  s = jnp.clip(jax.nn.sigmoid(a), 0.01, 0.99)
  kl = s * jnp.log(s / 0.5) + (1.0 - s) * jnp.log((1.0 - s) / 0.5)
  part = jnp.sum(kl).reshape(1, 1)

  @pl.when(pl.program_id(0) == 0)
  def _():
    loss_ref[...] = jnp.zeros((1, 1), jnp.float32)

  loss_ref[...] += part


def _finalize(node_p, node_c, att):
  blk = 1024
  grid = N_PAD // blk
  return pl.pallas_call(
      _final_body,
      grid=(grid,),
      in_specs=[
          pl.BlockSpec((1, blk, D), lambda i: (i // (HALF // blk),
                                               i % (HALF // blk), 0)),
          pl.BlockSpec((NC, NS, blk), lambda i: (0, 0, i)),
          pl.BlockSpec((HEADS, D), lambda i: (0, 0)),
      ],
      out_specs=[
          pl.BlockSpec((blk, D), lambda i: (i, 0)),
          pl.BlockSpec((1, 1), lambda i: (0, 0)),
      ],
      out_shape=[
          jax.ShapeDtypeStruct((N_PAD, D), jnp.float32),
          jax.ShapeDtypeStruct((1, 1), jnp.float32),
      ],
  )(node_p, node_c, att)


def kernel(X, v_idx, e_idx, theta_W, theta_b, att):
  v_idx = v_idx.astype(jnp.int32)
  e_idx = e_idx.astype(jnp.int32)
  zrow = jnp.zeros((A_ROWS, D), jnp.float32)
  zflat = jnp.zeros((N_PAD,), jnp.float32)
  v31 = v_idx.reshape(NW, NSC1, SCH, K)
  e31 = e_idx.reshape(NW, NSC1, SCH, K)
  v32 = v_idx.reshape(NS, NSC2, SCH, K)
  e32 = e_idx.reshape(NS, NSC2, SCH, K)

  y = _linear(X, theta_W.T, theta_b[None, :])
  edge_p, edge_c, node_c = _make_stage1()(y, v31, e31, zrow, zflat)
  x_e = _combine(edge_p, edge_c)
  node_p = _make_stage2()(x_e, e32, v32, zrow)
  x_out, loss = _finalize(node_p, node_c, att)
  return x_out[:N_NODES], loss[0, 0]

# --- scband reference (transcript-rebuilt; emitter-appended) ---
"""Pipeline reference for scband-hgnnpconv-gib-v1-90546500534480 (READ-ONLY COPY).

The authoritative reference and input builder live on the scoring server;
editing this copy changes nothing except your own understanding.
"""

import jax, jax.numpy as jnp
import numpy as np
import math

N_NODES = 10000
N_HEDGES = 5000
N_INC = 320000
D_IN = 128
D_OUT = 128
HEADS = 8


def setup_inputs(seed: int = 0) -> dict:
    key = jax.random.key(seed)
    k1, k2, k3, k4, k5, k6 = jax.random.split(key, 6)
    X = jax.random.normal(k1, (N_NODES, D_IN), dtype=jnp.float32)
    v_idx = jax.random.randint(k2, (N_INC,), 0, N_NODES, dtype=jnp.int64 if jax.config.jax_enable_x64 else jnp.int32)
    e_idx = jax.random.randint(k3, (N_INC,), 0, N_HEDGES, dtype=jnp.int64 if jax.config.jax_enable_x64 else jnp.int32)
    lim = 1.0 / math.sqrt(D_IN)
    theta_W = jax.random.uniform(k4, (D_OUT, D_IN), dtype=jnp.float32, minval=-lim, maxval=lim)
    theta_b = jax.random.uniform(k5, (D_OUT,), dtype=jnp.float32, minval=-lim, maxval=lim)
    stdv = 1.0 / math.sqrt(D_OUT)
    att = jax.random.uniform(k6, (HEADS, D_OUT), dtype=jnp.float32, minval=-stdv, maxval=stdv)
    return {"X": X, "v_idx": v_idx, "e_idx": e_idx, "theta_W": theta_W, "theta_b": theta_b, "att": att}


def _v2v_mean(X, v_idx, e_idx):
    # vertex -> hyperedge mean aggregation (D_e^{-1} H^T X)
    ones = jnp.ones((v_idx.shape[0],), dtype=X.dtype)
    edge_sum = jax.ops.segment_sum(X[v_idx], e_idx, num_segments=N_HEDGES)
    edge_cnt = jax.ops.segment_sum(ones, e_idx, num_segments=N_HEDGES)
    X_e = edge_sum / jnp.clip(edge_cnt, 1.0, None)[:, None]
    # hyperedge -> vertex mean aggregation (D_v^{-1} H X_e)
    node_sum = jax.ops.segment_sum(X_e[e_idx], v_idx, num_segments=N_NODES)
    node_cnt = jax.ops.segment_sum(ones, v_idx, num_segments=N_NODES)
    return node_sum / jnp.clip(node_cnt, 1.0, None)[:, None]


def reference(X, v_idx, e_idx, theta_W, theta_b, att):
    # theta linear
    X = X @ theta_W.T + theta_b
    # hg.v2v(X, aggr='mean')
    X = _v2v_mean(X, v_idx, e_idx)
    # not is_last: act + dropout (eval / drop_rate=0 -> identity)
    X = jnp.maximum(X, 0.0)
    X1 = X.reshape(-1, HEADS, D_OUT)
    alpha = (X1 * att).mean(axis=-1).reshape(-1)
    alpha = jax.nn.leaky_relu(alpha, negative_slope=0.2)
    alpha = jnp.clip(jax.nn.sigmoid(alpha), 0.01, 0.99)
    prior = 0.5
    kl = alpha * jnp.log(alpha / prior) + (1.0 - alpha) * jnp.log((1.0 - alpha) / (1.0 - prior))
    structure_kl_loss = kl.sum(-1).mean()
    return (X, structure_kl_loss)

if __name__ == "__main__":
    import jax
    _d = setup_inputs()
    print(jax.jit(kernel)(*tuple(_d.values())))

</pallas_src>

<mosaic_0001>
#map = affine_map<(d0, d1) -> (0, 0)>
#map1 = affine_map<(d0, d1) -> (0, 0, 0, 0)>
#map2 = affine_map<(d0, d1) -> (0)>
#map3 = affine_map<(d0, d1) -> (0, 0, 0)>
module attributes {stable_mosaic.version = 14 : i64} {
  func.func @_stage1_body(%arg0: i32, %arg1: i32, %arg2: memref<10000x128xf32, #tpu.memory_space<hbm>>, %arg3: memref<32x5x25x80xi32, #tpu.memory_space<hbm>>, %arg4: memref<32x5x25x80xi32, #tpu.memory_space<hbm>>, %arg5: memref<352x128xf32, #tpu.memory_space<hbm>>, %arg6: memref<10240xf32, #tpu.memory_space<hbm>>, %arg7: memref<2x5120x128xf32, #tpu.memory_space<hbm>>, %arg8: memref<2x16x5120xf32, #tpu.memory_space<hbm>>, %arg9: memref<2x16x10240xf32, #tpu.memory_space<hbm>>, %arg10: memref<5120x128xf32, #tpu.memory_space<vmem_shared>>, %arg11: memref<25x80xi32, #tpu.memory_space<vmem>>, %arg12: memref<25x80xi32, #tpu.memory_space<vmem>>, %arg13: memref<80x128xf32, #tpu.memory_space<vmem>>, %arg14: memref<80x128xf32, #tpu.memory_space<vmem>>, %arg15: memref<80x128xf32, #tpu.memory_space<vmem>>, %arg16: memref<80x128xf32, #tpu.memory_space<vmem>>, %arg17: memref<80x128xf32, #tpu.memory_space<vmem>>, %arg18: memref<5120xf32, #tpu.memory_space<vmem>>, %arg19: memref<10240xf32, #tpu.memory_space<vmem>>, %arg20: memref<!tpu.dma_semaphore, #tpu.memory_space<semaphore_mem>>, %arg21: memref<!tpu.dma_semaphore, #tpu.memory_space<semaphore_mem>>, %arg22: memref<!tpu.dma_semaphore, #tpu.memory_space<semaphore_mem>>, %arg23: memref<!tpu.dma_semaphore, #tpu.memory_space<semaphore_mem>>, %arg24: memref<!tpu.dma_semaphore, #tpu.memory_space<semaphore_mem>>, %arg25: memref<!tpu.dma_semaphore, #tpu.memory_space<semaphore_mem>>, %arg26: memref<!tpu.dma_semaphore, #tpu.memory_space<semaphore_mem>>, %arg27: memref<!tpu.dma_semaphore, #tpu.memory_space<semaphore_mem>>, %arg28: memref<!tpu.dma_semaphore, #tpu.memory_space<semaphore_mem>>, %arg29: memref<!tpu.dma_semaphore, #tpu.memory_space<semaphore_mem>>) attributes {dimension_semantics = [#tpu.dimension_semantics<core_parallel>, #tpu.dimension_semantics<subcore_parallel>], iteration_bounds = array<i64: 2, 16>, scalar_prefetch = 0 : i64, scratch_operands = 20 : i64, tpu.core_type = #tpu.core_type<sc_vector_subcore>, window_params = [{transform_indices = #map}, {transform_indices = #map1}, {transform_indices = #map1}, {transform_indices = #map}, {transform_indices = #map2}, {transform_indices = #map3}, {transform_indices = #map3}, {transform_indices = #map3}]} {
    %mul3A = arith.constant 16 : i32
    %mul3A_0 = arith.muli %arg0, %mul3A : i32
    %add3A = arith.addi %mul3A_0, %arg1 : i32
    %mul3A_1 = arith.constant 320 : i32
    %mul3A_2 = arith.muli %arg1, %mul3A_1 : i32
    "tpu.region"() ({
      %run_scoped3A = tpu.sem_alloc : memref<!tpu.dma_semaphore, #tpu.memory_space<semaphore_mem>>
      %dma_start3A = arith.constant 0 : i32
      %dma_start3A_10 = tpu.memref_slice %arg10[%mul3A_2, %dma_start3A] : memref<5120x128xf32, #tpu.memory_space<vmem_shared>> -> memref<320x128xf32, #tpu.memory_space<vmem_shared>>
      %dma_start3A_11 = arith.constant 0 : i32
      %dma_start3A_12 = arith.constant 0 : i32
      %dma_start3A_13 = tpu.memref_slice %arg5[%dma_start3A_11, %dma_start3A_12] : memref<352x128xf32, #tpu.memory_space<hbm>> -> memref<320x128xf32, #tpu.memory_space<hbm>>
      tpu.enqueue_dma source(%dma_start3A_13 : memref<320x128xf32, #tpu.memory_space<hbm>>) target(%dma_start3A_10 : memref<320x128xf32, #tpu.memory_space<vmem_shared>>) target_semaphore(%run_scoped3A : memref<!tpu.dma_semaphore, #tpu.memory_space<semaphore_mem>>)
      %dma_wait3A = arith.constant 0 : i32
      %dma_wait3A_14 = tpu.memref_slice %arg10[%mul3A_2, %dma_wait3A] : memref<5120x128xf32, #tpu.memory_space<vmem_shared>> -> memref<320x128xf32, #tpu.memory_space<vmem_shared>>
      %dma_wait3A_15 = arith.constant 0 : i32
      %dma_wait3A_16 = arith.constant 0 : i32
      %dma_wait3A_17 = tpu.memref_slice %arg5[%dma_wait3A_15, %dma_wait3A_16] : memref<352x128xf32, #tpu.memory_space<hbm>> -> memref<320x128xf32, #tpu.memory_space<hbm>>
      tpu.wait_dma2 semaphore(%run_scoped3A : memref<!tpu.dma_semaphore, #tpu.memory_space<semaphore_mem>>) src(%dma_wait3A_17 : memref<320x128xf32, #tpu.memory_space<hbm>>) dst(%dma_wait3A_14 : memref<320x128xf32, #tpu.memory_space<vmem_shared>>)
      tpu.yield
    }) : () -> ()
    "tpu.region"() ({
      %run_scoped3A = tpu.sem_alloc : memref<!tpu.dma_semaphore, #tpu.memory_space<semaphore_mem>>
      %dma_start3A = arith.constant 0 : i32
      %dma_start3A_10 = tpu.memref_slice %arg6[%dma_start3A] : memref<10240xf32, #tpu.memory_space<hbm>> -> memref<5120xf32, #tpu.memory_space<hbm>>
      %dma_start3A_11 = arith.constant 0 : i32
      %dma_start3A_12 = tpu.memref_slice %arg6[%dma_start3A_11] : memref<10240xf32, #tpu.memory_space<hbm>> -> memref<5120xf32, #tpu.memory_space<hbm>>
      tpu.enqueue_dma source(%dma_start3A_12 : memref<5120xf32, #tpu.memory_space<hbm>>) target(%arg18 : memref<5120xf32, #tpu.memory_space<vmem>>) target_semaphore(%run_scoped3A : memref<!tpu.dma_semaphore, #tpu.memory_space<semaphore_mem>>)
      %dma_wait3A = arith.constant 0 : i32
      %dma_wait3A_13 = tpu.memref_slice %arg6[%dma_wait3A] : memref<10240xf32, #tpu.memory_space<hbm>> -> memref<5120xf32, #tpu.memory_space<hbm>>
      %dma_wait3A_14 = arith.constant 0 : i32
      %dma_wait3A_15 = tpu.memref_slice %arg6[%dma_wait3A_14] : memref<10240xf32, #tpu.memory_space<hbm>> -> memref<5120xf32, #tpu.memory_space<hbm>>
      tpu.wait_dma2 semaphore(%run_scoped3A : memref<!tpu.dma_semaphore, #tpu.memory_space<semaphore_mem>>) src(%dma_wait3A_15 : memref<5120xf32, #tpu.memory_space<hbm>>) dst(%arg18 : memref<5120xf32, #tpu.memory_space<vmem>>)
      tpu.yield
    }) : () -> ()
    "tpu.region"() ({
      %run_scoped3A = tpu.sem_alloc : memref<!tpu.dma_semaphore, #tpu.memory_space<semaphore_mem>>
      tpu.enqueue_dma source(%arg6 : memref<10240xf32, #tpu.memory_space<hbm>>) target(%arg19 : memref<10240xf32, #tpu.memory_space<vmem>>) target_semaphore(%run_scoped3A : memref<!tpu.dma_semaphore, #tpu.memory_space<semaphore_mem>>)
      tpu.wait_dma2 semaphore(%run_scoped3A : memref<!tpu.dma_semaphore, #tpu.memory_space<semaphore_mem>>) src(%arg6 : memref<10240xf32, #tpu.memory_space<hbm>>) dst(%arg19 : memref<10240xf32, #tpu.memory_space<vmem>>)
      tpu.yield
    }) : () -> ()
    %barrier3A = arith.constant 0 : index
    tpu.barrier barrier_id(%barrier3A)
    %broadcast_in_dim3A = arith.constant 1.000000e+00 : f32
    %broadcast_in_dim3A_3 = vector.broadcast %broadcast_in_dim3A : f32 to vector<16xf32>
    %scan3A = arith.constant 0 : i32
    %scan3A_4 = arith.constant 0 : i32
    %scan3A_5 = arith.constant 5 : i32
    %scan3A_6 = arith.addi %scan3A_4, %scan3A_5 : i32
    %scan3A_7 = arith.constant 1 : i32
    scf.for %scan3A_10 = %scan3A_4 to %scan3A_6 step %scan3A_7  : i32 {
      "tpu.region"() ({
        %run_scoped3A = tpu.sem_alloc : memref<!tpu.dma_semaphore, #tpu.memory_space<semaphore_mem>>
        %dma_start3A_50 = arith.constant 0 : i32
        %dma_start3A_51 = arith.constant 0 : i32
        %dma_start3A_52 = tpu.memref_slice %arg3[%add3A, %scan3A_10, %dma_start3A_50, %dma_start3A_51] : memref<32x5x25x80xi32, #tpu.memory_space<hbm>> -> memref<1x1x25x80xi32, #tpu.memory_space<hbm>>
        %dma_start3A_53 = tpu.memref_squeeze %dma_start3A_52 : memref<1x1x25x80xi32, #tpu.memory_space<hbm>> -> memref<25x80xi32, #tpu.memory_space<hbm>>
        %dma_start3A_54 = arith.constant 0 : i32
        %dma_start3A_55 = arith.constant 0 : i32
        %dma_start3A_56 = tpu.memref_slice %arg3[%add3A, %scan3A_10, %dma_start3A_54, %dma_start3A_55] : memref<32x5x25x80xi32, #tpu.memory_space<hbm>> -> memref<1x1x25x80xi32, #tpu.memory_space<hbm>>
        %dma_start3A_57 = tpu.memref_squeeze %dma_start3A_56 : memref<1x1x25x80xi32, #tpu.memory_space<hbm>> -> memref<25x80xi32, #tpu.memory_space<hbm>>
        tpu.enqueue_dma source(%dma_start3A_57 : memref<25x80xi32, #tpu.memory_space<hbm>>) target(%arg11 : memref<25x80xi32, #tpu.memory_space<vmem>>) target_semaphore(%run_scoped3A : memref<!tpu.dma_semaphore, #tpu.memory_space<semaphore_mem>>)
        %dma_wait3A_58 = arith.constant 0 : i32
        %dma_wait3A_59 = arith.constant 0 : i32
        %dma_wait3A_60 = tpu.memref_slice %arg3[%add3A, %scan3A_10, %dma_wait3A_58, %dma_wait3A_59] : memref<32x5x25x80xi32, #tpu.memory_space<hbm>> -> memref<1x1x25x80xi32, #tpu.memory_space<hbm>>
        %dma_wait3A_61 = tpu.memref_squeeze %dma_wait3A_60 : memref<1x1x25x80xi32, #tpu.memory_space<hbm>> -> memref<25x80xi32, #tpu.memory_space<hbm>>
        %dma_wait3A_62 = arith.constant 0 : i32
        %dma_wait3A_63 = arith.constant 0 : i32
        %dma_wait3A_64 = tpu.memref_slice %arg3[%add3A, %scan3A_10, %dma_wait3A_62, %dma_wait3A_63] : memref<32x5x25x80xi32, #tpu.memory_space<hbm>> -> memref<1x1x25x80xi32, #tpu.memory_space<hbm>>
        %dma_wait3A_65 = tpu.memref_squeeze %dma_wait3A_64 : memref<1x1x25x80xi32, #tpu.memory_space<hbm>> -> memref<25x80xi32, #tpu.memory_space<hbm>>
        tpu.wait_dma2 semaphore(%run_scoped3A : memref<!tpu.dma_semaphore, #tpu.memory_space<semaphore_mem>>) src(%dma_wait3A_65 : memref<25x80xi32, #tpu.memory_space<hbm>>) dst(%arg11 : memref<25x80xi32, #tpu.memory_space<vmem>>)
        tpu.yield
      }) : () -> ()
      "tpu.region"() ({
        %run_scoped3A = tpu.sem_alloc : memref<!tpu.dma_semaphore, #tpu.memory_space<semaphore_mem>>
        %dma_start3A_50 = arith.constant 0 : i32
        %dma_start3A_51 = arith.constant 0 : i32
        %dma_start3A_52 = tpu.memref_slice %arg4[%add3A, %scan3A_10, %dma_start3A_50, %dma_start3A_51] : memref<32x5x25x80xi32, #tpu.memory_space<hbm>> -> memref<1x1x25x80xi32, #tpu.memory_space<hbm>>
        %dma_start3A_53 = tpu.memref_squeeze %dma_start3A_52 : memref<1x1x25x80xi32, #tpu.memory_space<hbm>> -> memref<25x80xi32, #tpu.memory_space<hbm>>
        %dma_start3A_54 = arith.constant 0 : i32
        %dma_start3A_55 = arith.constant 0 : i32
        %dma_start3A_56 = tpu.memref_slice %arg4[%add3A, %scan3A_10, %dma_start3A_54, %dma_start3A_55] : memref<32x5x25x80xi32, #tpu.memory_space<hbm>> -> memref<1x1x25x80xi32, #tpu.memory_space<hbm>>
        %dma_start3A_57 = tpu.memref_squeeze %dma_start3A_56 : memref<1x1x25x80xi32, #tpu.memory_space<hbm>> -> memref<25x80xi32, #tpu.memory_space<hbm>>
        tpu.enqueue_dma source(%dma_start3A_57 : memref<25x80xi32, #tpu.memory_space<hbm>>) target(%arg12 : memref<25x80xi32, #tpu.memory_space<vmem>>) target_semaphore(%run_scoped3A : memref<!tpu.dma_semaphore, #tpu.memory_space<semaphore_mem>>)
        %dma_wait3A_58 = arith.constant 0 : i32
        %dma_wait3A_59 = arith.constant 0 : i32
        %dma_wait3A_60 = tpu.memref_slice %arg4[%add3A, %scan3A_10, %dma_wait3A_58, %dma_wait3A_59] : memref<32x5x25x80xi32, #tpu.memory_space<hbm>> -> memref<1x1x25x80xi32, #tpu.memory_space<hbm>>
        %dma_wait3A_61 = tpu.memref_squeeze %dma_wait3A_60 : memref<1x1x25x80xi32, #tpu.memory_space<hbm>> -> memref<25x80xi32, #tpu.memory_space<hbm>>
        %dma_wait3A_62 = arith.constant 0 : i32
        %dma_wait3A_63 = arith.constant 0 : i32
        %dma_wait3A_64 = tpu.memref_slice %arg4[%add3A, %scan3A_10, %dma_wait3A_62, %dma_wait3A_63] : memref<32x5x25x80xi32, #tpu.memory_space<hbm>> -> memref<1x1x25x80xi32, #tpu.memory_space<hbm>>
        %dma_wait3A_65 = tpu.memref_squeeze %dma_wait3A_64 : memref<1x1x25x80xi32, #tpu.memory_space<hbm>> -> memref<25x80xi32, #tpu.memory_space<hbm>>
        tpu.wait_dma2 semaphore(%run_scoped3A : memref<!tpu.dma_semaphore, #tpu.memory_space<semaphore_mem>>) src(%dma_wait3A_65 : memref<25x80xi32, #tpu.memory_space<hbm>>) dst(%arg12 : memref<25x80xi32, #tpu.memory_space<vmem>>)
        tpu.yield
      }) : () -> ()
      %dma_start3A = arith.constant 0 : i32
      %dma_start3A_11 = arith.constant 0 : i32
      %dma_start3A_12 = tpu.memref_slice %arg11[%dma_start3A, %dma_start3A_11] : memref<25x80xi32, #tpu.memory_space<vmem>> -> memref<1x80xi32, #tpu.memory_space<vmem>>
      %dma_start3A_13 = tpu.memref_squeeze %dma_start3A_12 : memref<1x80xi32, #tpu.memory_space<vmem>> -> memref<80xi32, #tpu.memory_space<vmem>>
      %dma_start3A_14 = arith.constant 0 : i32
      %dma_start3A_15 = arith.constant 0 : i32
      %dma_start3A_16 = tpu.memref_slice %arg2[%dma_start3A_14, %dma_start3A_15] : memref<10000x128xf32, #tpu.memory_space<hbm>> -> memref<10000x128xf32, #tpu.memory_space<hbm>>
      tpu.enqueue_indirect_dma source(%dma_start3A_16 : memref<10000x128xf32, #tpu.memory_space<hbm>>) target(%arg13 : memref<80x128xf32, #tpu.memory_space<vmem>>) offsets(%dma_start3A_13 : memref<80xi32, #tpu.memory_space<vmem>>) semaphore(%arg20 : memref<!tpu.dma_semaphore, #tpu.memory_space<semaphore_mem>>)
      %dma_start3A_17 = arith.constant 1 : i32
      %dma_start3A_18 = arith.constant 0 : i32
      %dma_start3A_19 = tpu.memref_slice %arg11[%dma_start3A_17, %dma_start3A_18] : memref<25x80xi32, #tpu.memory_space<vmem>> -> memref<1x80xi32, #tpu.memory_space<vmem>>
      %dma_start3A_20 = tpu.memref_squeeze %dma_start3A_19 : memref<1x80xi32, #tpu.memory_space<vmem>> -> memref<80xi32, #tpu.memory_space<vmem>>
      %dma_start3A_21 = arith.constant 0 : i32
      %dma_start3A_22 = arith.constant 0 : i32
      %dma_start3A_23 = tpu.memref_slice %arg2[%dma_start3A_21, %dma_start3A_22] : memref<10000x128xf32, #tpu.memory_space<hbm>> -> memref<10000x128xf32, #tpu.memory_space<hbm>>
      tpu.enqueue_indirect_dma source(%dma_start3A_23 : memref<10000x128xf32, #tpu.memory_space<hbm>>) target(%arg14 : memref<80x128xf32, #tpu.memory_space<vmem>>) offsets(%dma_start3A_20 : memref<80xi32, #tpu.memory_space<vmem>>) semaphore(%arg21 : memref<!tpu.dma_semaphore, #tpu.memory_space<semaphore_mem>>)
      %scan3A_24 = arith.constant 0 : i32
      %scan3A_25 = arith.constant 0 : i32
      %scan3A_26 = arith.constant 5 : i32
      %scan3A_27 = arith.addi %scan3A_25, %scan3A_26 : i32
      %scan3A_28 = arith.constant 1 : i32
      scf.for %scan3A_50 = %scan3A_25 to %scan3A_27 step %scan3A_28  : i32 {
        %mul3A_51 = arith.constant 5 : i32
        %mul3A_52 = arith.muli %mul3A_51, %scan3A_50 : i32
        %add3A_53 = arith.constant 0 : i32
        %add3A_54 = arith.addi %mul3A_52, %add3A_53 : i32
        %dma_wait3A_55 = arith.constant 0 : i32
        %dma_wait3A_56 = arith.constant 0 : i32
        %dma_wait3A_57 = tpu.memref_slice %arg11[%dma_wait3A_55, %dma_wait3A_56] : memref<25x80xi32, #tpu.memory_space<vmem>> -> memref<1x80xi32, #tpu.memory_space<vmem>>
        %dma_wait3A_58 = tpu.memref_squeeze %dma_wait3A_57 : memref<1x80xi32, #tpu.memory_space<vmem>> -> memref<80xi32, #tpu.memory_space<vmem>>
        %dma_wait3A_59 = arith.constant 0 : i32
        %dma_wait3A_60 = arith.constant 0 : i32
        %dma_wait3A_61 = tpu.memref_slice %arg2[%dma_wait3A_59, %dma_wait3A_60] : memref<10000x128xf32, #tpu.memory_space<hbm>> -> memref<10000x128xf32, #tpu.memory_space<hbm>>
        tpu.wait_indirect_dma semaphore(%arg20 : memref<!tpu.dma_semaphore, #tpu.memory_space<semaphore_mem>>) src(%dma_wait3A_61 : memref<10000x128xf32, #tpu.memory_space<hbm>>) dst(%arg13 : memref<80x128xf32, #tpu.memory_space<vmem>>)
        %dma_start3A_62 = arith.constant 0 : i32
        %dma_start3A_63 = tpu.memref_slice %arg12[%add3A_54, %dma_start3A_62] : memref<25x80xi32, #tpu.memory_space<vmem>> -> memref<1x80xi32, #tpu.memory_space<vmem>>
        %dma_start3A_64 = tpu.memref_squeeze %dma_start3A_63 : memref<1x80xi32, #tpu.memory_space<vmem>> -> memref<80xi32, #tpu.memory_space<vmem>>
        %dma_start3A_65 = arith.constant 0 : i32
        %dma_start3A_66 = arith.constant 0 : i32
        %dma_start3A_67 = tpu.memref_slice %arg10[%dma_start3A_65, %dma_start3A_66] : memref<5120x128xf32, #tpu.memory_space<vmem_shared>> -> memref<5120x128xf32, #tpu.memory_space<vmem_shared>>
        tpu.enqueue_indirect_dma source(%arg13 : memref<80x128xf32, #tpu.memory_space<vmem>>) target(%dma_start3A_67 : memref<5120x128xf32, #tpu.memory_space<vmem_shared>>) offsets(%dma_start3A_64 : memref<80xi32, #tpu.memory_space<vmem>>) semaphore(%arg25 : memref<!tpu.dma_semaphore, #tpu.memory_space<semaphore_mem>>) {add = true}
        %ge3A = arith.constant 3 : i32
        %ge3A_68 = arith.cmpi sge, %add3A_54, %ge3A : i32
        %convert_element_type3A = arith.extui %ge3A_68 : i1 to i32
        %cond3A = arith.constant 0 : i32
        %cond3A_69 = arith.cmpi ne, %convert_element_type3A, %cond3A : i32
        scf.if %cond3A_69 {
          %dma_wait3A_341 = arith.constant 0 : i32
          %dma_wait3A_342 = arith.constant 0 : i32
          %dma_wait3A_343 = tpu.memref_slice %arg12[%dma_wait3A_341, %dma_wait3A_342] : memref<25x80xi32, #tpu.memory_space<vmem>> -> memref<1x80xi32, #tpu.memory_space<vmem>>
          %dma_wait3A_344 = tpu.memref_squeeze %dma_wait3A_343 : memref<1x80xi32, #tpu.memory_space<vmem>> -> memref<80xi32, #tpu.memory_space<vmem>>
          %dma_wait3A_345 = arith.constant 0 : i32
          %dma_wait3A_346 = arith.constant 0 : i32
          %dma_wait3A_347 = tpu.memref_slice %arg10[%dma_wait3A_345, %dma_wait3A_346] : memref<5120x128xf32, #tpu.memory_space<vmem_shared>> -> memref<5120x128xf32, #tpu.memory_space<vmem_shared>>
          tpu.wait_indirect_dma semaphore(%arg27 : memref<!tpu.dma_semaphore, #tpu.memory_space<semaphore_mem>>) src(%arg15 : memref<80x128xf32, #tpu.memory_space<vmem>>) dst(%dma_wait3A_347 : memref<5120x128xf32, #tpu.memory_space<vmem_shared>>)
        } else {
        }
        %add3A_70 = arith.constant 2 : i32
        %add3A_71 = arith.addi %add3A_54, %add3A_70 : i32
        %lt3A = arith.constant 25 : i32
        %lt3A_72 = arith.cmpi slt, %add3A_71, %lt3A : i32
        %convert_element_type3A_73 = arith.extui %lt3A_72 : i1 to i32
        %cond3A_74 = arith.constant 0 : i32
        %cond3A_75 = arith.cmpi ne, %convert_element_type3A_73, %cond3A_74 : i32
        scf.if %cond3A_75 {
          %add3A_341 = arith.constant 2 : i32
          %add3A_342 = arith.addi %add3A_54, %add3A_341 : i32
          %dma_start3A_343 = arith.constant 0 : i32
          %dma_start3A_344 = tpu.memref_slice %arg11[%add3A_342, %dma_start3A_343] : memref<25x80xi32, #tpu.memory_space<vmem>> -> memref<1x80xi32, #tpu.memory_space<vmem>>
          %dma_start3A_345 = tpu.memref_squeeze %dma_start3A_344 : memref<1x80xi32, #tpu.memory_space<vmem>> -> memref<80xi32, #tpu.memory_space<vmem>>
          %dma_start3A_346 = arith.constant 0 : i32
          %dma_start3A_347 = arith.constant 0 : i32
          %dma_start3A_348 = tpu.memref_slice %arg2[%dma_start3A_346, %dma_start3A_347] : memref<10000x128xf32, #tpu.memory_space<hbm>> -> memref<10000x128xf32, #tpu.memory_space<hbm>>
          tpu.enqueue_indirect_dma source(%dma_start3A_348 : memref<10000x128xf32, #tpu.memory_space<hbm>>) target(%arg15 : memref<80x128xf32, #tpu.memory_space<vmem>>) offsets(%dma_start3A_345 : memref<80xi32, #tpu.memory_space<vmem>>) semaphore(%arg22 : memref<!tpu.dma_semaphore, #tpu.memory_space<semaphore_mem>>)
        } else {
        }
        %get3A = arith.index_cast %add3A_54 : i32 to index
        %get3A_76 = arith.constant 0 : index
        %get3A_77 = tpu.vector_load %arg12[%get3A, %get3A_76] {strides = array<i32>} : memref<25x80xi32, #tpu.memory_space<vmem>>, vector<16xi32>,
        tpu.vector_store_idx %arg18[%get3A_77], %broadcast_in_dim3A_3 {add = true} : memref<5120xf32, #tpu.memory_space<vmem>>[vector<16xi32>], vector<16xf32>,
        %get3A_78 = arith.index_cast %add3A_54 : i32 to index
        %get3A_79 = arith.constant 0 : index
        %get3A_80 = tpu.vector_load %arg11[%get3A_78, %get3A_79] {strides = array<i32>} : memref<25x80xi32, #tpu.memory_space<vmem>>, vector<16xi32>,
        tpu.vector_store_idx %arg19[%get3A_80], %broadcast_in_dim3A_3 {add = true} : memref<10240xf32, #tpu.memory_space<vmem>>[vector<16xi32>], vector<16xf32>,
        %get3A_81 = arith.index_cast %add3A_54 : i32 to index
        %get3A_82 = arith.constant 16 : index
        %get3A_83 = tpu.vector_load %arg12[%get3A_81, %get3A_82] {strides = array<i32>} : memref<25x80xi32, #tpu.memory_space<vmem>>, vector<16xi32>,
        tpu.vector_store_idx %arg18[%get3A_83], %broadcast_in_dim3A_3 {add = true} : memref<5120xf32, #tpu.memory_space<vmem>>[vector<16xi32>], vector<16xf32>,
        %get3A_84 = arith.index_cast %add3A_54 : i32 to index
        %get3A_85 = arith.constant 16 : index
        %get3A_86 = tpu.vector_load %arg11[%get3A_84, %get3A_85] {strides = array<i32>} : memref<25x80xi32, #tpu.memory_space<vmem>>, vector<16xi32>,
        tpu.vector_store_idx %arg19[%get3A_86], %broadcast_in_dim3A_3 {add = true} : memref<10240xf32, #tpu.memory_space<vmem>>[vector<16xi32>], vector<16xf32>,
        %get3A_87 = arith.index_cast %add3A_54 : i32 to index
        %get3A_88 = arith.constant 32 : index
        %get3A_89 = tpu.vector_load %arg12[%get3A_87, %get3A_88] {strides = array<i32>} : memref<25x80xi32, #tpu.memory_space<vmem>>, vector<16xi32>,
        tpu.vector_store_idx %arg18[%get3A_89], %broadcast_in_dim3A_3 {add = true} : memref<5120xf32, #tpu.memory_space<vmem>>[vector<16xi32>], vector<16xf32>,
        %get3A_90 = arith.index_cast %add3A_54 : i32 to index
        %get3A_91 = arith.constant 32 : index
        %get3A_92 = tpu.vector_load %arg11[%get3A_90, %get3A_91] {strides = array<i32>} : memref<25x80xi32, #tpu.memory_space<vmem>>, vector<16xi32>,
        tpu.vector_store_idx %arg19[%get3A_92], %broadcast_in_dim3A_3 {add = true} : memref<10240xf32, #tpu.memory_space<vmem>>[vector<16xi32>], vector<16xf32>,
        %get3A_93 = arith.index_cast %add3A_54 : i32 to index
        %get3A_94 = arith.constant 48 : index
        %get3A_95 = tpu.vector_load %arg12[%get3A_93, %get3A_94] {strides = array<i32>} : memref<25x80xi32, #tpu.memory_space<vmem>>, vector<16xi32>,
        tpu.vector_store_idx %arg18[%get3A_95], %broadcast_in_dim3A_3 {add = true} : memref<5120xf32, #tpu.memory_space<vmem>>[vector<16xi32>], vector<16xf32>,
        %get3A_96 = arith.index_cast %add3A_54 : i32 to index
        %get3A_97 = arith.constant 48 : index
        %get3A_98 = tpu.vector_load %arg11[%get3A_96, %get3A_97] {strides = array<i32>} : memref<25x80xi32, #tpu.memory_space<vmem>>, vector<16xi32>,
        tpu.vector_store_idx %arg19[%get3A_98], %broadcast_in_dim3A_3 {add = true} : memref<10240xf32, #tpu.memory_space<vmem>>[vector<16xi32>], vector<16xf32>,
        %get3A_99 = arith.index_cast %add3A_54 : i32 to index
        %get3A_100 = arith.constant 64 : index
        %get3A_101 = tpu.vector_load %arg12[%get3A_99, %get3A_100] {strides = array<i32>} : memref<25x80xi32, #tpu.memory_space<vmem>>, vector<16xi32>,
        tpu.vector_store_idx %arg18[%get3A_101], %broadcast_in_dim3A_3 {add = true} : memref<5120xf32, #tpu.memory_space<vmem>>[vector<16xi32>], vector<16xf32>,
        %get3A_102 = arith.index_cast %add3A_54 : i32 to index
        %get3A_103 = arith.constant 64 : index
        %get3A_104 = tpu.vector_load %arg11[%get3A_102, %get3A_103] {strides = array<i32>} : memref<25x80xi32, #tpu.memory_space<vmem>>, vector<16xi32>,
        tpu.vector_store_idx %arg19[%get3A_104], %broadcast_in_dim3A_3 {add = true} : memref<10240xf32, #tpu.memory_space<vmem>>[vector<16xi32>], vector<16xf32>,
        %mul3A_105 = arith.constant 5 : i32
        %mul3A_106 = arith.muli %mul3A_105, %scan3A_50 : i32
        %add3A_107 = arith.constant 1 : i32
        %add3A_108 = arith.addi %mul3A_106, %add3A_107 : i32
        %dma_wait3A_109 = arith.constant 0 : i32
        %dma_wait3A_110 = arith.constant 0 : i32
        %dma_wait3A_111 = tpu.memref_slice %arg11[%dma_wait3A_109, %dma_wait3A_110] : memref<25x80xi32, #tpu.memory_space<vmem>> -> memref<1x80xi32, #tpu.memory_space<vmem>>
        %dma_wait3A_112 = tpu.memref_squeeze %dma_wait3A_111 : memref<1x80xi32, #tpu.memory_space<vmem>> -> memref<80xi32, #tpu.memory_space<vmem>>
        %dma_wait3A_113 = arith.constant 0 : i32
        %dma_wait3A_114 = arith.constant 0 : i32
        %dma_wait3A_115 = tpu.memref_slice %arg2[%dma_wait3A_113, %dma_wait3A_114] : memref<10000x128xf32, #tpu.memory_space<hbm>> -> memref<10000x128xf32, #tpu.memory_space<hbm>>
        tpu.wait_indirect_dma semaphore(%arg21 : memref<!tpu.dma_semaphore, #tpu.memory_space<semaphore_mem>>) src(%dma_wait3A_115 : memref<10000x128xf32, #tpu.memory_space<hbm>>) dst(%arg14 : memref<80x128xf32, #tpu.memory_space<vmem>>)
        %dma_start3A_116 = arith.constant 0 : i32
        %dma_start3A_117 = tpu.memref_slice %arg12[%add3A_108, %dma_start3A_116] : memref<25x80xi32, #tpu.memory_space<vmem>> -> memref<1x80xi32, #tpu.memory_space<vmem>>
        %dma_start3A_118 = tpu.memref_squeeze %dma_start3A_117 : memref<1x80xi32, #tpu.memory_space<vmem>> -> memref<80xi32, #tpu.memory_space<vmem>>
        %dma_start3A_119 = arith.constant 0 : i32
        %dma_start3A_120 = arith.constant 0 : i32
        %dma_start3A_121 = tpu.memref_slice %arg10[%dma_start3A_119, %dma_start3A_120] : memref<5120x128xf32, #tpu.memory_space<vmem_shared>> -> memref<5120x128xf32, #tpu.memory_space<vmem_shared>>
        tpu.enqueue_indirect_dma source(%arg14 : memref<80x128xf32, #tpu.memory_space<vmem>>) target(%dma_start3A_121 : memref<5120x128xf32, #tpu.memory_space<vmem_shared>>) offsets(%dma_start3A_118 : memref<80xi32, #tpu.memory_space<vmem>>) semaphore(%arg26 : memref<!tpu.dma_semaphore, #tpu.memory_space<semaphore_mem>>) {add = true}
        %ge3A_122 = arith.constant 3 : i32
        %ge3A_123 = arith.cmpi sge, %add3A_108, %ge3A_122 : i32
        %convert_element_type3A_124 = arith.extui %ge3A_123 : i1 to i32
        %cond3A_125 = arith.constant 0 : i32
        %cond3A_126 = arith.cmpi ne, %convert_element_type3A_124, %cond3A_125 : i32
        scf.if %cond3A_126 {
          %dma_wait3A_341 = arith.constant 0 : i32
          %dma_wait3A_342 = arith.constant 0 : i32
          %dma_wait3A_343 = tpu.memref_slice %arg12[%dma_wait3A_341, %dma_wait3A_342] : memref<25x80xi32, #tpu.memory_space<vmem>> -> memref<1x80xi32, #tpu.memory_space<vmem>>
          %dma_wait3A_344 = tpu.memref_squeeze %dma_wait3A_343 : memref<1x80xi32, #tpu.memory_space<vmem>> -> memref<80xi32, #tpu.memory_space<vmem>>
          %dma_wait3A_345 = arith.constant 0 : i32
          %dma_wait3A_346 = arith.constant 0 : i32
          %dma_wait3A_347 = tpu.memref_slice %arg10[%dma_wait3A_345, %dma_wait3A_346] : memref<5120x128xf32, #tpu.memory_space<vmem_shared>> -> memref<5120x128xf32, #tpu.memory_space<vmem_shared>>
          tpu.wait_indirect_dma semaphore(%arg28 : memref<!tpu.dma_semaphore, #tpu.memory_space<semaphore_mem>>) src(%arg16 : memref<80x128xf32, #tpu.memory_space<vmem>>) dst(%dma_wait3A_347 : memref<5120x128xf32, #tpu.memory_space<vmem_shared>>)
        } else {
        }
        %add3A_127 = arith.constant 2 : i32
        %add3A_128 = arith.addi %add3A_108, %add3A_127 : i32
        %lt3A_129 = arith.constant 25 : i32
        %lt3A_130 = arith.cmpi slt, %add3A_128, %lt3A_129 : i32
        %convert_element_type3A_131 = arith.extui %lt3A_130 : i1 to i32
        %cond3A_132 = arith.constant 0 : i32
        %cond3A_133 = arith.cmpi ne, %convert_element_type3A_131, %cond3A_132 : i32
        scf.if %cond3A_133 {
          %add3A_341 = arith.constant 2 : i32
          %add3A_342 = arith.addi %add3A_108, %add3A_341 : i32
          %dma_start3A_343 = arith.constant 0 : i32
          %dma_start3A_344 = tpu.memref_slice %arg11[%add3A_342, %dma_start3A_343] : memref<25x80xi32, #tpu.memory_space<vmem>> -> memref<1x80xi32, #tpu.memory_space<vmem>>
          %dma_start3A_345 = tpu.memref_squeeze %dma_start3A_344 : memref<1x80xi32, #tpu.memory_space<vmem>> -> memref<80xi32, #tpu.memory_space<vmem>>
          %dma_start3A_346 = arith.constant 0 : i32
          %dma_start3A_347 = arith.constant 0 : i32
          %dma_start3A_348 = tpu.memref_slice %arg2[%dma_start3A_346, %dma_start3A_347] : memref<10000x128xf32, #tpu.memory_space<hbm>> -> memref<10000x128xf32, #tpu.memory_space<hbm>>
          tpu.enqueue_indirect_dma source(%dma_start3A_348 : memref<10000x128xf32, #tpu.memory_space<hbm>>) target(%arg16 : memref<80x128xf32, #tpu.memory_space<vmem>>) offsets(%dma_start3A_345 : memref<80xi32, #tpu.memory_space<vmem>>) semaphore(%arg23 : memref<!tpu.dma_semaphore, #tpu.memory_space<semaphore_mem>>)
        } else {
        }
        %get3A_134 = arith.index_cast %add3A_108 : i32 to index
        %get3A_135 = arith.constant 0 : index
        %get3A_136 = tpu.vector_load %arg12[%get3A_134, %get3A_135] {strides = array<i32>} : memref<25x80xi32, #tpu.memory_space<vmem>>, vector<16xi32>,
        tpu.vector_store_idx %arg18[%get3A_136], %broadcast_in_dim3A_3 {add = true} : memref<5120xf32, #tpu.memory_space<vmem>>[vector<16xi32>], vector<16xf32>,
        %get3A_137 = arith.index_cast %add3A_108 : i32 to index
        %get3A_138 = arith.constant 0 : index
        %get3A_139 = tpu.vector_load %arg11[%get3A_137, %get3A_138] {strides = array<i32>} : memref<25x80xi32, #tpu.memory_space<vmem>>, vector<16xi32>,
        tpu.vector_store_idx %arg19[%get3A_139], %broadcast_in_dim3A_3 {add = true} : memref<10240xf32, #tpu.memory_space<vmem>>[vector<16xi32>], vector<16xf32>,
        %get3A_140 = arith.index_cast %add3A_108 : i32 to index
        %get3A_141 = arith.constant 16 : index
        %get3A_142 = tpu.vector_load %arg12[%get3A_140, %get3A_141] {strides = array<i32>} : memref<25x80xi32, #tpu.memory_space<vmem>>, vector<16xi32>,
        tpu.vector_store_idx %arg18[%get3A_142], %broadcast_in_dim3A_3 {add = true} : memref<5120xf32, #tpu.memory_space<vmem>>[vector<16xi32>], vector<16xf32>,
        %get3A_143 = arith.index_cast %add3A_108 : i32 to index
        %get3A_144 = arith.constant 16 : index
        %get3A_145 = tpu.vector_load %arg11[%get3A_143, %get3A_144] {strides = array<i32>} : memref<25x80xi32, #tpu.memory_space<vmem>>, vector<16xi32>,
        tpu.vector_store_idx %arg19[%get3A_145], %broadcast_in_dim3A_3 {add = true} : memref<10240xf32, #tpu.memory_space<vmem>>[vector<16xi32>], vector<16xf32>,
        %get3A_146 = arith.index_cast %add3A_108 : i32 to index
        %get3A_147 = arith.constant 32 : index
        %get3A_148 = tpu.vector_load %arg12[%get3A_146, %get3A_147] {strides = array<i32>} : memref<25x80xi32, #tpu.memory_space<vmem>>, vector<16xi32>,
        tpu.vector_store_idx %arg18[%get3A_148], %broadcast_in_dim3A_3 {add = true} : memref<5120xf32, #tpu.memory_space<vmem>>[vector<16xi32>], vector<16xf32>,
        %get3A_149 = arith.index_cast %add3A_108 : i32 to index
        %get3A_150 = arith.constant 32 : index
        %get3A_151 = tpu.vector_load %arg11[%get3A_149, %get3A_150] {strides = array<i32>} : memref<25x80xi32, #tpu.memory_space<vmem>>, vector<16xi32>,
        tpu.vector_store_idx %arg19[%get3A_151], %broadcast_in_dim3A_3 {add = true} : memref<10240xf32, #tpu.memory_space<vmem>>[vector<16xi32>], vector<16xf32>,
        %get3A_152 = arith.index_cast %add3A_108 : i32 to index
        %get3A_153 = arith.constant 48 : index
        %get3A_154 = tpu.vector_load %arg12[%get3A_152, %get3A_153] {strides = array<i32>} : memref<25x80xi32, #tpu.memory_space<vmem>>, vector<16xi32>,
        tpu.vector_store_idx %arg18[%get3A_154], %broadcast_in_dim3A_3 {add = true} : memref<5120xf32, #tpu.memory_space<vmem>>[vector<16xi32>], vector<16xf32>,
        %get3A_155 = arith.index_cast %add3A_108 : i32 to index
        %get3A_156 = arith.constant 48 : index
        %get3A_157 = tpu.vector_load %arg11[%get3A_155, %get3A_156] {strides = array<i32>} : memref<25x80xi32, #tpu.memory_space<vmem>>, vector<16xi32>,
        tpu.vector_store_idx %arg19[%get3A_157], %broadcast_in_dim3A_3 {add = true} : memref<10240xf32, #tpu.memory_space<vmem>>[vector<16xi32>], vector<16xf32>,
        %get3A_158 = arith.index_cast %add3A_108 : i32 to index
        %get3A_159 = arith.constant 64 : index
        %get3A_160 = tpu.vector_load %arg12[%get3A_158, %get3A_159] {strides = array<i32>} : memref<25x80xi32, #tpu.memory_space<vmem>>, vector<16xi32>,
        tpu.vector_store_idx %arg18[%get3A_160], %broadcast_in_dim3A_3 {add = true} : memref<5120xf32, #tpu.memory_space<vmem>>[vector<16xi32>], vector<16xf32>,
        %get3A_161 = arith.index_cast %add3A_108 : i32 to index
        %get3A_162 = arith.constant 64 : index
        %get3A_163 = tpu.vector_load %arg11[%get3A_161, %get3A_162] {strides = array<i32>} : memref<25x80xi32, #tpu.memory_space<vmem>>, vector<16xi32>,
        tpu.vector_store_idx %arg19[%get3A_163], %broadcast_in_dim3A_3 {add = true} : memref<10240xf32, #tpu.memory_space<vmem>>[vector<16xi32>], vector<16xf32>,
        %mul3A_164 = arith.constant 5 : i32
        %mul3A_165 = arith.muli %mul3A_164, %scan3A_50 : i32
        %add3A_166 = arith.constant 2 : i32
        %add3A_167 = arith.addi %mul3A_165, %add3A_166 : i32
        %dma_wait3A_168 = arith.constant 0 : i32
        %dma_wait3A_169 = arith.constant 0 : i32
        %dma_wait3A_170 = tpu.memref_slice %arg11[%dma_wait3A_168, %dma_wait3A_169] : memref<25x80xi32, #tpu.memory_space<vmem>> -> memref<1x80xi32, #tpu.memory_space<vmem>>
        %dma_wait3A_171 = tpu.memref_squeeze %dma_wait3A_170 : memref<1x80xi32, #tpu.memory_space<vmem>> -> memref<80xi32, #tpu.memory_space<vmem>>
        %dma_wait3A_172 = arith.constant 0 : i32
        %dma_wait3A_173 = arith.constant 0 : i32
        %dma_wait3A_174 = tpu.memref_slice %arg2[%dma_wait3A_172, %dma_wait3A_173] : memref<10000x128xf32, #tpu.memory_space<hbm>> -> memref<10000x128xf32, #tpu.memory_space<hbm>>
        tpu.wait_indirect_dma semaphore(%arg22 : memref<!tpu.dma_semaphore, #tpu.memory_space<semaphore_mem>>) src(%dma_wait3A_174 : memref<10000x128xf32, #tpu.memory_space<hbm>>) dst(%arg15 : memref<80x128xf32, #tpu.memory_space<vmem>>)
        %dma_start3A_175 = arith.constant 0 : i32
        %dma_start3A_176 = tpu.memref_slice %arg12[%add3A_167, %dma_start3A_175] : memref<25x80xi32, #tpu.memory_space<vmem>> -> memref<1x80xi32, #tpu.memory_space<vmem>>
        %dma_start3A_177 = tpu.memref_squeeze %dma_start3A_176 : memref<1x80xi32, #tpu.memory_space<vmem>> -> memref<80xi32, #tpu.memory_space<vmem>>
        %dma_start3A_178 = arith.constant 0 : i32
        %dma_start3A_179 = arith.constant 0 : i32
        %dma_start3A_180 = tpu.memref_slice %arg10[%dma_start3A_178, %dma_start3A_179] : memref<5120x128xf32, #tpu.memory_space<vmem_shared>> -> memref<5120x128xf32, #tpu.memory_space<vmem_shared>>
        tpu.enqueue_indirect_dma source(%arg15 : memref<80x128xf32, #tpu.memory_space<vmem>>) target(%dma_start3A_180 : memref<5120x128xf32, #tpu.memory_space<vmem_shared>>) offsets(%dma_start3A_177 : memref<80xi32, #tpu.memory_space<vmem>>) semaphore(%arg27 : memref<!tpu.dma_semaphore, #tpu.memory_space<semaphore_mem>>) {add = true}
        %ge3A_181 = arith.constant 3 : i32
        %ge3A_182 = arith.cmpi sge, %add3A_167, %ge3A_181 : i32
        %convert_element_type3A_183 = arith.extui %ge3A_182 : i1 to i32
        %cond3A_184 = arith.constant 0 : i32
        %cond3A_185 = arith.cmpi ne, %convert_element_type3A_183, %cond3A_184 : i32
        scf.if %cond3A_185 {
          %dma_wait3A_341 = arith.constant 0 : i32
          %dma_wait3A_342 = arith.constant 0 : i32
          %dma_wait3A_343 = tpu.memref_slice %arg12[%dma_wait3A_341, %dma_wait3A_342] : memref<25x80xi32, #tpu.memory_space<vmem>> -> memref<1x80xi32, #tpu.memory_space<vmem>>
          %dma_wait3A_344 = tpu.memref_squeeze %dma_wait3A_343 : memref<1x80xi32, #tpu.memory_space<vmem>> -> memref<80xi32, #tpu.memory_space<vmem>>
          %dma_wait3A_345 = arith.constant 0 : i32
          %dma_wait3A_346 = arith.constant 0 : i32
          %dma_wait3A_347 = tpu.memref_slice %arg10[%dma_wait3A_345, %dma_wait3A_346] : memref<5120x128xf32, #tpu.memory_space<vmem_shared>> -> memref<5120x128xf32, #tpu.memory_space<vmem_shared>>
          tpu.wait_indirect_dma semaphore(%arg29 : memref<!tpu.dma_semaphore, #tpu.memory_space<semaphore_mem>>) src(%arg17 : memref<80x128xf32, #tpu.memory_space<vmem>>) dst(%dma_wait3A_347 : memref<5120x128xf32, #tpu.memory_space<vmem_shared>>)
        } else {
        }
        %add3A_186 = arith.constant 2 : i32
        %add3A_187 = arith.addi %add3A_167, %add3A_186 : i32
        %lt3A_188 = arith.constant 25 : i32
        %lt3A_189 = arith.cmpi slt, %add3A_187, %lt3A_188 : i32
        %convert_element_type3A_190 = arith.extui %lt3A_189 : i1 to i32
        %cond3A_191 = arith.constant 0 : i32
        %cond3A_192 = arith.cmpi ne, %convert_element_type3A_190, %cond3A_191 : i32
        scf.if %cond3A_192 {
          %add3A_341 = arith.constant 2 : i32
          %add3A_342 = arith.addi %add3A_167, %add3A_341 : i32
          %dma_start3A_343 = arith.constant 0 : i32
          %dma_start3A_344 = tpu.memref_slice %arg11[%add3A_342, %dma_start3A_343] : memref<25x80xi32, #tpu.memory_space<vmem>> -> memref<1x80xi32, #tpu.memory_space<vmem>>
          %dma_start3A_345 = tpu.memref_squeeze %dma_start3A_344 : memref<1x80xi32, #tpu.memory_space<vmem>> -> memref<80xi32, #tpu.memory_space<vmem>>
          %dma_start3A_346 = arith.constant 0 : i32
          %dma_start3A_347 = arith.constant 0 : i32
          %dma_start3A_348 = tpu.memref_slice %arg2[%dma_start3A_346, %dma_start3A_347] : memref<10000x128xf32, #tpu.memory_space<hbm>> -> memref<10000x128xf32, #tpu.memory_space<hbm>>
          tpu.enqueue_indirect_dma source(%dma_start3A_348 : memref<10000x128xf32, #tpu.memory_space<hbm>>) target(%arg17 : memref<80x128xf32, #tpu.memory_space<vmem>>) offsets(%dma_start3A_345 : memref<80xi32, #tpu.memory_space<vmem>>) semaphore(%arg24 : memref<!tpu.dma_semaphore, #tpu.memory_space<semaphore_mem>>)
        } else {
        }
        %get3A_193 = arith.index_cast %add3A_167 : i32 to index
        %get3A_194 = arith.constant 0 : index
        %get3A_195 = tpu.vector_load %arg12[%get3A_193, %get3A_194] {strides = array<i32>} : memref<25x80xi32, #tpu.memory_space<vmem>>, vector<16xi32>,
        tpu.vector_store_idx %arg18[%get3A_195], %broadcast_in_dim3A_3 {add = true} : memref<5120xf32, #tpu.memory_space<vmem>>[vector<16xi32>], vector<16xf32>,
        %get3A_196 = arith.index_cast %add3A_167 : i32 to index
        %get3A_197 = arith.constant 0 : index
        %get3A_198 = tpu.vector_load %arg11[%get3A_196, %get3A_197] {strides = array<i32>} : memref<25x80xi32, #tpu.memory_space<vmem>>, vector<16xi32>,
        tpu.vector_store_idx %arg19[%get3A_198], %broadcast_in_dim3A_3 {add = true} : memref<10240xf32, #tpu.memory_space<vmem>>[vector<16xi32>], vector<16xf32>,
        %get3A_199 = arith.index_cast %add3A_167 : i32 to index
        %get3A_200 = arith.constant 16 : index
        %get3A_201 = tpu.vector_load %arg12[%get3A_199, %get3A_200] {strides = array<i32>} : memref<25x80xi32, #tpu.memory_space<vmem>>, vector<16xi32>,
        tpu.vector_store_idx %arg18[%get3A_201], %broadcast_in_dim3A_3 {add = true} : memref<5120xf32, #tpu.memory_space<vmem>>[vector<16xi32>], vector<16xf32>,
        %get3A_202 = arith.index_cast %add3A_167 : i32 to index
        %get3A_203 = arith.constant 16 : index
        %get3A_204 = tpu.vector_load %arg11[%get3A_202, %get3A_203] {strides = array<i32>} : memref<25x80xi32, #tpu.memory_space<vmem>>, vector<16xi32>,
        tpu.vector_store_idx %arg19[%get3A_204], %broadcast_in_dim3A_3 {add = true} : memref<10240xf32, #tpu.memory_space<vmem>>[vector<16xi32>], vector<16xf32>,
        %get3A_205 = arith.index_cast %add3A_167 : i32 to index
        %get3A_206 = arith.constant 32 : index
        %get3A_207 = tpu.vector_load %arg12[%get3A_205, %get3A_206] {strides = array<i32>} : memref<25x80xi32, #tpu.memory_space<vmem>>, vector<16xi32>,
        tpu.vector_store_idx %arg18[%get3A_207], %broadcast_in_dim3A_3 {add = true} : memref<5120xf32, #tpu.memory_space<vmem>>[vector<16xi32>], vector<16xf32>,
        %get3A_208 = arith.index_cast %add3A_167 : i32 to index
        %get3A_209 = arith.constant 32 : index
        %get3A_210 = tpu.vector_load %arg11[%get3A_208, %get3A_209] {strides = array<i32>} : memref<25x80xi32, #tpu.memory_space<vmem>>, vector<16xi32>,
        tpu.vector_store_idx %arg19[%get3A_210], %broadcast_in_dim3A_3 {add = true} : memref<10240xf32, #tpu.memory_space<vmem>>[vector<16xi32>], vector<16xf32>,
        %get3A_211 = arith.index_cast %add3A_167 : i32 to index
        %get3A_212 = arith.constant 48 : index
        %get3A_213 = tpu.vector_load %arg12[%get3A_211, %get3A_212] {strides = array<i32>} : memref<25x80xi32, #tpu.memory_space<vmem>>, vector<16xi32>,
        tpu.vector_store_idx %arg18[%get3A_213], %broadcast_in_dim3A_3 {add = true} : memref<5120xf32, #tpu.memory_space<vmem>>[vector<16xi32>], vector<16xf32>,
        %get3A_214 = arith.index_cast %add3A_167 : i32 to index
        %get3A_215 = arith.constant 48 : index
        %get3A_216 = tpu.vector_load %arg11[%get3A_214, %get3A_215] {strides = array<i32>} : memref<25x80xi32, #tpu.memory_space<vmem>>, vector<16xi32>,
        tpu.vector_store_idx %arg19[%get3A_216], %broadcast_in_dim3A_3 {add = true} : memref<10240xf32, #tpu.memory_space<vmem>>[vector<16xi32>], vector<16xf32>,
        %get3A_217 = arith.index_cast %add3A_167 : i32 to index
        %get3A_218 = arith.constant 64 : index
        %get3A_219 = tpu.vector_load %arg12[%get3A_217, %get3A_218] {strides = array<i32>} : memref<25x80xi32, #tpu.memory_space<vmem>>, vector<16xi32>,
        tpu.vector_store_idx %arg18[%get3A_219], %broadcast_in_dim3A_3 {add = true} : memref<5120xf32, #tpu.memory_space<vmem>>[vector<16xi32>], vector<16xf32>,
        %get3A_220 = arith.index_cast %add3A_167 : i32 to index
        %get3A_221 = arith.constant 64 : index
        %get3A_222 = tpu.vector_load %arg11[%get3A_220, %get3A_221] {strides = array<i32>} : memref<25x80xi32, #tpu.memory_space<vmem>>, vector<16xi32>,
        tpu.vector_store_idx %arg19[%get3A_222], %broadcast_in_dim3A_3 {add = true} : memref<10240xf32, #tpu.memory_space<vmem>>[vector<16xi32>], vector<16xf32>,
        %mul3A_223 = arith.constant 5 : i32
        %mul3A_224 = arith.muli %mul3A_223, %scan3A_50 : i32
        %add3A_225 = arith.constant 3 : i32
        %add3A_226 = arith.addi %mul3A_224, %add3A_225 : i32
        %dma_wait3A_227 = arith.constant 0 : i32
        %dma_wait3A_228 = arith.constant 0 : i32
        %dma_wait3A_229 = tpu.memref_slice %arg11[%dma_wait3A_227, %dma_wait3A_228] : memref<25x80xi32, #tpu.memory_space<vmem>> -> memref<1x80xi32, #tpu.memory_space<vmem>>
        %dma_wait3A_230 = tpu.memref_squeeze %dma_wait3A_229 : memref<1x80xi32, #tpu.memory_space<vmem>> -> memref<80xi32, #tpu.memory_space<vmem>>
        %dma_wait3A_231 = arith.constant 0 : i32
        %dma_wait3A_232 = arith.constant 0 : i32
        %dma_wait3A_233 = tpu.memref_slice %arg2[%dma_wait3A_231, %dma_wait3A_232] : memref<10000x128xf32, #tpu.memory_space<hbm>> -> memref<10000x128xf32, #tpu.memory_space<hbm>>
        tpu.wait_indirect_dma semaphore(%arg23 : memref<!tpu.dma_semaphore, #tpu.memory_space<semaphore_mem>>) src(%dma_wait3A_233 : memref<10000x128xf32, #tpu.memory_space<hbm>>) dst(%arg16 : memref<80x128xf32, #tpu.memory_space<vmem>>)
        %dma_start3A_234 = arith.constant 0 : i32
        %dma_start3A_235 = tpu.memref_slice %arg12[%add3A_226, %dma_start3A_234] : memref<25x80xi32, #tpu.memory_space<vmem>> -> memref<1x80xi32, #tpu.memory_space<vmem>>
        %dma_start3A_236 = tpu.memref_squeeze %dma_start3A_235 : memref<1x80xi32, #tpu.memory_space<vmem>> -> memref<80xi32, #tpu.memory_space<vmem>>
        %dma_start3A_237 = arith.constant 0 : i32
        %dma_start3A_238 = arith.constant 0 : i32
        %dma_start3A_239 = tpu.memref_slice %arg10[%dma_start3A_237, %dma_start3A_238] : memref<5120x128xf32, #tpu.memory_space<vmem_shared>> -> memref<5120x128xf32, #tpu.memory_space<vmem_shared>>
        tpu.enqueue_indirect_dma source(%arg16 : memref<80x128xf32, #tpu.memory_space<vmem>>) target(%dma_start3A_239 : memref<5120x128xf32, #tpu.memory_space<vmem_shared>>) offsets(%dma_start3A_236 : memref<80xi32, #tpu.memory_space<vmem>>) semaphore(%arg28 : memref<!tpu.dma_semaphore, #tpu.memory_space<semaphore_mem>>) {add = true}
        %ge3A_240 = arith.constant 3 : i32
        %ge3A_241 = arith.cmpi sge, %add3A_226, %ge3A_240 : i32
        %convert_element_type3A_242 = arith.extui %ge3A_241 : i1 to i32
        %cond3A_243 = arith.constant 0 : i32
        %cond3A_244 = arith.cmpi ne, %convert_element_type3A_242, %cond3A_243 : i32
        scf.if %cond3A_244 {
          %dma_wait3A_341 = arith.constant 0 : i32
          %dma_wait3A_342 = arith.constant 0 : i32
          %dma_wait3A_343 = tpu.memref_slice %arg12[%dma_wait3A_341, %dma_wait3A_342] : memref<25x80xi32, #tpu.memory_space<vmem>> -> memref<1x80xi32, #tpu.memory_space<vmem>>
          %dma_wait3A_344 = tpu.memref_squeeze %dma_wait3A_343 : memref<1x80xi32, #tpu.memory_space<vmem>> -> memref<80xi32, #tpu.memory_space<vmem>>
          %dma_wait3A_345 = arith.constant 0 : i32
          %dma_wait3A_346 = arith.constant 0 : i32
          %dma_wait3A_347 = tpu.memref_slice %arg10[%dma_wait3A_345, %dma_wait3A_346] : memref<5120x128xf32, #tpu.memory_space<vmem_shared>> -> memref<5120x128xf32, #tpu.memory_space<vmem_shared>>
          tpu.wait_indirect_dma semaphore(%arg25 : memref<!tpu.dma_semaphore, #tpu.memory_space<semaphore_mem>>) src(%arg13 : memref<80x128xf32, #tpu.memory_space<vmem>>) dst(%dma_wait3A_347 : memref<5120x128xf32, #tpu.memory_space<vmem_shared>>)
        } else {
        }
        %add3A_245 = arith.constant 2 : i32
        %add3A_246 = arith.addi %add3A_226, %add3A_245 : i32
        %lt3A_247 = arith.constant 25 : i32
        %lt3A_248 = arith.cmpi slt, %add3A_246, %lt3A_247 : i32
        %convert_element_type3A_249 = arith.extui %lt3A_248 : i1 to i32
        %cond3A_250 = arith.constant 0 : i32
        %cond3A_251 = arith.cmpi ne, %convert_element_type3A_249, %cond3A_250 : i32
        scf.if %cond3A_251 {
          %add3A_341 = arith.constant 2 : i32
          %add3A_342 = arith.addi %add3A_226, %add3A_341 : i32
          %dma_start3A_343 = arith.constant 0 : i32
          %dma_start3A_344 = tpu.memref_slice %arg11[%add3A_342, %dma_start3A_343] : memref<25x80xi32, #tpu.memory_space<vmem>> -> memref<1x80xi32, #tpu.memory_space<vmem>>
          %dma_start3A_345 = tpu.memref_squeeze %dma_start3A_344 : memref<1x80xi32, #tpu.memory_space<vmem>> -> memref<80xi32, #tpu.memory_space<vmem>>
          %dma_start3A_346 = arith.constant 0 : i32
          %dma_start3A_347 = arith.constant 0 : i32
          %dma_start3A_348 = tpu.memref_slice %arg2[%dma_start3A_346, %dma_start3A_347] : memref<10000x128xf32, #tpu.memory_space<hbm>> -> memref<10000x128xf32, #tpu.memory_space<hbm>>
          tpu.enqueue_indirect_dma source(%dma_start3A_348 : memref<10000x128xf32, #tpu.memory_space<hbm>>) target(%arg13 : memref<80x128xf32, #tpu.memory_space<vmem>>) offsets(%dma_start3A_345 : memref<80xi32, #tpu.memory_space<vmem>>) semaphore(%arg20 : memref<!tpu.dma_semaphore, #tpu.memory_space<semaphore_mem>>)
        } else {
        }
        %get3A_252 = arith.index_cast %add3A_226 : i32 to index
        %get3A_253 = arith.constant 0 : index
        %get3A_254 = tpu.vector_load %arg12[%get3A_252, %get3A_253] {strides = array<i32>} : memref<25x80xi32, #tpu.memory_space<vmem>>, vector<16xi32>,
        tpu.vector_store_idx %arg18[%get3A_254], %broadcast_in_dim3A_3 {add = true} : memref<5120xf32, #tpu.memory_space<vmem>>[vector<16xi32>], vector<16xf32>,
        %get3A_255 = arith.index_cast %add3A_226 : i32 to index
        %get3A_256 = arith.constant 0 : index
        %get3A_257 = tpu.vector_load %arg11[%get3A_255, %get3A_256] {strides = array<i32>} : memref<25x80xi32, #tpu.memory_space<vmem>>, vector<16xi32>,
        tpu.vector_store_idx %arg19[%get3A_257], %broadcast_in_dim3A_3 {add = true} : memref<10240xf32, #tpu.memory_space<vmem>>[vector<16xi32>], vector<16xf32>,
        %get3A_258 = arith.index_cast %add3A_226 : i32 to index
        %get3A_259 = arith.constant 16 : index
        %get3A_260 = tpu.vector_load %arg12[%get3A_258, %get3A_259] {strides = array<i32>} : memref<25x80xi32, #tpu.memory_space<vmem>>, vector<16xi32>,
        tpu.vector_store_idx %arg18[%get3A_260], %broadcast_in_dim3A_3 {add = true} : memref<5120xf32, #tpu.memory_space<vmem>>[vector<16xi32>], vector<16xf32>,
        %get3A_261 = arith.index_cast %add3A_226 : i32 to index
        %get3A_262 = arith.constant 16 : index
        %get3A_263 = tpu.vector_load %arg11[%get3A_261, %get3A_262] {strides = array<i32>} : memref<25x80xi32, #tpu.memory_space<vmem>>, vector<16xi32>,
        tpu.vector_store_idx %arg19[%get3A_263], %broadcast_in_dim3A_3 {add = true} : memref<10240xf32, #tpu.memory_space<vmem>>[vector<16xi32>], vector<16xf32>,
        %get3A_264 = arith.index_cast %add3A_226 : i32 to index
        %get3A_265 = arith.constant 32 : index
        %get3A_266 = tpu.vector_load %arg12[%get3A_264, %get3A_265] {strides = array<i32>} : memref<25x80xi32, #tpu.memory_space<vmem>>, vector<16xi32>,
        tpu.vector_store_idx %arg18[%get3A_266], %broadcast_in_dim3A_3 {add = true} : memref<5120xf32, #tpu.memory_space<vmem>>[vector<16xi32>], vector<16xf32>,
        %get3A_267 = arith.index_cast %add3A_226 : i32 to index
        %get3A_268 = arith.constant 32 : index
        %get3A_269 = tpu.vector_load %arg11[%get3A_267, %get3A_268] {strides = array<i32>} : memref<25x80xi32, #tpu.memory_space<vmem>>, vector<16xi32>,
        tpu.vector_store_idx %arg19[%get3A_269], %broadcast_in_dim3A_3 {add = true} : memref<10240xf32, #tpu.memory_space<vmem>>[vector<16xi32>], vector<16xf32>,
        %get3A_270 = arith.index_cast %add3A_226 : i32 to index
        %get3A_271 = arith.constant 48 : index
        %get3A_272 = tpu.vector_load %arg12[%get3A_270, %get3A_271] {strides = array<i32>} : memref<25x80xi32, #tpu.memory_space<vmem>>, vector<16xi32>,
        tpu.vector_store_idx %arg18[%get3A_272], %broadcast_in_dim3A_3 {add = true} : memref<5120xf32, #tpu.memory_space<vmem>>[vector<16xi32>], vector<16xf32>,
        %get3A_273 = arith.index_cast %add3A_226 : i32 to index
        %get3A_274 = arith.constant 48 : index
        %get3A_275 = tpu.vector_load %arg11[%get3A_273, %get3A_274] {strides = array<i32>} : memref<25x80xi32, #tpu.memory_space<vmem>>, vector<16xi32>,
        tpu.vector_store_idx %arg19[%get3A_275], %broadcast_in_dim3A_3 {add = true} : memref<10240xf32, #tpu.memory_space<vmem>>[vector<16xi32>], vector<16xf32>,
        %get3A_276 = arith.index_cast %add3A_226 : i32 to index
        %get3A_277 = arith.constant 64 : index
        %get3A_278 = tpu.vector_load %arg12[%get3A_276, %get3A_277] {strides = array<i32>} : memref<25x80xi32, #tpu.memory_space<vmem>>, vector<16xi32>,
        tpu.vector_store_idx %arg18[%get3A_278], %broadcast_in_dim3A_3 {add = true} : memref<5120xf32, #tpu.memory_space<vmem>>[vector<16xi32>], vector<16xf32>,
        %get3A_279 = arith.index_cast %add3A_226 : i32 to index
        %get3A_280 = arith.constant 64 : index
        %get3A_281 = tpu.vector_load %arg11[%get3A_279, %get3A_280] {strides = array<i32>} : memref<25x80xi32, #tpu.memory_space<vmem>>, vector<16xi32>,
        tpu.vector_store_idx %arg19[%get3A_281], %broadcast_in_dim3A_3 {add = true} : memref<10240xf32, #tpu.memory_space<vmem>>[vector<16xi32>], vector<16xf32>,
        %mul3A_282 = arith.constant 5 : i32
        %mul3A_283 = arith.muli %mul3A_282, %scan3A_50 : i32
        %add3A_284 = arith.constant 4 : i32
        %add3A_285 = arith.addi %mul3A_283, %add3A_284 : i32
        %dma_wait3A_286 = arith.constant 0 : i32
        %dma_wait3A_287 = arith.constant 0 : i32
        %dma_wait3A_288 = tpu.memref_slice %arg11[%dma_wait3A_286, %dma_wait3A_287] : memref<25x80xi32, #tpu.memory_space<vmem>> -> memref<1x80xi32, #tpu.memory_space<vmem>>
        %dma_wait3A_289 = tpu.memref_squeeze %dma_wait3A_288 : memref<1x80xi32, #tpu.memory_space<vmem>> -> memref<80xi32, #tpu.memory_space<vmem>>
        %dma_wait3A_290 = arith.constant 0 : i32
        %dma_wait3A_291 = arith.constant 0 : i32
        %dma_wait3A_292 = tpu.memref_slice %arg2[%dma_wait3A_290, %dma_wait3A_291] : memref<10000x128xf32, #tpu.memory_space<hbm>> -> memref<10000x128xf32, #tpu.memory_space<hbm>>
        tpu.wait_indirect_dma semaphore(%arg24 : memref<!tpu.dma_semaphore, #tpu.memory_space<semaphore_mem>>) src(%dma_wait3A_292 : memref<10000x128xf32, #tpu.memory_space<hbm>>) dst(%arg17 : memref<80x128xf32, #tpu.memory_space<vmem>>)
        %dma_start3A_293 = arith.constant 0 : i32
        %dma_start3A_294 = tpu.memref_slice %arg12[%add3A_285, %dma_start3A_293] : memref<25x80xi32, #tpu.memory_space<vmem>> -> memref<1x80xi32, #tpu.memory_space<vmem>>
        %dma_start3A_295 = tpu.memref_squeeze %dma_start3A_294 : memref<1x80xi32, #tpu.memory_space<vmem>> -> memref<80xi32, #tpu.memory_space<vmem>>
        %dma_start3A_296 = arith.constant 0 : i32
        %dma_start3A_297 = arith.constant 0 : i32
        %dma_start3A_298 = tpu.memref_slice %arg10[%dma_start3A_296, %dma_start3A_297] : memref<5120x128xf32, #tpu.memory_space<vmem_shared>> -> memref<5120x128xf32, #tpu.memory_space<vmem_shared>>
        tpu.enqueue_indirect_dma source(%arg17 : memref<80x128xf32, #tpu.memory_space<vmem>>) target(%dma_start3A_298 : memref<5120x128xf32, #tpu.memory_space<vmem_shared>>) offsets(%dma_start3A_295 : memref<80xi32, #tpu.memory_space<vmem>>) semaphore(%arg29 : memref<!tpu.dma_semaphore, #tpu.memory_space<semaphore_mem>>) {add = true}
        %ge3A_299 = arith.constant 3 : i32
        %ge3A_300 = arith.cmpi sge, %add3A_285, %ge3A_299 : i32
        %convert_element_type3A_301 = arith.extui %ge3A_300 : i1 to i32
        %cond3A_302 = arith.constant 0 : i32
        %cond3A_303 = arith.cmpi ne, %convert_element_type3A_301, %cond3A_302 : i32
        scf.if %cond3A_303 {
          %dma_wait3A_341 = arith.constant 0 : i32
          %dma_wait3A_342 = arith.constant 0 : i32
          %dma_wait3A_343 = tpu.memref_slice %arg12[%dma_wait3A_341, %dma_wait3A_342] : memref<25x80xi32, #tpu.memory_space<vmem>> -> memref<1x80xi32, #tpu.memory_space<vmem>>
          %dma_wait3A_344 = tpu.memref_squeeze %dma_wait3A_343 : memref<1x80xi32, #tpu.memory_space<vmem>> -> memref<80xi32, #tpu.memory_space<vmem>>
          %dma_wait3A_345 = arith.constant 0 : i32
          %dma_wait3A_346 = arith.constant 0 : i32
          %dma_wait3A_347 = tpu.memref_slice %arg10[%dma_wait3A_345, %dma_wait3A_346] : memref<5120x128xf32, #tpu.memory_space<vmem_shared>> -> memref<5120x128xf32, #tpu.memory_space<vmem_shared>>
          tpu.wait_indirect_dma semaphore(%arg26 : memref<!tpu.dma_semaphore, #tpu.memory_space<semaphore_mem>>) src(%arg14 : memref<80x128xf32, #tpu.memory_space<vmem>>) dst(%dma_wait3A_347 : memref<5120x128xf32, #tpu.memory_space<vmem_shared>>)
        } else {
        }
        %add3A_304 = arith.constant 2 : i32
        %add3A_305 = arith.addi %add3A_285, %add3A_304 : i32
        %lt3A_306 = arith.constant 25 : i32
        %lt3A_307 = arith.cmpi slt, %add3A_305, %lt3A_306 : i32
        %convert_element_type3A_308 = arith.extui %lt3A_307 : i1 to i32
        %cond3A_309 = arith.constant 0 : i32
        %cond3A_310 = arith.cmpi ne, %convert_element_type3A_308, %cond3A_309 : i32
        scf.if %cond3A_310 {
          %add3A_341 = arith.constant 2 : i32
          %add3A_342 = arith.addi %add3A_285, %add3A_341 : i32
          %dma_start3A_343 = arith.constant 0 : i32
          %dma_start3A_344 = tpu.memref_slice %arg11[%add3A_342, %dma_start3A_343] : memref<25x80xi32, #tpu.memory_space<vmem>> -> memref<1x80xi32, #tpu.memory_space<vmem>>
          %dma_start3A_345 = tpu.memref_squeeze %dma_start3A_344 : memref<1x80xi32, #tpu.memory_space<vmem>> -> memref<80xi32, #tpu.memory_space<vmem>>
          %dma_start3A_346 = arith.constant 0 : i32
          %dma_start3A_347 = arith.constant 0 : i32
          %dma_start3A_348 = tpu.memref_slice %arg2[%dma_start3A_346, %dma_start3A_347] : memref<10000x128xf32, #tpu.memory_space<hbm>> -> memref<10000x128xf32, #tpu.memory_space<hbm>>
          tpu.enqueue_indirect_dma source(%dma_start3A_348 : memref<10000x128xf32, #tpu.memory_space<hbm>>) target(%arg14 : memref<80x128xf32, #tpu.memory_space<vmem>>) offsets(%dma_start3A_345 : memref<80xi32, #tpu.memory_space<vmem>>) semaphore(%arg21 : memref<!tpu.dma_semaphore, #tpu.memory_space<semaphore_mem>>)
        } else {
        }
        %get3A_311 = arith.index_cast %add3A_285 : i32 to index
        %get3A_312 = arith.constant 0 : index
        %get3A_313 = tpu.vector_load %arg12[%get3A_311, %get3A_312] {strides = array<i32>} : memref<25x80xi32, #tpu.memory_space<vmem>>, vector<16xi32>,
        tpu.vector_store_idx %arg18[%get3A_313], %broadcast_in_dim3A_3 {add = true} : memref<5120xf32, #tpu.memory_space<vmem>>[vector<16xi32>], vector<16xf32>,
        %get3A_314 = arith.index_cast %add3A_285 : i32 to index
        %get3A_315 = arith.constant 0 : index
        %get3A_316 = tpu.vector_load %arg11[%get3A_314, %get3A_315] {strides = array<i32>} : memref<25x80xi32, #tpu.memory_space<vmem>>, vector<16xi32>,
        tpu.vector_store_idx %arg19[%get3A_316], %broadcast_in_dim3A_3 {add = true} : memref<10240xf32, #tpu.memory_space<vmem>>[vector<16xi32>], vector<16xf32>,
        %get3A_317 = arith.index_cast %add3A_285 : i32 to index
        %get3A_318 = arith.constant 16 : index
        %get3A_319 = tpu.vector_load %arg12[%get3A_317, %get3A_318] {strides = array<i32>} : memref<25x80xi32, #tpu.memory_space<vmem>>, vector<16xi32>,
        tpu.vector_store_idx %arg18[%get3A_319], %broadcast_in_dim3A_3 {add = true} : memref<5120xf32, #tpu.memory_space<vmem>>[vector<16xi32>], vector<16xf32>,
        %get3A_320 = arith.index_cast %add3A_285 : i32 to index
        %get3A_321 = arith.constant 16 : index
        %get3A_322 = tpu.vector_load %arg11[%get3A_320, %get3A_321] {strides = array<i32>} : memref<25x80xi32, #tpu.memory_space<vmem>>, vector<16xi32>,
        tpu.vector_store_idx %arg19[%get3A_322], %broadcast_in_dim3A_3 {add = true} : memref<10240xf32, #tpu.memory_space<vmem>>[vector<16xi32>], vector<16xf32>,
        %get3A_323 = arith.index_cast %add3A_285 : i32 to index
        %get3A_324 = arith.constant 32 : index
        %get3A_325 = tpu.vector_load %arg12[%get3A_323, %get3A_324] {strides = array<i32>} : memref<25x80xi32, #tpu.memory_space<vmem>>, vector<16xi32>,
        tpu.vector_store_idx %arg18[%get3A_325], %broadcast_in_dim3A_3 {add = true} : memref<5120xf32, #tpu.memory_space<vmem>>[vector<16xi32>], vector<16xf32>,
        %get3A_326 = arith.index_cast %add3A_285 : i32 to index
        %get3A_327 = arith.constant 32 : index
        %get3A_328 = tpu.vector_load %arg11[%get3A_326, %get3A_327] {strides = array<i32>} : memref<25x80xi32, #tpu.memory_space<vmem>>, vector<16xi32>,
        tpu.vector_store_idx %arg19[%get3A_328], %broadcast_in_dim3A_3 {add = true} : memref<10240xf32, #tpu.memory_space<vmem>>[vector<16xi32>], vector<16xf32>,
        %get3A_329 = arith.index_cast %add3A_285 : i32 to index
        %get3A_330 = arith.constant 48 : index
        %get3A_331 = tpu.vector_load %arg12[%get3A_329, %get3A_330] {strides = array<i32>} : memref<25x80xi32, #tpu.memory_space<vmem>>, vector<16xi32>,
        tpu.vector_store_idx %arg18[%get3A_331], %broadcast_in_dim3A_3 {add = true} : memref<5120xf32, #tpu.memory_space<vmem>>[vector<16xi32>], vector<16xf32>,
        %get3A_332 = arith.index_cast %add3A_285 : i32 to index
        %get3A_333 = arith.constant 48 : index
        %get3A_334 = tpu.vector_load %arg11[%get3A_332, %get3A_333] {strides = array<i32>} : memref<25x80xi32, #tpu.memory_space<vmem>>, vector<16xi32>,
        tpu.vector_store_idx %arg19[%get3A_334], %broadcast_in_dim3A_3 {add = true} : memref<10240xf32, #tpu.memory_space<vmem>>[vector<16xi32>], vector<16xf32>,
        %get3A_335 = arith.index_cast %add3A_285 : i32 to index
        %get3A_336 = arith.constant 64 : index
        %get3A_337 = tpu.vector_load %arg12[%get3A_335, %get3A_336] {strides = array<i32>} : memref<25x80xi32, #tpu.memory_space<vmem>>, vector<16xi32>,
        tpu.vector_store_idx %arg18[%get3A_337], %broadcast_in_dim3A_3 {add = true} : memref<5120xf32, #tpu.memory_space<vmem>>[vector<16xi32>], vector<16xf32>,
        %get3A_338 = arith.index_cast %add3A_285 : i32 to index
        %get3A_339 = arith.constant 64 : index
        %get3A_340 = tpu.vector_load %arg11[%get3A_338, %get3A_339] {strides = array<i32>} : memref<25x80xi32, #tpu.memory_space<vmem>>, vector<16xi32>,
        tpu.vector_store_idx %arg19[%get3A_340], %broadcast_in_dim3A_3 {add = true} : memref<10240xf32, #tpu.memory_space<vmem>>[vector<16xi32>], vector<16xf32>,
      }
      %scan3A_29 = arith.constant 5 : i32
      %dma_wait3A = arith.constant 0 : i32
      %dma_wait3A_30 = arith.constant 0 : i32
      %dma_wait3A_31 = tpu.memref_slice %arg12[%dma_wait3A, %dma_wait3A_30] : memref<25x80xi32, #tpu.memory_space<vmem>> -> memref<1x80xi32, #tpu.memory_space<vmem>>
      %dma_wait3A_32 = tpu.memref_squeeze %dma_wait3A_31 : memref<1x80xi32, #tpu.memory_space<vmem>> -> memref<80xi32, #tpu.memory_space<vmem>>
      %dma_wait3A_33 = arith.constant 0 : i32
      %dma_wait3A_34 = arith.constant 0 : i32
      %dma_wait3A_35 = tpu.memref_slice %arg10[%dma_wait3A_33, %dma_wait3A_34] : memref<5120x128xf32, #tpu.memory_space<vmem_shared>> -> memref<5120x128xf32, #tpu.memory_space<vmem_shared>>
      tpu.wait_indirect_dma semaphore(%arg27 : memref<!tpu.dma_semaphore, #tpu.memory_space<semaphore_mem>>) src(%arg15 : memref<80x128xf32, #tpu.memory_space<vmem>>) dst(%dma_wait3A_35 : memref<5120x128xf32, #tpu.memory_space<vmem_shared>>)
      %dma_wait3A_36 = arith.constant 0 : i32
      %dma_wait3A_37 = arith.constant 0 : i32
      %dma_wait3A_38 = tpu.memref_slice %arg12[%dma_wait3A_36, %dma_wait3A_37] : memref<25x80xi32, #tpu.memory_space<vmem>> -> memref<1x80xi32, #tpu.memory_space<vmem>>
      %dma_wait3A_39 = tpu.memref_squeeze %dma_wait3A_38 : memref<1x80xi32, #tpu.memory_space<vmem>> -> memref<80xi32, #tpu.memory_space<vmem>>
      %dma_wait3A_40 = arith.constant 0 : i32
      %dma_wait3A_41 = arith.constant 0 : i32
      %dma_wait3A_42 = tpu.memref_slice %arg10[%dma_wait3A_40, %dma_wait3A_41] : memref<5120x128xf32, #tpu.memory_space<vmem_shared>> -> memref<5120x128xf32, #tpu.memory_space<vmem_shared>>
      tpu.wait_indirect_dma semaphore(%arg28 : memref<!tpu.dma_semaphore, #tpu.memory_space<semaphore_mem>>) src(%arg16 : memref<80x128xf32, #tpu.memory_space<vmem>>) dst(%dma_wait3A_42 : memref<5120x128xf32, #tpu.memory_space<vmem_shared>>)
      %dma_wait3A_43 = arith.constant 0 : i32
      %dma_wait3A_44 = arith.constant 0 : i32
      %dma_wait3A_45 = tpu.memref_slice %arg12[%dma_wait3A_43, %dma_wait3A_44] : memref<25x80xi32, #tpu.memory_space<vmem>> -> memref<1x80xi32, #tpu.memory_space<vmem>>
      %dma_wait3A_46 = tpu.memref_squeeze %dma_wait3A_45 : memref<1x80xi32, #tpu.memory_space<vmem>> -> memref<80xi32, #tpu.memory_space<vmem>>
      %dma_wait3A_47 = arith.constant 0 : i32
      %dma_wait3A_48 = arith.constant 0 : i32
      %dma_wait3A_49 = tpu.memref_slice %arg10[%dma_wait3A_47, %dma_wait3A_48] : memref<5120x128xf32, #tpu.memory_space<vmem_shared>> -> memref<5120x128xf32, #tpu.memory_space<vmem_shared>>
      tpu.wait_indirect_dma semaphore(%arg29 : memref<!tpu.dma_semaphore, #tpu.memory_space<semaphore_mem>>) src(%arg17 : memref<80x128xf32, #tpu.memory_space<vmem>>) dst(%dma_wait3A_49 : memref<5120x128xf32, #tpu.memory_space<vmem_shared>>)
    }
    %scan3A_8 = arith.constant 5 : i32
    %barrier3A_9 = arith.constant 0 : index
    tpu.barrier barrier_id(%barrier3A_9)
    "tpu.region"() ({
      %run_scoped3A = tpu.sem_alloc : memref<!tpu.dma_semaphore, #tpu.memory_space<semaphore_mem>>
      %dma_start3A = arith.constant 0 : i32
      %dma_start3A_10 = tpu.memref_slice %arg7[%arg0, %mul3A_2, %dma_start3A] : memref<2x5120x128xf32, #tpu.memory_space<hbm>> -> memref<1x320x128xf32, #tpu.memory_space<hbm>>
      %dma_start3A_11 = tpu.memref_squeeze %dma_start3A_10 : memref<1x320x128xf32, #tpu.memory_space<hbm>> -> memref<320x128xf32, #tpu.memory_space<hbm>>
      %dma_start3A_12 = arith.constant 0 : i32
      %dma_start3A_13 = tpu.memref_slice %arg10[%mul3A_2, %dma_start3A_12] : memref<5120x128xf32, #tpu.memory_space<vmem_shared>> -> memref<320x128xf32, #tpu.memory_space<vmem_shared>>
      tpu.enqueue_dma source(%dma_start3A_13 : memref<320x128xf32, #tpu.memory_space<vmem_shared>>) target(%dma_start3A_11 : memref<320x128xf32, #tpu.memory_space<hbm>>) target_semaphore(%run_scoped3A : memref<!tpu.dma_semaphore, #tpu.memory_space<semaphore_mem>>)
      %dma_wait3A = arith.constant 0 : i32
      %dma_wait3A_14 = tpu.memref_slice %arg7[%arg0, %mul3A_2, %dma_wait3A] : memref<2x5120x128xf32, #tpu.memory_space<hbm>> -> memref<1x320x128xf32, #tpu.memory_space<hbm>>
      %dma_wait3A_15 = tpu.memref_squeeze %dma_wait3A_14 : memref<1x320x128xf32, #tpu.memory_space<hbm>> -> memref<320x128xf32, #tpu.memory_space<hbm>>
      %dma_wait3A_16 = arith.constant 0 : i32
      %dma_wait3A_17 = tpu.memref_slice %arg10[%mul3A_2, %dma_wait3A_16] : memref<5120x128xf32, #tpu.memory_space<vmem_shared>> -> memref<320x128xf32, #tpu.memory_space<vmem_shared>>
      tpu.wait_dma2 semaphore(%run_scoped3A : memref<!tpu.dma_semaphore, #tpu.memory_space<semaphore_mem>>) src(%dma_wait3A_17 : memref<320x128xf32, #tpu.memory_space<vmem_shared>>) dst(%dma_wait3A_15 : memref<320x128xf32, #tpu.memory_space<hbm>>)
      tpu.yield
    }) : () -> ()
    "tpu.region"() ({
      %run_scoped3A = tpu.sem_alloc : memref<!tpu.dma_semaphore, #tpu.memory_space<semaphore_mem>>
      %dma_start3A = arith.constant 0 : i32
      %dma_start3A_10 = tpu.memref_slice %arg8[%arg0, %arg1, %dma_start3A] : memref<2x16x5120xf32, #tpu.memory_space<hbm>> -> memref<1x1x5120xf32, #tpu.memory_space<hbm>>
      %dma_start3A_11 = tpu.memref_squeeze %dma_start3A_10 : memref<1x1x5120xf32, #tpu.memory_space<hbm>> -> memref<5120xf32, #tpu.memory_space<hbm>>
      %dma_start3A_12 = arith.constant 0 : i32
      %dma_start3A_13 = tpu.memref_slice %arg8[%arg0, %arg1, %dma_start3A_12] : memref<2x16x5120xf32, #tpu.memory_space<hbm>> -> memref<1x1x5120xf32, #tpu.memory_space<hbm>>
      %dma_start3A_14 = tpu.memref_squeeze %dma_start3A_13 : memref<1x1x5120xf32, #tpu.memory_space<hbm>> -> memref<5120xf32, #tpu.memory_space<hbm>>
      tpu.enqueue_dma source(%arg18 : memref<5120xf32, #tpu.memory_space<vmem>>) target(%dma_start3A_14 : memref<5120xf32, #tpu.memory_space<hbm>>) target_semaphore(%run_scoped3A : memref<!tpu.dma_semaphore, #tpu.memory_space<semaphore_mem>>)
      %dma_wait3A = arith.constant 0 : i32
      %dma_wait3A_15 = tpu.memref_slice %arg8[%arg0, %arg1, %dma_wait3A] : memref<2x16x5120xf32, #tpu.memory_space<hbm>> -> memref<1x1x5120xf32, #tpu.memory_space<hbm>>
      %dma_wait3A_16 = tpu.memref_squeeze %dma_wait3A_15 : memref<1x1x5120xf32, #tpu.memory_space<hbm>> -> memref<5120xf32, #tpu.memory_space<hbm>>
      %dma_wait3A_17 = arith.constant 0 : i32
      %dma_wait3A_18 = tpu.memref_slice %arg8[%arg0, %arg1, %dma_wait3A_17] : memref<2x16x5120xf32, #tpu.memory_space<hbm>> -> memref<1x1x5120xf32, #tpu.memory_space<hbm>>
      %dma_wait3A_19 = tpu.memref_squeeze %dma_wait3A_18 : memref<1x1x5120xf32, #tpu.memory_space<hbm>> -> memref<5120xf32, #tpu.memory_space<hbm>>
      tpu.wait_dma2 semaphore(%run_scoped3A : memref<!tpu.dma_semaphore, #tpu.memory_space<semaphore_mem>>) src(%arg18 : memref<5120xf32, #tpu.memory_space<vmem>>) dst(%dma_wait3A_19 : memref<5120xf32, #tpu.memory_space<hbm>>)
      tpu.yield
    }) : () -> ()
    "tpu.region"() ({
      %run_scoped3A = tpu.sem_alloc : memref<!tpu.dma_semaphore, #tpu.memory_space<semaphore_mem>>
      %dma_start3A = arith.constant 0 : i32
      %dma_start3A_10 = tpu.memref_slice %arg9[%arg0, %arg1, %dma_start3A] : memref<2x16x10240xf32, #tpu.memory_space<hbm>> -> memref<1x1x10240xf32, #tpu.memory_space<hbm>>
      %dma_start3A_11 = tpu.memref_squeeze %dma_start3A_10 : memref<1x1x10240xf32, #tpu.memory_space<hbm>> -> memref<10240xf32, #tpu.memory_space<hbm>>
      %dma_start3A_12 = arith.constant 0 : i32
      %dma_start3A_13 = tpu.memref_slice %arg9[%arg0, %arg1, %dma_start3A_12] : memref<2x16x10240xf32, #tpu.memory_space<hbm>> -> memref<1x1x10240xf32, #tpu.memory_space<hbm>>
      %dma_start3A_14 = tpu.memref_squeeze %dma_start3A_13 : memref<1x1x10240xf32, #tpu.memory_space<hbm>> -> memref<10240xf32, #tpu.memory_space<hbm>>
      tpu.enqueue_dma source(%arg19 : memref<10240xf32, #tpu.memory_space<vmem>>) target(%dma_start3A_14 : memref<10240xf32, #tpu.memory_space<hbm>>) target_semaphore(%run_scoped3A : memref<!tpu.dma_semaphore, #tpu.memory_space<semaphore_mem>>)
      %dma_wait3A = arith.constant 0 : i32
      %dma_wait3A_15 = tpu.memref_slice %arg9[%arg0, %arg1, %dma_wait3A] : memref<2x16x10240xf32, #tpu.memory_space<hbm>> -> memref<1x1x10240xf32, #tpu.memory_space<hbm>>
      %dma_wait3A_16 = tpu.memref_squeeze %dma_wait3A_15 : memref<1x1x10240xf32, #tpu.memory_space<hbm>> -> memref<10240xf32, #tpu.memory_space<hbm>>
      %dma_wait3A_17 = arith.constant 0 : i32
      %dma_wait3A_18 = tpu.memref_slice %arg9[%arg0, %arg1, %dma_wait3A_17] : memref<2x16x10240xf32, #tpu.memory_space<hbm>> -> memref<1x1x10240xf32, #tpu.memory_space<hbm>>
      %dma_wait3A_19 = tpu.memref_squeeze %dma_wait3A_18 : memref<1x1x10240xf32, #tpu.memory_space<hbm>> -> memref<10240xf32, #tpu.memory_space<hbm>>
      tpu.wait_dma2 semaphore(%run_scoped3A : memref<!tpu.dma_semaphore, #tpu.memory_space<semaphore_mem>>) src(%arg19 : memref<10240xf32, #tpu.memory_space<vmem>>) dst(%dma_wait3A_19 : memref<10240xf32, #tpu.memory_space<hbm>>)
      tpu.yield
    }) : () -> ()
    return
  }
}

#map = affine_map<(d0, d1) -> (0, 0)>
#map1 = affine_map<(d0, d1) -> (0, 0, 0, 0)>
#map2 = affine_map<(d0, d1) -> (0, 0, 0)>
module attributes {stable_mosaic.version = 14 : i64} {
  func.func @_stage2_body(%arg0: i32, %arg1: i32, %arg2: memref<5120x128xf32, #tpu.memory_space<hbm>>, %arg3: memref<16x10x25x80xi32, #tpu.memory_space<hbm>>, %arg4: memref<16x10x25x80xi32, #tpu.memory_space<hbm>>, %arg5: memref<352x128xf32, #tpu.memory_space<hbm>>, %arg6: memref<2x5632x128xf32, #tpu.memory_space<hbm>>, %arg7: memref<5632x128xf32, #tpu.memory_space<vmem_shared>>, %arg8: memref<25x80xi32, #tpu.memory_space<vmem>>, %arg9: memref<25x80xi32, #tpu.memory_space<vmem>>, %arg10: memref<25x80xi32, #tpu.memory_space<vmem>>, %arg11: memref<80x128xf32, #tpu.memory_space<vmem>>, %arg12: memref<80x128xf32, #tpu.memory_space<vmem>>, %arg13: memref<80x128xf32, #tpu.memory_space<vmem>>, %arg14: memref<80x128xf32, #tpu.memory_space<vmem>>, %arg15: memref<80x128xf32, #tpu.memory_space<vmem>>, %arg16: memref<!tpu.dma_semaphore, #tpu.memory_space<semaphore_mem>>, %arg17: memref<!tpu.dma_semaphore, #tpu.memory_space<semaphore_mem>>, %arg18: memref<!tpu.dma_semaphore, #tpu.memory_space<semaphore_mem>>, %arg19: memref<!tpu.dma_semaphore, #tpu.memory_space<semaphore_mem>>, %arg20: memref<!tpu.dma_semaphore, #tpu.memory_space<semaphore_mem>>, %arg21: memref<!tpu.dma_semaphore, #tpu.memory_space<semaphore_mem>>, %arg22: memref<!tpu.dma_semaphore, #tpu.memory_space<semaphore_mem>>, %arg23: memref<!tpu.dma_semaphore, #tpu.memory_space<semaphore_mem>>, %arg24: memref<!tpu.dma_semaphore, #tpu.memory_space<semaphore_mem>>, %arg25: memref<!tpu.dma_semaphore, #tpu.memory_space<semaphore_mem>>) attributes {dimension_semantics = [#tpu.dimension_semantics<core_parallel>, #tpu.dimension_semantics<subcore_parallel>], iteration_bounds = array<i64: 2, 16>, scalar_prefetch = 0 : i64, scratch_operands = 19 : i64, tpu.core_type = #tpu.core_type<sc_vector_subcore>, window_params = [{transform_indices = #map}, {transform_indices = #map1}, {transform_indices = #map1}, {transform_indices = #map}, {transform_indices = #map2}]} {
    %mul3A = arith.constant 5120 : i32
    %mul3A_0 = arith.muli %arg0, %mul3A : i32
    %mul3A_1 = arith.constant 352 : i32
    %mul3A_2 = arith.muli %arg1, %mul3A_1 : i32
    "tpu.region"() ({
      %run_scoped3A = tpu.sem_alloc : memref<!tpu.dma_semaphore, #tpu.memory_space<semaphore_mem>>
      %dma_start3A = arith.constant 0 : i32
      %dma_start3A_9 = tpu.memref_slice %arg7[%mul3A_2, %dma_start3A] : memref<5632x128xf32, #tpu.memory_space<vmem_shared>> -> memref<352x128xf32, #tpu.memory_space<vmem_shared>>
      %dma_start3A_10 = arith.constant 0 : i32
      %dma_start3A_11 = arith.constant 0 : i32
      %dma_start3A_12 = tpu.memref_slice %arg5[%dma_start3A_10, %dma_start3A_11] : memref<352x128xf32, #tpu.memory_space<hbm>> -> memref<352x128xf32, #tpu.memory_space<hbm>>
      tpu.enqueue_dma source(%dma_start3A_12 : memref<352x128xf32, #tpu.memory_space<hbm>>) target(%dma_start3A_9 : memref<352x128xf32, #tpu.memory_space<vmem_shared>>) target_semaphore(%run_scoped3A : memref<!tpu.dma_semaphore, #tpu.memory_space<semaphore_mem>>)
      %dma_wait3A = arith.constant 0 : i32
      %dma_wait3A_13 = tpu.memref_slice %arg7[%mul3A_2, %dma_wait3A] : memref<5632x128xf32, #tpu.memory_space<vmem_shared>> -> memref<352x128xf32, #tpu.memory_space<vmem_shared>>
      %dma_wait3A_14 = arith.constant 0 : i32
      %dma_wait3A_15 = arith.constant 0 : i32
      %dma_wait3A_16 = tpu.memref_slice %arg5[%dma_wait3A_14, %dma_wait3A_15] : memref<352x128xf32, #tpu.memory_space<hbm>> -> memref<352x128xf32, #tpu.memory_space<hbm>>
      tpu.wait_dma2 semaphore(%run_scoped3A : memref<!tpu.dma_semaphore, #tpu.memory_space<semaphore_mem>>) src(%dma_wait3A_16 : memref<352x128xf32, #tpu.memory_space<hbm>>) dst(%dma_wait3A_13 : memref<352x128xf32, #tpu.memory_space<vmem_shared>>)
      tpu.yield
    }) : () -> ()
    %barrier3A = arith.constant 0 : index
    tpu.barrier barrier_id(%barrier3A)
    %scan3A = arith.constant 0 : i32
    %scan3A_3 = arith.constant 0 : i32
    %scan3A_4 = arith.constant 10 : i32
    %scan3A_5 = arith.addi %scan3A_3, %scan3A_4 : i32
    %scan3A_6 = arith.constant 1 : i32
    scf.for %scan3A_9 = %scan3A_3 to %scan3A_5 step %scan3A_6  : i32 {
      "tpu.region"() ({
        %run_scoped3A = tpu.sem_alloc : memref<!tpu.dma_semaphore, #tpu.memory_space<semaphore_mem>>
        %dma_start3A_49 = arith.constant 0 : i32
        %dma_start3A_50 = arith.constant 0 : i32
        %dma_start3A_51 = tpu.memref_slice %arg3[%arg1, %scan3A_9, %dma_start3A_49, %dma_start3A_50] : memref<16x10x25x80xi32, #tpu.memory_space<hbm>> -> memref<1x1x25x80xi32, #tpu.memory_space<hbm>>
        %dma_start3A_52 = tpu.memref_squeeze %dma_start3A_51 : memref<1x1x25x80xi32, #tpu.memory_space<hbm>> -> memref<25x80xi32, #tpu.memory_space<hbm>>
        %dma_start3A_53 = arith.constant 0 : i32
        %dma_start3A_54 = arith.constant 0 : i32
        %dma_start3A_55 = tpu.memref_slice %arg3[%arg1, %scan3A_9, %dma_start3A_53, %dma_start3A_54] : memref<16x10x25x80xi32, #tpu.memory_space<hbm>> -> memref<1x1x25x80xi32, #tpu.memory_space<hbm>>
        %dma_start3A_56 = tpu.memref_squeeze %dma_start3A_55 : memref<1x1x25x80xi32, #tpu.memory_space<hbm>> -> memref<25x80xi32, #tpu.memory_space<hbm>>
        tpu.enqueue_dma source(%dma_start3A_56 : memref<25x80xi32, #tpu.memory_space<hbm>>) target(%arg8 : memref<25x80xi32, #tpu.memory_space<vmem>>) target_semaphore(%run_scoped3A : memref<!tpu.dma_semaphore, #tpu.memory_space<semaphore_mem>>)
        %dma_wait3A_57 = arith.constant 0 : i32
        %dma_wait3A_58 = arith.constant 0 : i32
        %dma_wait3A_59 = tpu.memref_slice %arg3[%arg1, %scan3A_9, %dma_wait3A_57, %dma_wait3A_58] : memref<16x10x25x80xi32, #tpu.memory_space<hbm>> -> memref<1x1x25x80xi32, #tpu.memory_space<hbm>>
        %dma_wait3A_60 = tpu.memref_squeeze %dma_wait3A_59 : memref<1x1x25x80xi32, #tpu.memory_space<hbm>> -> memref<25x80xi32, #tpu.memory_space<hbm>>
        %dma_wait3A_61 = arith.constant 0 : i32
        %dma_wait3A_62 = arith.constant 0 : i32
        %dma_wait3A_63 = tpu.memref_slice %arg3[%arg1, %scan3A_9, %dma_wait3A_61, %dma_wait3A_62] : memref<16x10x25x80xi32, #tpu.memory_space<hbm>> -> memref<1x1x25x80xi32, #tpu.memory_space<hbm>>
        %dma_wait3A_64 = tpu.memref_squeeze %dma_wait3A_63 : memref<1x1x25x80xi32, #tpu.memory_space<hbm>> -> memref<25x80xi32, #tpu.memory_space<hbm>>
        tpu.wait_dma2 semaphore(%run_scoped3A : memref<!tpu.dma_semaphore, #tpu.memory_space<semaphore_mem>>) src(%dma_wait3A_64 : memref<25x80xi32, #tpu.memory_space<hbm>>) dst(%arg8 : memref<25x80xi32, #tpu.memory_space<vmem>>)
        tpu.yield
      }) : () -> ()
      "tpu.region"() ({
        %run_scoped3A = tpu.sem_alloc : memref<!tpu.dma_semaphore, #tpu.memory_space<semaphore_mem>>
        %dma_start3A_49 = arith.constant 0 : i32
        %dma_start3A_50 = arith.constant 0 : i32
        %dma_start3A_51 = tpu.memref_slice %arg4[%arg1, %scan3A_9, %dma_start3A_49, %dma_start3A_50] : memref<16x10x25x80xi32, #tpu.memory_space<hbm>> -> memref<1x1x25x80xi32, #tpu.memory_space<hbm>>
        %dma_start3A_52 = tpu.memref_squeeze %dma_start3A_51 : memref<1x1x25x80xi32, #tpu.memory_space<hbm>> -> memref<25x80xi32, #tpu.memory_space<hbm>>
        %dma_start3A_53 = arith.constant 0 : i32
        %dma_start3A_54 = arith.constant 0 : i32
        %dma_start3A_55 = tpu.memref_slice %arg4[%arg1, %scan3A_9, %dma_start3A_53, %dma_start3A_54] : memref<16x10x25x80xi32, #tpu.memory_space<hbm>> -> memref<1x1x25x80xi32, #tpu.memory_space<hbm>>
        %dma_start3A_56 = tpu.memref_squeeze %dma_start3A_55 : memref<1x1x25x80xi32, #tpu.memory_space<hbm>> -> memref<25x80xi32, #tpu.memory_space<hbm>>
        tpu.enqueue_dma source(%dma_start3A_56 : memref<25x80xi32, #tpu.memory_space<hbm>>) target(%arg9 : memref<25x80xi32, #tpu.memory_space<vmem>>) target_semaphore(%run_scoped3A : memref<!tpu.dma_semaphore, #tpu.memory_space<semaphore_mem>>)
        %dma_wait3A_57 = arith.constant 0 : i32
        %dma_wait3A_58 = arith.constant 0 : i32
        %dma_wait3A_59 = tpu.memref_slice %arg4[%arg1, %scan3A_9, %dma_wait3A_57, %dma_wait3A_58] : memref<16x10x25x80xi32, #tpu.memory_space<hbm>> -> memref<1x1x25x80xi32, #tpu.memory_space<hbm>>
        %dma_wait3A_60 = tpu.memref_squeeze %dma_wait3A_59 : memref<1x1x25x80xi32, #tpu.memory_space<hbm>> -> memref<25x80xi32, #tpu.memory_space<hbm>>
        %dma_wait3A_61 = arith.constant 0 : i32
        %dma_wait3A_62 = arith.constant 0 : i32
        %dma_wait3A_63 = tpu.memref_slice %arg4[%arg1, %scan3A_9, %dma_wait3A_61, %dma_wait3A_62] : memref<16x10x25x80xi32, #tpu.memory_space<hbm>> -> memref<1x1x25x80xi32, #tpu.memory_space<hbm>>
        %dma_wait3A_64 = tpu.memref_squeeze %dma_wait3A_63 : memref<1x1x25x80xi32, #tpu.memory_space<hbm>> -> memref<25x80xi32, #tpu.memory_space<hbm>>
        tpu.wait_dma2 semaphore(%run_scoped3A : memref<!tpu.dma_semaphore, #tpu.memory_space<semaphore_mem>>) src(%dma_wait3A_64 : memref<25x80xi32, #tpu.memory_space<hbm>>) dst(%arg9 : memref<25x80xi32, #tpu.memory_space<vmem>>)
        tpu.yield
      }) : () -> ()
      %dma_start3A = arith.constant 0 : i32
      %dma_start3A_10 = arith.constant 0 : i32
      %dma_start3A_11 = tpu.memref_slice %arg8[%dma_start3A, %dma_start3A_10] : memref<25x80xi32, #tpu.memory_space<vmem>> -> memref<1x80xi32, #tpu.memory_space<vmem>>
      %dma_start3A_12 = tpu.memref_squeeze %dma_start3A_11 : memref<1x80xi32, #tpu.memory_space<vmem>> -> memref<80xi32, #tpu.memory_space<vmem>>
      %dma_start3A_13 = arith.constant 0 : i32
      %dma_start3A_14 = arith.constant 0 : i32
      %dma_start3A_15 = tpu.memref_slice %arg2[%dma_start3A_13, %dma_start3A_14] : memref<5120x128xf32, #tpu.memory_space<hbm>> -> memref<5120x128xf32, #tpu.memory_space<hbm>>
      tpu.enqueue_indirect_dma source(%dma_start3A_15 : memref<5120x128xf32, #tpu.memory_space<hbm>>) target(%arg11 : memref<80x128xf32, #tpu.memory_space<vmem>>) offsets(%dma_start3A_12 : memref<80xi32, #tpu.memory_space<vmem>>) semaphore(%arg16 : memref<!tpu.dma_semaphore, #tpu.memory_space<semaphore_mem>>)
      %dma_start3A_16 = arith.constant 1 : i32
      %dma_start3A_17 = arith.constant 0 : i32
      %dma_start3A_18 = tpu.memref_slice %arg8[%dma_start3A_16, %dma_start3A_17] : memref<25x80xi32, #tpu.memory_space<vmem>> -> memref<1x80xi32, #tpu.memory_space<vmem>>
      %dma_start3A_19 = tpu.memref_squeeze %dma_start3A_18 : memref<1x80xi32, #tpu.memory_space<vmem>> -> memref<80xi32, #tpu.memory_space<vmem>>
      %dma_start3A_20 = arith.constant 0 : i32
      %dma_start3A_21 = arith.constant 0 : i32
      %dma_start3A_22 = tpu.memref_slice %arg2[%dma_start3A_20, %dma_start3A_21] : memref<5120x128xf32, #tpu.memory_space<hbm>> -> memref<5120x128xf32, #tpu.memory_space<hbm>>
      tpu.enqueue_indirect_dma source(%dma_start3A_22 : memref<5120x128xf32, #tpu.memory_space<hbm>>) target(%arg12 : memref<80x128xf32, #tpu.memory_space<vmem>>) offsets(%dma_start3A_19 : memref<80xi32, #tpu.memory_space<vmem>>) semaphore(%arg17 : memref<!tpu.dma_semaphore, #tpu.memory_space<semaphore_mem>>)
      %scan3A_23 = arith.constant 0 : i32
      %scan3A_24 = arith.constant 0 : i32
      %scan3A_25 = arith.constant 5 : i32
      %scan3A_26 = arith.addi %scan3A_24, %scan3A_25 : i32
      %scan3A_27 = arith.constant 1 : i32
      scf.for %scan3A_49 = %scan3A_24 to %scan3A_26 step %scan3A_27  : i32 {
        %mul3A_50 = arith.constant 5 : i32
        %mul3A_51 = arith.muli %mul3A_50, %scan3A_49 : i32
        %add3A = arith.constant 0 : i32
        %add3A_52 = arith.addi %mul3A_51, %add3A : i32
        %dma_wait3A_53 = arith.constant 0 : i32
        %dma_wait3A_54 = arith.constant 0 : i32
        %dma_wait3A_55 = tpu.memref_slice %arg8[%dma_wait3A_53, %dma_wait3A_54] : memref<25x80xi32, #tpu.memory_space<vmem>> -> memref<1x80xi32, #tpu.memory_space<vmem>>
        %dma_wait3A_56 = tpu.memref_squeeze %dma_wait3A_55 : memref<1x80xi32, #tpu.memory_space<vmem>> -> memref<80xi32, #tpu.memory_space<vmem>>
        %dma_wait3A_57 = arith.constant 0 : i32
        %dma_wait3A_58 = arith.constant 0 : i32
        %dma_wait3A_59 = tpu.memref_slice %arg2[%dma_wait3A_57, %dma_wait3A_58] : memref<5120x128xf32, #tpu.memory_space<hbm>> -> memref<5120x128xf32, #tpu.memory_space<hbm>>
        tpu.wait_indirect_dma semaphore(%arg16 : memref<!tpu.dma_semaphore, #tpu.memory_space<semaphore_mem>>) src(%dma_wait3A_59 : memref<5120x128xf32, #tpu.memory_space<hbm>>) dst(%arg11 : memref<80x128xf32, #tpu.memory_space<vmem>>)
        %get3A = arith.index_cast %add3A_52 : i32 to index
        %get3A_60 = arith.constant 0 : index
        %get3A_61 = tpu.vector_load %arg9[%get3A, %get3A_60] {strides = array<i32>} : memref<25x80xi32, #tpu.memory_space<vmem>>, vector<16xi32>,
        %ge3A = vector.broadcast %mul3A_0 : i32 to vector<16xi32>
        %ge3A_62 = arith.cmpi sge, %get3A_61, %ge3A : vector<16xi32>
        %add3A_63 = arith.constant 5120 : i32
        %add3A_64 = arith.addi %mul3A_0, %add3A_63 : i32
        %lt3A = vector.broadcast %add3A_64 : i32 to vector<16xi32>
        %lt3A_65 = arith.cmpi slt, %get3A_61, %lt3A : vector<16xi32>
        %and3A = arith.andi %ge3A_62, %lt3A_65 : vector<16xi1>
        %sub3A = vector.broadcast %mul3A_0 : i32 to vector<16xi32>
        %sub3A_66 = arith.subi %get3A_61, %sub3A : vector<16xi32>
        %and3A_67 = arith.constant 511 : i32
        %and3A_68 = vector.broadcast %and3A_67 : i32 to vector<16xi32>
        %and3A_69 = arith.andi %get3A_61, %and3A_68 : vector<16xi32>
        %add3A_70 = arith.constant 5120 : i32
        %add3A_71 = vector.broadcast %add3A_70 : i32 to vector<16xi32>
        %add3A_72 = arith.addi %add3A_71, %and3A_69 : vector<16xi32>
        %select_n3A = arith.select %and3A, %sub3A_66, %add3A_72 : vector<16xi1>, vector<16xi32>
        %swap3A = arith.index_cast %add3A_52 : i32 to index
        %swap3A_73 = arith.constant 0 : index
        %swap3A_74 = tpu.vector_load %arg10[%swap3A, %swap3A_73] {strides = array<i32>} : memref<25x80xi32, #tpu.memory_space<vmem>>, vector<16xi32>,
        tpu.vector_store %arg10[%swap3A, %swap3A_73], %select_n3A {strides = array<i32>} : memref<25x80xi32, #tpu.memory_space<vmem>>, vector<16xi32>,
        %get3A_75 = arith.index_cast %add3A_52 : i32 to index
        %get3A_76 = arith.constant 16 : index
        %get3A_77 = tpu.vector_load %arg9[%get3A_75, %get3A_76] {strides = array<i32>} : memref<25x80xi32, #tpu.memory_space<vmem>>, vector<16xi32>,
        %ge3A_78 = vector.broadcast %mul3A_0 : i32 to vector<16xi32>
        %ge3A_79 = arith.cmpi sge, %get3A_77, %ge3A_78 : vector<16xi32>
        %add3A_80 = arith.constant 5120 : i32
        %add3A_81 = arith.addi %mul3A_0, %add3A_80 : i32
        %lt3A_82 = vector.broadcast %add3A_81 : i32 to vector<16xi32>
        %lt3A_83 = arith.cmpi slt, %get3A_77, %lt3A_82 : vector<16xi32>
        %and3A_84 = arith.andi %ge3A_79, %lt3A_83 : vector<16xi1>
        %sub3A_85 = vector.broadcast %mul3A_0 : i32 to vector<16xi32>
        %sub3A_86 = arith.subi %get3A_77, %sub3A_85 : vector<16xi32>
        %and3A_87 = arith.constant 511 : i32
        %and3A_88 = vector.broadcast %and3A_87 : i32 to vector<16xi32>
        %and3A_89 = arith.andi %get3A_77, %and3A_88 : vector<16xi32>
        %add3A_90 = arith.constant 5120 : i32
        %add3A_91 = vector.broadcast %add3A_90 : i32 to vector<16xi32>
        %add3A_92 = arith.addi %add3A_91, %and3A_89 : vector<16xi32>
        %select_n3A_93 = arith.select %and3A_84, %sub3A_86, %add3A_92 : vector<16xi1>, vector<16xi32>
        %swap3A_94 = arith.index_cast %add3A_52 : i32 to index
        %swap3A_95 = arith.constant 16 : index
        %swap3A_96 = tpu.vector_load %arg10[%swap3A_94, %swap3A_95] {strides = array<i32>} : memref<25x80xi32, #tpu.memory_space<vmem>>, vector<16xi32>,
        tpu.vector_store %arg10[%swap3A_94, %swap3A_95], %select_n3A_93 {strides = array<i32>} : memref<25x80xi32, #tpu.memory_space<vmem>>, vector<16xi32>,
        %get3A_97 = arith.index_cast %add3A_52 : i32 to index
        %get3A_98 = arith.constant 32 : index
        %get3A_99 = tpu.vector_load %arg9[%get3A_97, %get3A_98] {strides = array<i32>} : memref<25x80xi32, #tpu.memory_space<vmem>>, vector<16xi32>,
        %ge3A_100 = vector.broadcast %mul3A_0 : i32 to vector<16xi32>
        %ge3A_101 = arith.cmpi sge, %get3A_99, %ge3A_100 : vector<16xi32>
        %add3A_102 = arith.constant 5120 : i32
        %add3A_103 = arith.addi %mul3A_0, %add3A_102 : i32
        %lt3A_104 = vector.broadcast %add3A_103 : i32 to vector<16xi32>
        %lt3A_105 = arith.cmpi slt, %get3A_99, %lt3A_104 : vector<16xi32>
        %and3A_106 = arith.andi %ge3A_101, %lt3A_105 : vector<16xi1>
        %sub3A_107 = vector.broadcast %mul3A_0 : i32 to vector<16xi32>
        %sub3A_108 = arith.subi %get3A_99, %sub3A_107 : vector<16xi32>
        %and3A_109 = arith.constant 511 : i32
        %and3A_110 = vector.broadcast %and3A_109 : i32 to vector<16xi32>
        %and3A_111 = arith.andi %get3A_99, %and3A_110 : vector<16xi32>
        %add3A_112 = arith.constant 5120 : i32
        %add3A_113 = vector.broadcast %add3A_112 : i32 to vector<16xi32>
        %add3A_114 = arith.addi %add3A_113, %and3A_111 : vector<16xi32>
        %select_n3A_115 = arith.select %and3A_106, %sub3A_108, %add3A_114 : vector<16xi1>, vector<16xi32>
        %swap3A_116 = arith.index_cast %add3A_52 : i32 to index
        %swap3A_117 = arith.constant 32 : index
        %swap3A_118 = tpu.vector_load %arg10[%swap3A_116, %swap3A_117] {strides = array<i32>} : memref<25x80xi32, #tpu.memory_space<vmem>>, vector<16xi32>,
        tpu.vector_store %arg10[%swap3A_116, %swap3A_117], %select_n3A_115 {strides = array<i32>} : memref<25x80xi32, #tpu.memory_space<vmem>>, vector<16xi32>,
        %get3A_119 = arith.index_cast %add3A_52 : i32 to index
        %get3A_120 = arith.constant 48 : index
        %get3A_121 = tpu.vector_load %arg9[%get3A_119, %get3A_120] {strides = array<i32>} : memref<25x80xi32, #tpu.memory_space<vmem>>, vector<16xi32>,
        %ge3A_122 = vector.broadcast %mul3A_0 : i32 to vector<16xi32>
        %ge3A_123 = arith.cmpi sge, %get3A_121, %ge3A_122 : vector<16xi32>
        %add3A_124 = arith.constant 5120 : i32
        %add3A_125 = arith.addi %mul3A_0, %add3A_124 : i32
        %lt3A_126 = vector.broadcast %add3A_125 : i32 to vector<16xi32>
        %lt3A_127 = arith.cmpi slt, %get3A_121, %lt3A_126 : vector<16xi32>
        %and3A_128 = arith.andi %ge3A_123, %lt3A_127 : vector<16xi1>
        %sub3A_129 = vector.broadcast %mul3A_0 : i32 to vector<16xi32>
        %sub3A_130 = arith.subi %get3A_121, %sub3A_129 : vector<16xi32>
        %and3A_131 = arith.constant 511 : i32
        %and3A_132 = vector.broadcast %and3A_131 : i32 to vector<16xi32>
        %and3A_133 = arith.andi %get3A_121, %and3A_132 : vector<16xi32>
        %add3A_134 = arith.constant 5120 : i32
        %add3A_135 = vector.broadcast %add3A_134 : i32 to vector<16xi32>
        %add3A_136 = arith.addi %add3A_135, %and3A_133 : vector<16xi32>
        %select_n3A_137 = arith.select %and3A_128, %sub3A_130, %add3A_136 : vector<16xi1>, vector<16xi32>
        %swap3A_138 = arith.index_cast %add3A_52 : i32 to index
        %swap3A_139 = arith.constant 48 : index
        %swap3A_140 = tpu.vector_load %arg10[%swap3A_138, %swap3A_139] {strides = array<i32>} : memref<25x80xi32, #tpu.memory_space<vmem>>, vector<16xi32>,
        tpu.vector_store %arg10[%swap3A_138, %swap3A_139], %select_n3A_137 {strides = array<i32>} : memref<25x80xi32, #tpu.memory_space<vmem>>, vector<16xi32>,
        %get3A_141 = arith.index_cast %add3A_52 : i32 to index
        %get3A_142 = arith.constant 64 : index
        %get3A_143 = tpu.vector_load %arg9[%get3A_141, %get3A_142] {strides = array<i32>} : memref<25x80xi32, #tpu.memory_space<vmem>>, vector<16xi32>,
        %ge3A_144 = vector.broadcast %mul3A_0 : i32 to vector<16xi32>
        %ge3A_145 = arith.cmpi sge, %get3A_143, %ge3A_144 : vector<16xi32>
        %add3A_146 = arith.constant 5120 : i32
        %add3A_147 = arith.addi %mul3A_0, %add3A_146 : i32
        %lt3A_148 = vector.broadcast %add3A_147 : i32 to vector<16xi32>
        %lt3A_149 = arith.cmpi slt, %get3A_143, %lt3A_148 : vector<16xi32>
        %and3A_150 = arith.andi %ge3A_145, %lt3A_149 : vector<16xi1>
        %sub3A_151 = vector.broadcast %mul3A_0 : i32 to vector<16xi32>
        %sub3A_152 = arith.subi %get3A_143, %sub3A_151 : vector<16xi32>
        %and3A_153 = arith.constant 511 : i32
        %and3A_154 = vector.broadcast %and3A_153 : i32 to vector<16xi32>
        %and3A_155 = arith.andi %get3A_143, %and3A_154 : vector<16xi32>
        %add3A_156 = arith.constant 5120 : i32
        %add3A_157 = vector.broadcast %add3A_156 : i32 to vector<16xi32>
        %add3A_158 = arith.addi %add3A_157, %and3A_155 : vector<16xi32>
        %select_n3A_159 = arith.select %and3A_150, %sub3A_152, %add3A_158 : vector<16xi1>, vector<16xi32>
        %swap3A_160 = arith.index_cast %add3A_52 : i32 to index
        %swap3A_161 = arith.constant 64 : index
        %swap3A_162 = tpu.vector_load %arg10[%swap3A_160, %swap3A_161] {strides = array<i32>} : memref<25x80xi32, #tpu.memory_space<vmem>>, vector<16xi32>,
        tpu.vector_store %arg10[%swap3A_160, %swap3A_161], %select_n3A_159 {strides = array<i32>} : memref<25x80xi32, #tpu.memory_space<vmem>>, vector<16xi32>,
        %dma_start3A_163 = arith.constant 0 : i32
        %dma_start3A_164 = tpu.memref_slice %arg10[%add3A_52, %dma_start3A_163] : memref<25x80xi32, #tpu.memory_space<vmem>> -> memref<1x80xi32, #tpu.memory_space<vmem>>
        %dma_start3A_165 = tpu.memref_squeeze %dma_start3A_164 : memref<1x80xi32, #tpu.memory_space<vmem>> -> memref<80xi32, #tpu.memory_space<vmem>>
        %dma_start3A_166 = arith.constant 0 : i32
        %dma_start3A_167 = arith.constant 0 : i32
        %dma_start3A_168 = tpu.memref_slice %arg7[%dma_start3A_166, %dma_start3A_167] : memref<5632x128xf32, #tpu.memory_space<vmem_shared>> -> memref<5632x128xf32, #tpu.memory_space<vmem_shared>>
        tpu.enqueue_indirect_dma source(%arg11 : memref<80x128xf32, #tpu.memory_space<vmem>>) target(%dma_start3A_168 : memref<5632x128xf32, #tpu.memory_space<vmem_shared>>) offsets(%dma_start3A_165 : memref<80xi32, #tpu.memory_space<vmem>>) semaphore(%arg21 : memref<!tpu.dma_semaphore, #tpu.memory_space<semaphore_mem>>) {add = true}
        %ge3A_169 = arith.constant 3 : i32
        %ge3A_170 = arith.cmpi sge, %add3A_52, %ge3A_169 : i32
        %convert_element_type3A = arith.extui %ge3A_170 : i1 to i32
        %cond3A = arith.constant 0 : i32
        %cond3A_171 = arith.cmpi ne, %convert_element_type3A, %cond3A : i32
        scf.if %cond3A_171 {
          %dma_wait3A_735 = arith.constant 0 : i32
          %dma_wait3A_736 = arith.constant 0 : i32
          %dma_wait3A_737 = tpu.memref_slice %arg10[%dma_wait3A_735, %dma_wait3A_736] : memref<25x80xi32, #tpu.memory_space<vmem>> -> memref<1x80xi32, #tpu.memory_space<vmem>>
          %dma_wait3A_738 = tpu.memref_squeeze %dma_wait3A_737 : memref<1x80xi32, #tpu.memory_space<vmem>> -> memref<80xi32, #tpu.memory_space<vmem>>
          %dma_wait3A_739 = arith.constant 0 : i32
          %dma_wait3A_740 = arith.constant 0 : i32
          %dma_wait3A_741 = tpu.memref_slice %arg7[%dma_wait3A_739, %dma_wait3A_740] : memref<5632x128xf32, #tpu.memory_space<vmem_shared>> -> memref<5632x128xf32, #tpu.memory_space<vmem_shared>>
          tpu.wait_indirect_dma semaphore(%arg23 : memref<!tpu.dma_semaphore, #tpu.memory_space<semaphore_mem>>) src(%arg13 : memref<80x128xf32, #tpu.memory_space<vmem>>) dst(%dma_wait3A_741 : memref<5632x128xf32, #tpu.memory_space<vmem_shared>>)
        } else {
        }
        %add3A_172 = arith.constant 2 : i32
        %add3A_173 = arith.addi %add3A_52, %add3A_172 : i32
        %lt3A_174 = arith.constant 25 : i32
        %lt3A_175 = arith.cmpi slt, %add3A_173, %lt3A_174 : i32
        %convert_element_type3A_176 = arith.extui %lt3A_175 : i1 to i32
        %cond3A_177 = arith.constant 0 : i32
        %cond3A_178 = arith.cmpi ne, %convert_element_type3A_176, %cond3A_177 : i32
        scf.if %cond3A_178 {
          %add3A_735 = arith.constant 2 : i32
          %add3A_736 = arith.addi %add3A_52, %add3A_735 : i32
          %dma_start3A_737 = arith.constant 0 : i32
          %dma_start3A_738 = tpu.memref_slice %arg8[%add3A_736, %dma_start3A_737] : memref<25x80xi32, #tpu.memory_space<vmem>> -> memref<1x80xi32, #tpu.memory_space<vmem>>
          %dma_start3A_739 = tpu.memref_squeeze %dma_start3A_738 : memref<1x80xi32, #tpu.memory_space<vmem>> -> memref<80xi32, #tpu.memory_space<vmem>>
          %dma_start3A_740 = arith.constant 0 : i32
          %dma_start3A_741 = arith.constant 0 : i32
          %dma_start3A_742 = tpu.memref_slice %arg2[%dma_start3A_740, %dma_start3A_741] : memref<5120x128xf32, #tpu.memory_space<hbm>> -> memref<5120x128xf32, #tpu.memory_space<hbm>>
          tpu.enqueue_indirect_dma source(%dma_start3A_742 : memref<5120x128xf32, #tpu.memory_space<hbm>>) target(%arg13 : memref<80x128xf32, #tpu.memory_space<vmem>>) offsets(%dma_start3A_739 : memref<80xi32, #tpu.memory_space<vmem>>) semaphore(%arg18 : memref<!tpu.dma_semaphore, #tpu.memory_space<semaphore_mem>>)
        } else {
        }
        %mul3A_179 = arith.constant 5 : i32
        %mul3A_180 = arith.muli %mul3A_179, %scan3A_49 : i32
        %add3A_181 = arith.constant 1 : i32
        %add3A_182 = arith.addi %mul3A_180, %add3A_181 : i32
        %dma_wait3A_183 = arith.constant 0 : i32
        %dma_wait3A_184 = arith.constant 0 : i32
        %dma_wait3A_185 = tpu.memref_slice %arg8[%dma_wait3A_183, %dma_wait3A_184] : memref<25x80xi32, #tpu.memory_space<vmem>> -> memref<1x80xi32, #tpu.memory_space<vmem>>
        %dma_wait3A_186 = tpu.memref_squeeze %dma_wait3A_185 : memref<1x80xi32, #tpu.memory_space<vmem>> -> memref<80xi32, #tpu.memory_space<vmem>>
        %dma_wait3A_187 = arith.constant 0 : i32
        %dma_wait3A_188 = arith.constant 0 : i32
        %dma_wait3A_189 = tpu.memref_slice %arg2[%dma_wait3A_187, %dma_wait3A_188] : memref<5120x128xf32, #tpu.memory_space<hbm>> -> memref<5120x128xf32, #tpu.memory_space<hbm>>
        tpu.wait_indirect_dma semaphore(%arg17 : memref<!tpu.dma_semaphore, #tpu.memory_space<semaphore_mem>>) src(%dma_wait3A_189 : memref<5120x128xf32, #tpu.memory_space<hbm>>) dst(%arg12 : memref<80x128xf32, #tpu.memory_space<vmem>>)
        %get3A_190 = arith.index_cast %add3A_182 : i32 to index
        %get3A_191 = arith.constant 0 : index
        %get3A_192 = tpu.vector_load %arg9[%get3A_190, %get3A_191] {strides = array<i32>} : memref<25x80xi32, #tpu.memory_space<vmem>>, vector<16xi32>,
        %ge3A_193 = vector.broadcast %mul3A_0 : i32 to vector<16xi32>
        %ge3A_194 = arith.cmpi sge, %get3A_192, %ge3A_193 : vector<16xi32>
        %add3A_195 = arith.constant 5120 : i32
        %add3A_196 = arith.addi %mul3A_0, %add3A_195 : i32
        %lt3A_197 = vector.broadcast %add3A_196 : i32 to vector<16xi32>
        %lt3A_198 = arith.cmpi slt, %get3A_192, %lt3A_197 : vector<16xi32>
        %and3A_199 = arith.andi %ge3A_194, %lt3A_198 : vector<16xi1>
        %sub3A_200 = vector.broadcast %mul3A_0 : i32 to vector<16xi32>
        %sub3A_201 = arith.subi %get3A_192, %sub3A_200 : vector<16xi32>
        %and3A_202 = arith.constant 511 : i32
        %and3A_203 = vector.broadcast %and3A_202 : i32 to vector<16xi32>
        %and3A_204 = arith.andi %get3A_192, %and3A_203 : vector<16xi32>
        %add3A_205 = arith.constant 5120 : i32
        %add3A_206 = vector.broadcast %add3A_205 : i32 to vector<16xi32>
        %add3A_207 = arith.addi %add3A_206, %and3A_204 : vector<16xi32>
        %select_n3A_208 = arith.select %and3A_199, %sub3A_201, %add3A_207 : vector<16xi1>, vector<16xi32>
        %swap3A_209 = arith.index_cast %add3A_182 : i32 to index
        %swap3A_210 = arith.constant 0 : index
        %swap3A_211 = tpu.vector_load %arg10[%swap3A_209, %swap3A_210] {strides = array<i32>} : memref<25x80xi32, #tpu.memory_space<vmem>>, vector<16xi32>,
        tpu.vector_store %arg10[%swap3A_209, %swap3A_210], %select_n3A_208 {strides = array<i32>} : memref<25x80xi32, #tpu.memory_space<vmem>>, vector<16xi32>,
        %get3A_212 = arith.index_cast %add3A_182 : i32 to index
        %get3A_213 = arith.constant 16 : index
        %get3A_214 = tpu.vector_load %arg9[%get3A_212, %get3A_213] {strides = array<i32>} : memref<25x80xi32, #tpu.memory_space<vmem>>, vector<16xi32>,
        %ge3A_215 = vector.broadcast %mul3A_0 : i32 to vector<16xi32>
        %ge3A_216 = arith.cmpi sge, %get3A_214, %ge3A_215 : vector<16xi32>
        %add3A_217 = arith.constant 5120 : i32
        %add3A_218 = arith.addi %mul3A_0, %add3A_217 : i32
        %lt3A_219 = vector.broadcast %add3A_218 : i32 to vector<16xi32>
        %lt3A_220 = arith.cmpi slt, %get3A_214, %lt3A_219 : vector<16xi32>
        %and3A_221 = arith.andi %ge3A_216, %lt3A_220 : vector<16xi1>
        %sub3A_222 = vector.broadcast %mul3A_0 : i32 to vector<16xi32>
        %sub3A_223 = arith.subi %get3A_214, %sub3A_222 : vector<16xi32>
        %and3A_224 = arith.constant 511 : i32
        %and3A_225 = vector.broadcast %and3A_224 : i32 to vector<16xi32>
        %and3A_226 = arith.andi %get3A_214, %and3A_225 : vector<16xi32>
        %add3A_227 = arith.constant 5120 : i32
        %add3A_228 = vector.broadcast %add3A_227 : i32 to vector<16xi32>
        %add3A_229 = arith.addi %add3A_228, %and3A_226 : vector<16xi32>
        %select_n3A_230 = arith.select %and3A_221, %sub3A_223, %add3A_229 : vector<16xi1>, vector<16xi32>
        %swap3A_231 = arith.index_cast %add3A_182 : i32 to index
        %swap3A_232 = arith.constant 16 : index
        %swap3A_233 = tpu.vector_load %arg10[%swap3A_231, %swap3A_232] {strides = array<i32>} : memref<25x80xi32, #tpu.memory_space<vmem>>, vector<16xi32>,
        tpu.vector_store %arg10[%swap3A_231, %swap3A_232], %select_n3A_230 {strides = array<i32>} : memref<25x80xi32, #tpu.memory_space<vmem>>, vector<16xi32>,
        %get3A_234 = arith.index_cast %add3A_182 : i32 to index
        %get3A_235 = arith.constant 32 : index
        %get3A_236 = tpu.vector_load %arg9[%get3A_234, %get3A_235] {strides = array<i32>} : memref<25x80xi32, #tpu.memory_space<vmem>>, vector<16xi32>,
        %ge3A_237 = vector.broadcast %mul3A_0 : i32 to vector<16xi32>
        %ge3A_238 = arith.cmpi sge, %get3A_236, %ge3A_237 : vector<16xi32>
        %add3A_239 = arith.constant 5120 : i32
        %add3A_240 = arith.addi %mul3A_0, %add3A_239 : i32
        %lt3A_241 = vector.broadcast %add3A_240 : i32 to vector<16xi32>
        %lt3A_242 = arith.cmpi slt, %get3A_236, %lt3A_241 : vector<16xi32>
        %and3A_243 = arith.andi %ge3A_238, %lt3A_242 : vector<16xi1>
        %sub3A_244 = vector.broadcast %mul3A_0 : i32 to vector<16xi32>
        %sub3A_245 = arith.subi %get3A_236, %sub3A_244 : vector<16xi32>
        %and3A_246 = arith.constant 511 : i32
        %and3A_247 = vector.broadcast %and3A_246 : i32 to vector<16xi32>
        %and3A_248 = arith.andi %get3A_236, %and3A_247 : vector<16xi32>
        %add3A_249 = arith.constant 5120 : i32
        %add3A_250 = vector.broadcast %add3A_249 : i32 to vector<16xi32>
        %add3A_251 = arith.addi %add3A_250, %and3A_248 : vector<16xi32>
        %select_n3A_252 = arith.select %and3A_243, %sub3A_245, %add3A_251 : vector<16xi1>, vector<16xi32>
        %swap3A_253 = arith.index_cast %add3A_182 : i32 to index
        %swap3A_254 = arith.constant 32 : index
        %swap3A_255 = tpu.vector_load %arg10[%swap3A_253, %swap3A_254] {strides = array<i32>} : memref<25x80xi32, #tpu.memory_space<vmem>>, vector<16xi32>,
        tpu.vector_store %arg10[%swap3A_253, %swap3A_254], %select_n3A_252 {strides = array<i32>} : memref<25x80xi32, #tpu.memory_space<vmem>>, vector<16xi32>,
        %get3A_256 = arith.index_cast %add3A_182 : i32 to index
        %get3A_257 = arith.constant 48 : index
        %get3A_258 = tpu.vector_load %arg9[%get3A_256, %get3A_257] {strides = array<i32>} : memref<25x80xi32, #tpu.memory_space<vmem>>, vector<16xi32>,
        %ge3A_259 = vector.broadcast %mul3A_0 : i32 to vector<16xi32>
        %ge3A_260 = arith.cmpi sge, %get3A_258, %ge3A_259 : vector<16xi32>
        %add3A_261 = arith.constant 5120 : i32
        %add3A_262 = arith.addi %mul3A_0, %add3A_261 : i32
        %lt3A_263 = vector.broadcast %add3A_262 : i32 to vector<16xi32>
        %lt3A_264 = arith.cmpi slt, %get3A_258, %lt3A_263 : vector<16xi32>
        %and3A_265 = arith.andi %ge3A_260, %lt3A_264 : vector<16xi1>
        %sub3A_266 = vector.broadcast %mul3A_0 : i32 to vector<16xi32>
        %sub3A_267 = arith.subi %get3A_258, %sub3A_266 : vector<16xi32>
        %and3A_268 = arith.constant 511 : i32
        %and3A_269 = vector.broadcast %and3A_268 : i32 to vector<16xi32>
        %and3A_270 = arith.andi %get3A_258, %and3A_269 : vector<16xi32>
        %add3A_271 = arith.constant 5120 : i32
        %add3A_272 = vector.broadcast %add3A_271 : i32 to vector<16xi32>
        %add3A_273 = arith.addi %add3A_272, %and3A_270 : vector<16xi32>
        %select_n3A_274 = arith.select %and3A_265, %sub3A_267, %add3A_273 : vector<16xi1>, vector<16xi32>
        %swap3A_275 = arith.index_cast %add3A_182 : i32 to index
        %swap3A_276 = arith.constant 48 : index
        %swap3A_277 = tpu.vector_load %arg10[%swap3A_275, %swap3A_276] {strides = array<i32>} : memref<25x80xi32, #tpu.memory_space<vmem>>, vector<16xi32>,
        tpu.vector_store %arg10[%swap3A_275, %swap3A_276], %select_n3A_274 {strides = array<i32>} : memref<25x80xi32, #tpu.memory_space<vmem>>, vector<16xi32>,
        %get3A_278 = arith.index_cast %add3A_182 : i32 to index
        %get3A_279 = arith.constant 64 : index
        %get3A_280 = tpu.vector_load %arg9[%get3A_278, %get3A_279] {strides = array<i32>} : memref<25x80xi32, #tpu.memory_space<vmem>>, vector<16xi32>,
        %ge3A_281 = vector.broadcast %mul3A_0 : i32 to vector<16xi32>
        %ge3A_282 = arith.cmpi sge, %get3A_280, %ge3A_281 : vector<16xi32>
        %add3A_283 = arith.constant 5120 : i32
        %add3A_284 = arith.addi %mul3A_0, %add3A_283 : i32
        %lt3A_285 = vector.broadcast %add3A_284 : i32 to vector<16xi32>
        %lt3A_286 = arith.cmpi slt, %get3A_280, %lt3A_285 : vector<16xi32>
        %and3A_287 = arith.andi %ge3A_282, %lt3A_286 : vector<16xi1>
        %sub3A_288 = vector.broadcast %mul3A_0 : i32 to vector<16xi32>
        %sub3A_289 = arith.subi %get3A_280, %sub3A_288 : vector<16xi32>
        %and3A_290 = arith.constant 511 : i32
        %and3A_291 = vector.broadcast %and3A_290 : i32 to vector<16xi32>
        %and3A_292 = arith.andi %get3A_280, %and3A_291 : vector<16xi32>
        %add3A_293 = arith.constant 5120 : i32
        %add3A_294 = vector.broadcast %add3A_293 : i32 to vector<16xi32>
        %add3A_295 = arith.addi %add3A_294, %and3A_292 : vector<16xi32>
        %select_n3A_296 = arith.select %and3A_287, %sub3A_289, %add3A_295 : vector<16xi1>, vector<16xi32>
        %swap3A_297 = arith.index_cast %add3A_182 : i32 to index
        %swap3A_298 = arith.constant 64 : index
        %swap3A_299 = tpu.vector_load %arg10[%swap3A_297, %swap3A_298] {strides = array<i32>} : memref<25x80xi32, #tpu.memory_space<vmem>>, vector<16xi32>,
        tpu.vector_store %arg10[%swap3A_297, %swap3A_298], %select_n3A_296 {strides = array<i32>} : memref<25x80xi32, #tpu.memory_space<vmem>>, vector<16xi32>,
        %dma_start3A_300 = arith.constant 0 : i32
        %dma_start3A_301 = tpu.memref_slice %arg10[%add3A_182, %dma_start3A_300] : memref<25x80xi32, #tpu.memory_space<vmem>> -> memref<1x80xi32, #tpu.memory_space<vmem>>
        %dma_start3A_302 = tpu.memref_squeeze %dma_start3A_301 : memref<1x80xi32, #tpu.memory_space<vmem>> -> memref<80xi32, #tpu.memory_space<vmem>>
        %dma_start3A_303 = arith.constant 0 : i32
        %dma_start3A_304 = arith.constant 0 : i32
        %dma_start3A_305 = tpu.memref_slice %arg7[%dma_start3A_303, %dma_start3A_304] : memref<5632x128xf32, #tpu.memory_space<vmem_shared>> -> memref<5632x128xf32, #tpu.memory_space<vmem_shared>>
        tpu.enqueue_indirect_dma source(%arg12 : memref<80x128xf32, #tpu.memory_space<vmem>>) target(%dma_start3A_305 : memref<5632x128xf32, #tpu.memory_space<vmem_shared>>) offsets(%dma_start3A_302 : memref<80xi32, #tpu.memory_space<vmem>>) semaphore(%arg22 : memref<!tpu.dma_semaphore, #tpu.memory_space<semaphore_mem>>) {add = true}
        %ge3A_306 = arith.constant 3 : i32
        %ge3A_307 = arith.cmpi sge, %add3A_182, %ge3A_306 : i32
        %convert_element_type3A_308 = arith.extui %ge3A_307 : i1 to i32
        %cond3A_309 = arith.constant 0 : i32
        %cond3A_310 = arith.cmpi ne, %convert_element_type3A_308, %cond3A_309 : i32
        scf.if %cond3A_310 {
          %dma_wait3A_735 = arith.constant 0 : i32
          %dma_wait3A_736 = arith.constant 0 : i32
          %dma_wait3A_737 = tpu.memref_slice %arg10[%dma_wait3A_735, %dma_wait3A_736] : memref<25x80xi32, #tpu.memory_space<vmem>> -> memref<1x80xi32, #tpu.memory_space<vmem>>
          %dma_wait3A_738 = tpu.memref_squeeze %dma_wait3A_737 : memref<1x80xi32, #tpu.memory_space<vmem>> -> memref<80xi32, #tpu.memory_space<vmem>>
          %dma_wait3A_739 = arith.constant 0 : i32
          %dma_wait3A_740 = arith.constant 0 : i32
          %dma_wait3A_741 = tpu.memref_slice %arg7[%dma_wait3A_739, %dma_wait3A_740] : memref<5632x128xf32, #tpu.memory_space<vmem_shared>> -> memref<5632x128xf32, #tpu.memory_space<vmem_shared>>
          tpu.wait_indirect_dma semaphore(%arg24 : memref<!tpu.dma_semaphore, #tpu.memory_space<semaphore_mem>>) src(%arg14 : memref<80x128xf32, #tpu.memory_space<vmem>>) dst(%dma_wait3A_741 : memref<5632x128xf32, #tpu.memory_space<vmem_shared>>)
        } else {
        }
        %add3A_311 = arith.constant 2 : i32
        %add3A_312 = arith.addi %add3A_182, %add3A_311 : i32
        %lt3A_313 = arith.constant 25 : i32
        %lt3A_314 = arith.cmpi slt, %add3A_312, %lt3A_313 : i32
        %convert_element_type3A_315 = arith.extui %lt3A_314 : i1 to i32
        %cond3A_316 = arith.constant 0 : i32
        %cond3A_317 = arith.cmpi ne, %convert_element_type3A_315, %cond3A_316 : i32
        scf.if %cond3A_317 {
          %add3A_735 = arith.constant 2 : i32
          %add3A_736 = arith.addi %add3A_182, %add3A_735 : i32
          %dma_start3A_737 = arith.constant 0 : i32
          %dma_start3A_738 = tpu.memref_slice %arg8[%add3A_736, %dma_start3A_737] : memref<25x80xi32, #tpu.memory_space<vmem>> -> memref<1x80xi32, #tpu.memory_space<vmem>>
          %dma_start3A_739 = tpu.memref_squeeze %dma_start3A_738 : memref<1x80xi32, #tpu.memory_space<vmem>> -> memref<80xi32, #tpu.memory_space<vmem>>
          %dma_start3A_740 = arith.constant 0 : i32
          %dma_start3A_741 = arith.constant 0 : i32
          %dma_start3A_742 = tpu.memref_slice %arg2[%dma_start3A_740, %dma_start3A_741] : memref<5120x128xf32, #tpu.memory_space<hbm>> -> memref<5120x128xf32, #tpu.memory_space<hbm>>
          tpu.enqueue_indirect_dma source(%dma_start3A_742 : memref<5120x128xf32, #tpu.memory_space<hbm>>) target(%arg14 : memref<80x128xf32, #tpu.memory_space<vmem>>) offsets(%dma_start3A_739 : memref<80xi32, #tpu.memory_space<vmem>>) semaphore(%arg19 : memref<!tpu.dma_semaphore, #tpu.memory_space<semaphore_mem>>)
        } else {
        }
        %mul3A_318 = arith.constant 5 : i32
        %mul3A_319 = arith.muli %mul3A_318, %scan3A_49 : i32
        %add3A_320 = arith.constant 2 : i32
        %add3A_321 = arith.addi %mul3A_319, %add3A_320 : i32
        %dma_wait3A_322 = arith.constant 0 : i32
        %dma_wait3A_323 = arith.constant 0 : i32
        %dma_wait3A_324 = tpu.memref_slice %arg8[%dma_wait3A_322, %dma_wait3A_323] : memref<25x80xi32, #tpu.memory_space<vmem>> -> memref<1x80xi32, #tpu.memory_space<vmem>>
        %dma_wait3A_325 = tpu.memref_squeeze %dma_wait3A_324 : memref<1x80xi32, #tpu.memory_space<vmem>> -> memref<80xi32, #tpu.memory_space<vmem>>
        %dma_wait3A_326 = arith.constant 0 : i32
        %dma_wait3A_327 = arith.constant 0 : i32
        %dma_wait3A_328 = tpu.memref_slice %arg2[%dma_wait3A_326, %dma_wait3A_327] : memref<5120x128xf32, #tpu.memory_space<hbm>> -> memref<5120x128xf32, #tpu.memory_space<hbm>>
        tpu.wait_indirect_dma semaphore(%arg18 : memref<!tpu.dma_semaphore, #tpu.memory_space<semaphore_mem>>) src(%dma_wait3A_328 : memref<5120x128xf32, #tpu.memory_space<hbm>>) dst(%arg13 : memref<80x128xf32, #tpu.memory_space<vmem>>)
        %get3A_329 = arith.index_cast %add3A_321 : i32 to index
        %get3A_330 = arith.constant 0 : index
        %get3A_331 = tpu.vector_load %arg9[%get3A_329, %get3A_330] {strides = array<i32>} : memref<25x80xi32, #tpu.memory_space<vmem>>, vector<16xi32>,
        %ge3A_332 = vector.broadcast %mul3A_0 : i32 to vector<16xi32>
        %ge3A_333 = arith.cmpi sge, %get3A_331, %ge3A_332 : vector<16xi32>
        %add3A_334 = arith.constant 5120 : i32
        %add3A_335 = arith.addi %mul3A_0, %add3A_334 : i32
        %lt3A_336 = vector.broadcast %add3A_335 : i32 to vector<16xi32>
        %lt3A_337 = arith.cmpi slt, %get3A_331, %lt3A_336 : vector<16xi32>
        %and3A_338 = arith.andi %ge3A_333, %lt3A_337 : vector<16xi1>
        %sub3A_339 = vector.broadcast %mul3A_0 : i32 to vector<16xi32>
        %sub3A_340 = arith.subi %get3A_331, %sub3A_339 : vector<16xi32>
        %and3A_341 = arith.constant 511 : i32
        %and3A_342 = vector.broadcast %and3A_341 : i32 to vector<16xi32>
        %and3A_343 = arith.andi %get3A_331, %and3A_342 : vector<16xi32>
        %add3A_344 = arith.constant 5120 : i32
        %add3A_345 = vector.broadcast %add3A_344 : i32 to vector<16xi32>
        %add3A_346 = arith.addi %add3A_345, %and3A_343 : vector<16xi32>
        %select_n3A_347 = arith.select %and3A_338, %sub3A_340, %add3A_346 : vector<16xi1>, vector<16xi32>
        %swap3A_348 = arith.index_cast %add3A_321 : i32 to index
        %swap3A_349 = arith.constant 0 : index
        %swap3A_350 = tpu.vector_load %arg10[%swap3A_348, %swap3A_349] {strides = array<i32>} : memref<25x80xi32, #tpu.memory_space<vmem>>, vector<16xi32>,
        tpu.vector_store %arg10[%swap3A_348, %swap3A_349], %select_n3A_347 {strides = array<i32>} : memref<25x80xi32, #tpu.memory_space<vmem>>, vector<16xi32>,
        %get3A_351 = arith.index_cast %add3A_321 : i32 to index
        %get3A_352 = arith.constant 16 : index
        %get3A_353 = tpu.vector_load %arg9[%get3A_351, %get3A_352] {strides = array<i32>} : memref<25x80xi32, #tpu.memory_space<vmem>>, vector<16xi32>,
        %ge3A_354 = vector.broadcast %mul3A_0 : i32 to vector<16xi32>
        %ge3A_355 = arith.cmpi sge, %get3A_353, %ge3A_354 : vector<16xi32>
        %add3A_356 = arith.constant 5120 : i32
        %add3A_357 = arith.addi %mul3A_0, %add3A_356 : i32
        %lt3A_358 = vector.broadcast %add3A_357 : i32 to vector<16xi32>
        %lt3A_359 = arith.cmpi slt, %get3A_353, %lt3A_358 : vector<16xi32>
        %and3A_360 = arith.andi %ge3A_355, %lt3A_359 : vector<16xi1>
        %sub3A_361 = vector.broadcast %mul3A_0 : i32 to vector<16xi32>
        %sub3A_362 = arith.subi %get3A_353, %sub3A_361 : vector<16xi32>
        %and3A_363 = arith.constant 511 : i32
        %and3A_364 = vector.broadcast %and3A_363 : i32 to vector<16xi32>
        %and3A_365 = arith.andi %get3A_353, %and3A_364 : vector<16xi32>
        %add3A_366 = arith.constant 5120 : i32
        %add3A_367 = vector.broadcast %add3A_366 : i32 to vector<16xi32>
        %add3A_368 = arith.addi %add3A_367, %and3A_365 : vector<16xi32>
        %select_n3A_369 = arith.select %and3A_360, %sub3A_362, %add3A_368 : vector<16xi1>, vector<16xi32>
        %swap3A_370 = arith.index_cast %add3A_321 : i32 to index
        %swap3A_371 = arith.constant 16 : index
        %swap3A_372 = tpu.vector_load %arg10[%swap3A_370, %swap3A_371] {strides = array<i32>} : memref<25x80xi32, #tpu.memory_space<vmem>>, vector<16xi32>,
        tpu.vector_store %arg10[%swap3A_370, %swap3A_371], %select_n3A_369 {strides = array<i32>} : memref<25x80xi32, #tpu.memory_space<vmem>>, vector<16xi32>,
        %get3A_373 = arith.index_cast %add3A_321 : i32 to index
        %get3A_374 = arith.constant 32 : index
        %get3A_375 = tpu.vector_load %arg9[%get3A_373, %get3A_374] {strides = array<i32>} : memref<25x80xi32, #tpu.memory_space<vmem>>, vector<16xi32>,
        %ge3A_376 = vector.broadcast %mul3A_0 : i32 to vector<16xi32>
        %ge3A_377 = arith.cmpi sge, %get3A_375, %ge3A_376 : vector<16xi32>
        %add3A_378 = arith.constant 5120 : i32
        %add3A_379 = arith.addi %mul3A_0, %add3A_378 : i32
        %lt3A_380 = vector.broadcast %add3A_379 : i32 to vector<16xi32>
        %lt3A_381 = arith.cmpi slt, %get3A_375, %lt3A_380 : vector<16xi32>
        %and3A_382 = arith.andi %ge3A_377, %lt3A_381 : vector<16xi1>
        %sub3A_383 = vector.broadcast %mul3A_0 : i32 to vector<16xi32>
        %sub3A_384 = arith.subi %get3A_375, %sub3A_383 : vector<16xi32>
        %and3A_385 = arith.constant 511 : i32
        %and3A_386 = vector.broadcast %and3A_385 : i32 to vector<16xi32>
        %and3A_387 = arith.andi %get3A_375, %and3A_386 : vector<16xi32>
        %add3A_388 = arith.constant 5120 : i32
        %add3A_389 = vector.broadcast %add3A_388 : i32 to vector<16xi32>
        %add3A_390 = arith.addi %add3A_389, %and3A_387 : vector<16xi32>
        %select_n3A_391 = arith.select %and3A_382, %sub3A_384, %add3A_390 : vector<16xi1>, vector<16xi32>
        %swap3A_392 = arith.index_cast %add3A_321 : i32 to index
        %swap3A_393 = arith.constant 32 : index
        %swap3A_394 = tpu.vector_load %arg10[%swap3A_392, %swap3A_393] {strides = array<i32>} : memref<25x80xi32, #tpu.memory_space<vmem>>, vector<16xi32>,
        tpu.vector_store %arg10[%swap3A_392, %swap3A_393], %select_n3A_391 {strides = array<i32>} : memref<25x80xi32, #tpu.memory_space<vmem>>, vector<16xi32>,
        %get3A_395 = arith.index_cast %add3A_321 : i32 to index
        %get3A_396 = arith.constant 48 : index
        %get3A_397 = tpu.vector_load %arg9[%get3A_395, %get3A_396] {strides = array<i32>} : memref<25x80xi32, #tpu.memory_space<vmem>>, vector<16xi32>,
        %ge3A_398 = vector.broadcast %mul3A_0 : i32 to vector<16xi32>
        %ge3A_399 = arith.cmpi sge, %get3A_397, %ge3A_398 : vector<16xi32>
        %add3A_400 = arith.constant 5120 : i32
        %add3A_401 = arith.addi %mul3A_0, %add3A_400 : i32
        %lt3A_402 = vector.broadcast %add3A_401 : i32 to vector<16xi32>
        %lt3A_403 = arith.cmpi slt, %get3A_397, %lt3A_402 : vector<16xi32>
        %and3A_404 = arith.andi %ge3A_399, %lt3A_403 : vector<16xi1>
        %sub3A_405 = vector.broadcast %mul3A_0 : i32 to vector<16xi32>
        %sub3A_406 = arith.subi %get3A_397, %sub3A_405 : vector<16xi32>
        %and3A_407 = arith.constant 511 : i32
        %and3A_408 = vector.broadcast %and3A_407 : i32 to vector<16xi32>
        %and3A_409 = arith.andi %get3A_397, %and3A_408 : vector<16xi32>
        %add3A_410 = arith.constant 5120 : i32
        %add3A_411 = vector.broadcast %add3A_410 : i32 to vector<16xi32>
        %add3A_412 = arith.addi %add3A_411, %and3A_409 : vector<16xi32>
        %select_n3A_413 = arith.select %and3A_404, %sub3A_406, %add3A_412 : vector<16xi1>, vector<16xi32>
        %swap3A_414 = arith.index_cast %add3A_321 : i32 to index
        %swap3A_415 = arith.constant 48 : index
        %swap3A_416 = tpu.vector_load %arg10[%swap3A_414, %swap3A_415] {strides = array<i32>} : memref<25x80xi32, #tpu.memory_space<vmem>>, vector<16xi32>,
        tpu.vector_store %arg10[%swap3A_414, %swap3A_415], %select_n3A_413 {strides = array<i32>} : memref<25x80xi32, #tpu.memory_space<vmem>>, vector<16xi32>,
        %get3A_417 = arith.index_cast %add3A_321 : i32 to index
        %get3A_418 = arith.constant 64 : index
        %get3A_419 = tpu.vector_load %arg9[%get3A_417, %get3A_418] {strides = array<i32>} : memref<25x80xi32, #tpu.memory_space<vmem>>, vector<16xi32>,
        %ge3A_420 = vector.broadcast %mul3A_0 : i32 to vector<16xi32>
        %ge3A_421 = arith.cmpi sge, %get3A_419, %ge3A_420 : vector<16xi32>
        %add3A_422 = arith.constant 5120 : i32
        %add3A_423 = arith.addi %mul3A_0, %add3A_422 : i32
        %lt3A_424 = vector.broadcast %add3A_423 : i32 to vector<16xi32>
        %lt3A_425 = arith.cmpi slt, %get3A_419, %lt3A_424 : vector<16xi32>
        %and3A_426 = arith.andi %ge3A_421, %lt3A_425 : vector<16xi1>
        %sub3A_427 = vector.broadcast %mul3A_0 : i32 to vector<16xi32>
        %sub3A_428 = arith.subi %get3A_419, %sub3A_427 : vector<16xi32>
        %and3A_429 = arith.constant 511 : i32
        %and3A_430 = vector.broadcast %and3A_429 : i32 to vector<16xi32>
        %and3A_431 = arith.andi %get3A_419, %and3A_430 : vector<16xi32>
        %add3A_432 = arith.constant 5120 : i32
        %add3A_433 = vector.broadcast %add3A_432 : i32 to vector<16xi32>
        %add3A_434 = arith.addi %add3A_433, %and3A_431 : vector<16xi32>
        %select_n3A_435 = arith.select %and3A_426, %sub3A_428, %add3A_434 : vector<16xi1>, vector<16xi32>
        %swap3A_436 = arith.index_cast %add3A_321 : i32 to index
        %swap3A_437 = arith.constant 64 : index
        %swap3A_438 = tpu.vector_load %arg10[%swap3A_436, %swap3A_437] {strides = array<i32>} : memref<25x80xi32, #tpu.memory_space<vmem>>, vector<16xi32>,
        tpu.vector_store %arg10[%swap3A_436, %swap3A_437], %select_n3A_435 {strides = array<i32>} : memref<25x80xi32, #tpu.memory_space<vmem>>, vector<16xi32>,
        %dma_start3A_439 = arith.constant 0 : i32
        %dma_start3A_440 = tpu.memref_slice %arg10[%add3A_321, %dma_start3A_439] : memref<25x80xi32, #tpu.memory_space<vmem>> -> memref<1x80xi32, #tpu.memory_space<vmem>>
        %dma_start3A_441 = tpu.memref_squeeze %dma_start3A_440 : memref<1x80xi32, #tpu.memory_space<vmem>> -> memref<80xi32, #tpu.memory_space<vmem>>
        %dma_start3A_442 = arith.constant 0 : i32
        %dma_start3A_443 = arith.constant 0 : i32
        %dma_start3A_444 = tpu.memref_slice %arg7[%dma_start3A_442, %dma_start3A_443] : memref<5632x128xf32, #tpu.memory_space<vmem_shared>> -> memref<5632x128xf32, #tpu.memory_space<vmem_shared>>
        tpu.enqueue_indirect_dma source(%arg13 : memref<80x128xf32, #tpu.memory_space<vmem>>) target(%dma_start3A_444 : memref<5632x128xf32, #tpu.memory_space<vmem_shared>>) offsets(%dma_start3A_441 : memref<80xi32, #tpu.memory_space<vmem>>) semaphore(%arg23 : memref<!tpu.dma_semaphore, #tpu.memory_space<semaphore_mem>>) {add = true}
        %ge3A_445 = arith.constant 3 : i32
        %ge3A_446 = arith.cmpi sge, %add3A_321, %ge3A_445 : i32
        %convert_element_type3A_447 = arith.extui %ge3A_446 : i1 to i32
        %cond3A_448 = arith.constant 0 : i32
        %cond3A_449 = arith.cmpi ne, %convert_element_type3A_447, %cond3A_448 : i32
        scf.if %cond3A_449 {
          %dma_wait3A_735 = arith.constant 0 : i32
          %dma_wait3A_736 = arith.constant 0 : i32
          %dma_wait3A_737 = tpu.memref_slice %arg10[%dma_wait3A_735, %dma_wait3A_736] : memref<25x80xi32, #tpu.memory_space<vmem>> -> memref<1x80xi32, #tpu.memory_space<vmem>>
          %dma_wait3A_738 = tpu.memref_squeeze %dma_wait3A_737 : memref<1x80xi32, #tpu.memory_space<vmem>> -> memref<80xi32, #tpu.memory_space<vmem>>
          %dma_wait3A_739 = arith.constant 0 : i32
          %dma_wait3A_740 = arith.constant 0 : i32
          %dma_wait3A_741 = tpu.memref_slice %arg7[%dma_wait3A_739, %dma_wait3A_740] : memref<5632x128xf32, #tpu.memory_space<vmem_shared>> -> memref<5632x128xf32, #tpu.memory_space<vmem_shared>>
          tpu.wait_indirect_dma semaphore(%arg25 : memref<!tpu.dma_semaphore, #tpu.memory_space<semaphore_mem>>) src(%arg15 : memref<80x128xf32, #tpu.memory_space<vmem>>) dst(%dma_wait3A_741 : memref<5632x128xf32, #tpu.memory_space<vmem_shared>>)
        } else {
        }
        %add3A_450 = arith.constant 2 : i32
        %add3A_451 = arith.addi %add3A_321, %add3A_450 : i32
        %lt3A_452 = arith.constant 25 : i32
        %lt3A_453 = arith.cmpi slt, %add3A_451, %lt3A_452 : i32
        %convert_element_type3A_454 = arith.extui %lt3A_453 : i1 to i32
        %cond3A_455 = arith.constant 0 : i32
        %cond3A_456 = arith.cmpi ne, %convert_element_type3A_454, %cond3A_455 : i32
        scf.if %cond3A_456 {
          %add3A_735 = arith.constant 2 : i32
          %add3A_736 = arith.addi %add3A_321, %add3A_735 : i32
          %dma_start3A_737 = arith.constant 0 : i32
          %dma_start3A_738 = tpu.memref_slice %arg8[%add3A_736, %dma_start3A_737] : memref<25x80xi32, #tpu.memory_space<vmem>> -> memref<1x80xi32, #tpu.memory_space<vmem>>
          %dma_start3A_739 = tpu.memref_squeeze %dma_start3A_738 : memref<1x80xi32, #tpu.memory_space<vmem>> -> memref<80xi32, #tpu.memory_space<vmem>>
          %dma_start3A_740 = arith.constant 0 : i32
          %dma_start3A_741 = arith.constant 0 : i32
          %dma_start3A_742 = tpu.memref_slice %arg2[%dma_start3A_740, %dma_start3A_741] : memref<5120x128xf32, #tpu.memory_space<hbm>> -> memref<5120x128xf32, #tpu.memory_space<hbm>>
          tpu.enqueue_indirect_dma source(%dma_start3A_742 : memref<5120x128xf32, #tpu.memory_space<hbm>>) target(%arg15 : memref<80x128xf32, #tpu.memory_space<vmem>>) offsets(%dma_start3A_739 : memref<80xi32, #tpu.memory_space<vmem>>) semaphore(%arg20 : memref<!tpu.dma_semaphore, #tpu.memory_space<semaphore_mem>>)
        } else {
        }
        %mul3A_457 = arith.constant 5 : i32
        %mul3A_458 = arith.muli %mul3A_457, %scan3A_49 : i32
        %add3A_459 = arith.constant 3 : i32
        %add3A_460 = arith.addi %mul3A_458, %add3A_459 : i32
        %dma_wait3A_461 = arith.constant 0 : i32
        %dma_wait3A_462 = arith.constant 0 : i32
        %dma_wait3A_463 = tpu.memref_slice %arg8[%dma_wait3A_461, %dma_wait3A_462] : memref<25x80xi32, #tpu.memory_space<vmem>> -> memref<1x80xi32, #tpu.memory_space<vmem>>
        %dma_wait3A_464 = tpu.memref_squeeze %dma_wait3A_463 : memref<1x80xi32, #tpu.memory_space<vmem>> -> memref<80xi32, #tpu.memory_space<vmem>>
        %dma_wait3A_465 = arith.constant 0 : i32
        %dma_wait3A_466 = arith.constant 0 : i32
        %dma_wait3A_467 = tpu.memref_slice %arg2[%dma_wait3A_465, %dma_wait3A_466] : memref<5120x128xf32, #tpu.memory_space<hbm>> -> memref<5120x128xf32, #tpu.memory_space<hbm>>
        tpu.wait_indirect_dma semaphore(%arg19 : memref<!tpu.dma_semaphore, #tpu.memory_space<semaphore_mem>>) src(%dma_wait3A_467 : memref<5120x128xf32, #tpu.memory_space<hbm>>) dst(%arg14 : memref<80x128xf32, #tpu.memory_space<vmem>>)
        %get3A_468 = arith.index_cast %add3A_460 : i32 to index
        %get3A_469 = arith.constant 0 : index
        %get3A_470 = tpu.vector_load %arg9[%get3A_468, %get3A_469] {strides = array<i32>} : memref<25x80xi32, #tpu.memory_space<vmem>>, vector<16xi32>,
        %ge3A_471 = vector.broadcast %mul3A_0 : i32 to vector<16xi32>
        %ge3A_472 = arith.cmpi sge, %get3A_470, %ge3A_471 : vector<16xi32>
        %add3A_473 = arith.constant 5120 : i32
        %add3A_474 = arith.addi %mul3A_0, %add3A_473 : i32
        %lt3A_475 = vector.broadcast %add3A_474 : i32 to vector<16xi32>
        %lt3A_476 = arith.cmpi slt, %get3A_470, %lt3A_475 : vector<16xi32>
        %and3A_477 = arith.andi %ge3A_472, %lt3A_476 : vector<16xi1>
        %sub3A_478 = vector.broadcast %mul3A_0 : i32 to vector<16xi32>
        %sub3A_479 = arith.subi %get3A_470, %sub3A_478 : vector<16xi32>
        %and3A_480 = arith.constant 511 : i32
        %and3A_481 = vector.broadcast %and3A_480 : i32 to vector<16xi32>
        %and3A_482 = arith.andi %get3A_470, %and3A_481 : vector<16xi32>
        %add3A_483 = arith.constant 5120 : i32
        %add3A_484 = vector.broadcast %add3A_483 : i32 to vector<16xi32>
        %add3A_485 = arith.addi %add3A_484, %and3A_482 : vector<16xi32>
        %select_n3A_486 = arith.select %and3A_477, %sub3A_479, %add3A_485 : vector<16xi1>, vector<16xi32>
        %swap3A_487 = arith.index_cast %add3A_460 : i32 to index
        %swap3A_488 = arith.constant 0 : index
        %swap3A_489 = tpu.vector_load %arg10[%swap3A_487, %swap3A_488] {strides = array<i32>} : memref<25x80xi32, #tpu.memory_space<vmem>>, vector<16xi32>,
        tpu.vector_store %arg10[%swap3A_487, %swap3A_488], %select_n3A_486 {strides = array<i32>} : memref<25x80xi32, #tpu.memory_space<vmem>>, vector<16xi32>,
        %get3A_490 = arith.index_cast %add3A_460 : i32 to index
        %get3A_491 = arith.constant 16 : index
        %get3A_492 = tpu.vector_load %arg9[%get3A_490, %get3A_491] {strides = array<i32>} : memref<25x80xi32, #tpu.memory_space<vmem>>, vector<16xi32>,
        %ge3A_493 = vector.broadcast %mul3A_0 : i32 to vector<16xi32>
        %ge3A_494 = arith.cmpi sge, %get3A_492, %ge3A_493 : vector<16xi32>
        %add3A_495 = arith.constant 5120 : i32
        %add3A_496 = arith.addi %mul3A_0, %add3A_495 : i32
        %lt3A_497 = vector.broadcast %add3A_496 : i32 to vector<16xi32>
        %lt3A_498 = arith.cmpi slt, %get3A_492, %lt3A_497 : vector<16xi32>
        %and3A_499 = arith.andi %ge3A_494, %lt3A_498 : vector<16xi1>
        %sub3A_500 = vector.broadcast %mul3A_0 : i32 to vector<16xi32>
        %sub3A_501 = arith.subi %get3A_492, %sub3A_500 : vector<16xi32>
        %and3A_502 = arith.constant 511 : i32
        %and3A_503 = vector.broadcast %and3A_502 : i32 to vector<16xi32>
        %and3A_504 = arith.andi %get3A_492, %and3A_503 : vector<16xi32>
        %add3A_505 = arith.constant 5120 : i32
        %add3A_506 = vector.broadcast %add3A_505 : i32 to vector<16xi32>
        %add3A_507 = arith.addi %add3A_506, %and3A_504 : vector<16xi32>
        %select_n3A_508 = arith.select %and3A_499, %sub3A_501, %add3A_507 : vector<16xi1>, vector<16xi32>
        %swap3A_509 = arith.index_cast %add3A_460 : i32 to index
        %swap3A_510 = arith.constant 16 : index
        %swap3A_511 = tpu.vector_load %arg10[%swap3A_509, %swap3A_510] {strides = array<i32>} : memref<25x80xi32, #tpu.memory_space<vmem>>, vector<16xi32>,
        tpu.vector_store %arg10[%swap3A_509, %swap3A_510], %select_n3A_508 {strides = array<i32>} : memref<25x80xi32, #tpu.memory_space<vmem>>, vector<16xi32>,
        %get3A_512 = arith.index_cast %add3A_460 : i32 to index
        %get3A_513 = arith.constant 32 : index
        %get3A_514 = tpu.vector_load %arg9[%get3A_512, %get3A_513] {strides = array<i32>} : memref<25x80xi32, #tpu.memory_space<vmem>>, vector<16xi32>,
        %ge3A_515 = vector.broadcast %mul3A_0 : i32 to vector<16xi32>
        %ge3A_516 = arith.cmpi sge, %get3A_514, %ge3A_515 : vector<16xi32>
        %add3A_517 = arith.constant 5120 : i32
        %add3A_518 = arith.addi %mul3A_0, %add3A_517 : i32
        %lt3A_519 = vector.broadcast %add3A_518 : i32 to vector<16xi32>
        %lt3A_520 = arith.cmpi slt, %get3A_514, %lt3A_519 : vector<16xi32>
        %and3A_521 = arith.andi %ge3A_516, %lt3A_520 : vector<16xi1>
        %sub3A_522 = vector.broadcast %mul3A_0 : i32 to vector<16xi32>
        %sub3A_523 = arith.subi %get3A_514, %sub3A_522 : vector<16xi32>
        %and3A_524 = arith.constant 511 : i32
        %and3A_525 = vector.broadcast %and3A_524 : i32 to vector<16xi32>
        %and3A_526 = arith.andi %get3A_514, %and3A_525 : vector<16xi32>
        %add3A_527 = arith.constant 5120 : i32
        %add3A_528 = vector.broadcast %add3A_527 : i32 to vector<16xi32>
        %add3A_529 = arith.addi %add3A_528, %and3A_526 : vector<16xi32>
        %select_n3A_530 = arith.select %and3A_521, %sub3A_523, %add3A_529 : vector<16xi1>, vector<16xi32>
        %swap3A_531 = arith.index_cast %add3A_460 : i32 to index
        %swap3A_532 = arith.constant 32 : index
        %swap3A_533 = tpu.vector_load %arg10[%swap3A_531, %swap3A_532] {strides = array<i32>} : memref<25x80xi32, #tpu.memory_space<vmem>>, vector<16xi32>,
        tpu.vector_store %arg10[%swap3A_531, %swap3A_532], %select_n3A_530 {strides = array<i32>} : memref<25x80xi32, #tpu.memory_space<vmem>>, vector<16xi32>,
        %get3A_534 = arith.index_cast %add3A_460 : i32 to index
        %get3A_535 = arith.constant 48 : index
        %get3A_536 = tpu.vector_load %arg9[%get3A_534, %get3A_535] {strides = array<i32>} : memref<25x80xi32, #tpu.memory_space<vmem>>, vector<16xi32>,
        %ge3A_537 = vector.broadcast %mul3A_0 : i32 to vector<16xi32>
        %ge3A_538 = arith.cmpi sge, %get3A_536, %ge3A_537 : vector<16xi32>
        %add3A_539 = arith.constant 5120 : i32
        %add3A_540 = arith.addi %mul3A_0, %add3A_539 : i32
        %lt3A_541 = vector.broadcast %add3A_540 : i32 to vector<16xi32>
        %lt3A_542 = arith.cmpi slt, %get3A_536, %lt3A_541 : vector<16xi32>
        %and3A_543 = arith.andi %ge3A_538, %lt3A_542 : vector<16xi1>
        %sub3A_544 = vector.broadcast %mul3A_0 : i32 to vector<16xi32>
        %sub3A_545 = arith.subi %get3A_536, %sub3A_544 : vector<16xi32>
        %and3A_546 = arith.constant 511 : i32
        %and3A_547 = vector.broadcast %and3A_546 : i32 to vector<16xi32>
        %and3A_548 = arith.andi %get3A_536, %and3A_547 : vector<16xi32>
        %add3A_549 = arith.constant 5120 : i32
        %add3A_550 = vector.broadcast %add3A_549 : i32 to vector<16xi32>
        %add3A_551 = arith.addi %add3A_550, %and3A_548 : vector<16xi32>
        %select_n3A_552 = arith.select %and3A_543, %sub3A_545, %add3A_551 : vector<16xi1>, vector<16xi32>
        %swap3A_553 = arith.index_cast %add3A_460 : i32 to index
        %swap3A_554 = arith.constant 48 : index
        %swap3A_555 = tpu.vector_load %arg10[%swap3A_553, %swap3A_554] {strides = array<i32>} : memref<25x80xi32, #tpu.memory_space<vmem>>, vector<16xi32>,
        tpu.vector_store %arg10[%swap3A_553, %swap3A_554], %select_n3A_552 {strides = array<i32>} : memref<25x80xi32, #tpu.memory_space<vmem>>, vector<16xi32>,
        %get3A_556 = arith.index_cast %add3A_460 : i32 to index
        %get3A_557 = arith.constant 64 : index
        %get3A_558 = tpu.vector_load %arg9[%get3A_556, %get3A_557] {strides = array<i32>} : memref<25x80xi32, #tpu.memory_space<vmem>>, vector<16xi32>,
        %ge3A_559 = vector.broadcast %mul3A_0 : i32 to vector<16xi32>
        %ge3A_560 = arith.cmpi sge, %get3A_558, %ge3A_559 : vector<16xi32>
        %add3A_561 = arith.constant 5120 : i32
        %add3A_562 = arith.addi %mul3A_0, %add3A_561 : i32
        %lt3A_563 = vector.broadcast %add3A_562 : i32 to vector<16xi32>
        %lt3A_564 = arith.cmpi slt, %get3A_558, %lt3A_563 : vector<16xi32>
        %and3A_565 = arith.andi %ge3A_560, %lt3A_564 : vector<16xi1>
        %sub3A_566 = vector.broadcast %mul3A_0 : i32 to vector<16xi32>
        %sub3A_567 = arith.subi %get3A_558, %sub3A_566 : vector<16xi32>
        %and3A_568 = arith.constant 511 : i32
        %and3A_569 = vector.broadcast %and3A_568 : i32 to vector<16xi32>
        %and3A_570 = arith.andi %get3A_558, %and3A_569 : vector<16xi32>
        %add3A_571 = arith.constant 5120 : i32
        %add3A_572 = vector.broadcast %add3A_571 : i32 to vector<16xi32>
        %add3A_573 = arith.addi %add3A_572, %and3A_570 : vector<16xi32>
        %select_n3A_574 = arith.select %and3A_565, %sub3A_567, %add3A_573 : vector<16xi1>, vector<16xi32>
        %swap3A_575 = arith.index_cast %add3A_460 : i32 to index
        %swap3A_576 = arith.constant 64 : index
        %swap3A_577 = tpu.vector_load %arg10[%swap3A_575, %swap3A_576] {strides = array<i32>} : memref<25x80xi32, #tpu.memory_space<vmem>>, vector<16xi32>,
        tpu.vector_store %arg10[%swap3A_575, %swap3A_576], %select_n3A_574 {strides = array<i32>} : memref<25x80xi32, #tpu.memory_space<vmem>>, vector<16xi32>,
        %dma_start3A_578 = arith.constant 0 : i32
        %dma_start3A_579 = tpu.memref_slice %arg10[%add3A_460, %dma_start3A_578] : memref<25x80xi32, #tpu.memory_space<vmem>> -> memref<1x80xi32, #tpu.memory_space<vmem>>
        %dma_start3A_580 = tpu.memref_squeeze %dma_start3A_579 : memref<1x80xi32, #tpu.memory_space<vmem>> -> memref<80xi32, #tpu.memory_space<vmem>>
        %dma_start3A_581 = arith.constant 0 : i32
        %dma_start3A_582 = arith.constant 0 : i32
        %dma_start3A_583 = tpu.memref_slice %arg7[%dma_start3A_581, %dma_start3A_582] : memref<5632x128xf32, #tpu.memory_space<vmem_shared>> -> memref<5632x128xf32, #tpu.memory_space<vmem_shared>>
        tpu.enqueue_indirect_dma source(%arg14 : memref<80x128xf32, #tpu.memory_space<vmem>>) target(%dma_start3A_583 : memref<5632x128xf32, #tpu.memory_space<vmem_shared>>) offsets(%dma_start3A_580 : memref<80xi32, #tpu.memory_space<vmem>>) semaphore(%arg24 : memref<!tpu.dma_semaphore, #tpu.memory_space<semaphore_mem>>) {add = true}
        %ge3A_584 = arith.constant 3 : i32
        %ge3A_585 = arith.cmpi sge, %add3A_460, %ge3A_584 : i32
        %convert_element_type3A_586 = arith.extui %ge3A_585 : i1 to i32
        %cond3A_587 = arith.constant 0 : i32
        %cond3A_588 = arith.cmpi ne, %convert_element_type3A_586, %cond3A_587 : i32
        scf.if %cond3A_588 {
          %dma_wait3A_735 = arith.constant 0 : i32
          %dma_wait3A_736 = arith.constant 0 : i32
          %dma_wait3A_737 = tpu.memref_slice %arg10[%dma_wait3A_735, %dma_wait3A_736] : memref<25x80xi32, #tpu.memory_space<vmem>> -> memref<1x80xi32, #tpu.memory_space<vmem>>
          %dma_wait3A_738 = tpu.memref_squeeze %dma_wait3A_737 : memref<1x80xi32, #tpu.memory_space<vmem>> -> memref<80xi32, #tpu.memory_space<vmem>>
          %dma_wait3A_739 = arith.constant 0 : i32
          %dma_wait3A_740 = arith.constant 0 : i32
          %dma_wait3A_741 = tpu.memref_slice %arg7[%dma_wait3A_739, %dma_wait3A_740] : memref<5632x128xf32, #tpu.memory_space<vmem_shared>> -> memref<5632x128xf32, #tpu.memory_space<vmem_shared>>
          tpu.wait_indirect_dma semaphore(%arg21 : memref<!tpu.dma_semaphore, #tpu.memory_space<semaphore_mem>>) src(%arg11 : memref<80x128xf32, #tpu.memory_space<vmem>>) dst(%dma_wait3A_741 : memref<5632x128xf32, #tpu.memory_space<vmem_shared>>)
        } else {
        }
        %add3A_589 = arith.constant 2 : i32
        %add3A_590 = arith.addi %add3A_460, %add3A_589 : i32
        %lt3A_591 = arith.constant 25 : i32
        %lt3A_592 = arith.cmpi slt, %add3A_590, %lt3A_591 : i32
        %convert_element_type3A_593 = arith.extui %lt3A_592 : i1 to i32
        %cond3A_594 = arith.constant 0 : i32
        %cond3A_595 = arith.cmpi ne, %convert_element_type3A_593, %cond3A_594 : i32
        scf.if %cond3A_595 {
          %add3A_735 = arith.constant 2 : i32
          %add3A_736 = arith.addi %add3A_460, %add3A_735 : i32
          %dma_start3A_737 = arith.constant 0 : i32
          %dma_start3A_738 = tpu.memref_slice %arg8[%add3A_736, %dma_start3A_737] : memref<25x80xi32, #tpu.memory_space<vmem>> -> memref<1x80xi32, #tpu.memory_space<vmem>>
          %dma_start3A_739 = tpu.memref_squeeze %dma_start3A_738 : memref<1x80xi32, #tpu.memory_space<vmem>> -> memref<80xi32, #tpu.memory_space<vmem>>
          %dma_start3A_740 = arith.constant 0 : i32
          %dma_start3A_741 = arith.constant 0 : i32
          %dma_start3A_742 = tpu.memref_slice %arg2[%dma_start3A_740, %dma_start3A_741] : memref<5120x128xf32, #tpu.memory_space<hbm>> -> memref<5120x128xf32, #tpu.memory_space<hbm>>
          tpu.enqueue_indirect_dma source(%dma_start3A_742 : memref<5120x128xf32, #tpu.memory_space<hbm>>) target(%arg11 : memref<80x128xf32, #tpu.memory_space<vmem>>) offsets(%dma_start3A_739 : memref<80xi32, #tpu.memory_space<vmem>>) semaphore(%arg16 : memref<!tpu.dma_semaphore, #tpu.memory_space<semaphore_mem>>)
        } else {
        }
        %mul3A_596 = arith.constant 5 : i32
        %mul3A_597 = arith.muli %mul3A_596, %scan3A_49 : i32
        %add3A_598 = arith.constant 4 : i32
        %add3A_599 = arith.addi %mul3A_597, %add3A_598 : i32
        %dma_wait3A_600 = arith.constant 0 : i32
        %dma_wait3A_601 = arith.constant 0 : i32
        %dma_wait3A_602 = tpu.memref_slice %arg8[%dma_wait3A_600, %dma_wait3A_601] : memref<25x80xi32, #tpu.memory_space<vmem>> -> memref<1x80xi32, #tpu.memory_space<vmem>>
        %dma_wait3A_603 = tpu.memref_squeeze %dma_wait3A_602 : memref<1x80xi32, #tpu.memory_space<vmem>> -> memref<80xi32, #tpu.memory_space<vmem>>
        %dma_wait3A_604 = arith.constant 0 : i32
        %dma_wait3A_605 = arith.constant 0 : i32
        %dma_wait3A_606 = tpu.memref_slice %arg2[%dma_wait3A_604, %dma_wait3A_605] : memref<5120x128xf32, #tpu.memory_space<hbm>> -> memref<5120x128xf32, #tpu.memory_space<hbm>>
        tpu.wait_indirect_dma semaphore(%arg20 : memref<!tpu.dma_semaphore, #tpu.memory_space<semaphore_mem>>) src(%dma_wait3A_606 : memref<5120x128xf32, #tpu.memory_space<hbm>>) dst(%arg15 : memref<80x128xf32, #tpu.memory_space<vmem>>)
        %get3A_607 = arith.index_cast %add3A_599 : i32 to index
        %get3A_608 = arith.constant 0 : index
        %get3A_609 = tpu.vector_load %arg9[%get3A_607, %get3A_608] {strides = array<i32>} : memref<25x80xi32, #tpu.memory_space<vmem>>, vector<16xi32>,
        %ge3A_610 = vector.broadcast %mul3A_0 : i32 to vector<16xi32>
        %ge3A_611 = arith.cmpi sge, %get3A_609, %ge3A_610 : vector<16xi32>
        %add3A_612 = arith.constant 5120 : i32
        %add3A_613 = arith.addi %mul3A_0, %add3A_612 : i32
        %lt3A_614 = vector.broadcast %add3A_613 : i32 to vector<16xi32>
        %lt3A_615 = arith.cmpi slt, %get3A_609, %lt3A_614 : vector<16xi32>
        %and3A_616 = arith.andi %ge3A_611, %lt3A_615 : vector<16xi1>
        %sub3A_617 = vector.broadcast %mul3A_0 : i32 to vector<16xi32>
        %sub3A_618 = arith.subi %get3A_609, %sub3A_617 : vector<16xi32>
        %and3A_619 = arith.constant 511 : i32
        %and3A_620 = vector.broadcast %and3A_619 : i32 to vector<16xi32>
        %and3A_621 = arith.andi %get3A_609, %and3A_620 : vector<16xi32>
        %add3A_622 = arith.constant 5120 : i32
        %add3A_623 = vector.broadcast %add3A_622 : i32 to vector<16xi32>
        %add3A_624 = arith.addi %add3A_623, %and3A_621 : vector<16xi32>
        %select_n3A_625 = arith.select %and3A_616, %sub3A_618, %add3A_624 : vector<16xi1>, vector<16xi32>
        %swap3A_626 = arith.index_cast %add3A_599 : i32 to index
        %swap3A_627 = arith.constant 0 : index
        %swap3A_628 = tpu.vector_load %arg10[%swap3A_626, %swap3A_627] {strides = array<i32>} : memref<25x80xi32, #tpu.memory_space<vmem>>, vector<16xi32>,
        tpu.vector_store %arg10[%swap3A_626, %swap3A_627], %select_n3A_625 {strides = array<i32>} : memref<25x80xi32, #tpu.memory_space<vmem>>, vector<16xi32>,
        %get3A_629 = arith.index_cast %add3A_599 : i32 to index
        %get3A_630 = arith.constant 16 : index
        %get3A_631 = tpu.vector_load %arg9[%get3A_629, %get3A_630] {strides = array<i32>} : memref<25x80xi32, #tpu.memory_space<vmem>>, vector<16xi32>,
        %ge3A_632 = vector.broadcast %mul3A_0 : i32 to vector<16xi32>
        %ge3A_633 = arith.cmpi sge, %get3A_631, %ge3A_632 : vector<16xi32>
        %add3A_634 = arith.constant 5120 : i32
        %add3A_635 = arith.addi %mul3A_0, %add3A_634 : i32
        %lt3A_636 = vector.broadcast %add3A_635 : i32 to vector<16xi32>
        %lt3A_637 = arith.cmpi slt, %get3A_631, %lt3A_636 : vector<16xi32>
        %and3A_638 = arith.andi %ge3A_633, %lt3A_637 : vector<16xi1>
        %sub3A_639 = vector.broadcast %mul3A_0 : i32 to vector<16xi32>
        %sub3A_640 = arith.subi %get3A_631, %sub3A_639 : vector<16xi32>
        %and3A_641 = arith.constant 511 : i32
        %and3A_642 = vector.broadcast %and3A_641 : i32 to vector<16xi32>
        %and3A_643 = arith.andi %get3A_631, %and3A_642 : vector<16xi32>
        %add3A_644 = arith.constant 5120 : i32
        %add3A_645 = vector.broadcast %add3A_644 : i32 to vector<16xi32>
        %add3A_646 = arith.addi %add3A_645, %and3A_643 : vector<16xi32>
        %select_n3A_647 = arith.select %and3A_638, %sub3A_640, %add3A_646 : vector<16xi1>, vector<16xi32>
        %swap3A_648 = arith.index_cast %add3A_599 : i32 to index
        %swap3A_649 = arith.constant 16 : index
        %swap3A_650 = tpu.vector_load %arg10[%swap3A_648, %swap3A_649] {strides = array<i32>} : memref<25x80xi32, #tpu.memory_space<vmem>>, vector<16xi32>,
        tpu.vector_store %arg10[%swap3A_648, %swap3A_649], %select_n3A_647 {strides = array<i32>} : memref<25x80xi32, #tpu.memory_space<vmem>>, vector<16xi32>,
        %get3A_651 = arith.index_cast %add3A_599 : i32 to index
        %get3A_652 = arith.constant 32 : index
        %get3A_653 = tpu.vector_load %arg9[%get3A_651, %get3A_652] {strides = array<i32>} : memref<25x80xi32, #tpu.memory_space<vmem>>, vector<16xi32>,
        %ge3A_654 = vector.broadcast %mul3A_0 : i32 to vector<16xi32>
        %ge3A_655 = arith.cmpi sge, %get3A_653, %ge3A_654 : vector<16xi32>
        %add3A_656 = arith.constant 5120 : i32
        %add3A_657 = arith.addi %mul3A_0, %add3A_656 : i32
        %lt3A_658 = vector.broadcast %add3A_657 : i32 to vector<16xi32>
        %lt3A_659 = arith.cmpi slt, %get3A_653, %lt3A_658 : vector<16xi32>
        %and3A_660 = arith.andi %ge3A_655, %lt3A_659 : vector<16xi1>
        %sub3A_661 = vector.broadcast %mul3A_0 : i32 to vector<16xi32>
        %sub3A_662 = arith.subi %get3A_653, %sub3A_661 : vector<16xi32>
        %and3A_663 = arith.constant 511 : i32
        %and3A_664 = vector.broadcast %and3A_663 : i32 to vector<16xi32>
        %and3A_665 = arith.andi %get3A_653, %and3A_664 : vector<16xi32>
        %add3A_666 = arith.constant 5120 : i32
        %add3A_667 = vector.broadcast %add3A_666 : i32 to vector<16xi32>
        %add3A_668 = arith.addi %add3A_667, %and3A_665 : vector<16xi32>
        %select_n3A_669 = arith.select %and3A_660, %sub3A_662, %add3A_668 : vector<16xi1>, vector<16xi32>
        %swap3A_670 = arith.index_cast %add3A_599 : i32 to index
        %swap3A_671 = arith.constant 32 : index
        %swap3A_672 = tpu.vector_load %arg10[%swap3A_670, %swap3A_671] {strides = array<i32>} : memref<25x80xi32, #tpu.memory_space<vmem>>, vector<16xi32>,
        tpu.vector_store %arg10[%swap3A_670, %swap3A_671], %select_n3A_669 {strides = array<i32>} : memref<25x80xi32, #tpu.memory_space<vmem>>, vector<16xi32>,
        %get3A_673 = arith.index_cast %add3A_599 : i32 to index
        %get3A_674 = arith.constant 48 : index
        %get3A_675 = tpu.vector_load %arg9[%get3A_673, %get3A_674] {strides = array<i32>} : memref<25x80xi32, #tpu.memory_space<vmem>>, vector<16xi32>,
        %ge3A_676 = vector.broadcast %mul3A_0 : i32 to vector<16xi32>
        %ge3A_677 = arith.cmpi sge, %get3A_675, %ge3A_676 : vector<16xi32>
        %add3A_678 = arith.constant 5120 : i32
        %add3A_679 = arith.addi %mul3A_0, %add3A_678 : i32
        %lt3A_680 = vector.broadcast %add3A_679 : i32 to vector<16xi32>
        %lt3A_681 = arith.cmpi slt, %get3A_675, %lt3A_680 : vector<16xi32>
        %and3A_682 = arith.andi %ge3A_677, %lt3A_681 : vector<16xi1>
        %sub3A_683 = vector.broadcast %mul3A_0 : i32 to vector<16xi32>
        %sub3A_684 = arith.subi %get3A_675, %sub3A_683 : vector<16xi32>
        %and3A_685 = arith.constant 511 : i32
        %and3A_686 = vector.broadcast %and3A_685 : i32 to vector<16xi32>
        %and3A_687 = arith.andi %get3A_675, %and3A_686 : vector<16xi32>
        %add3A_688 = arith.constant 5120 : i32
        %add3A_689 = vector.broadcast %add3A_688 : i32 to vector<16xi32>
        %add3A_690 = arith.addi %add3A_689, %and3A_687 : vector<16xi32>
        %select_n3A_691 = arith.select %and3A_682, %sub3A_684, %add3A_690 : vector<16xi1>, vector<16xi32>
        %swap3A_692 = arith.index_cast %add3A_599 : i32 to index
        %swap3A_693 = arith.constant 48 : index
        %swap3A_694 = tpu.vector_load %arg10[%swap3A_692, %swap3A_693] {strides = array<i32>} : memref<25x80xi32, #tpu.memory_space<vmem>>, vector<16xi32>,
        tpu.vector_store %arg10[%swap3A_692, %swap3A_693], %select_n3A_691 {strides = array<i32>} : memref<25x80xi32, #tpu.memory_space<vmem>>, vector<16xi32>,
        %get3A_695 = arith.index_cast %add3A_599 : i32 to index
        %get3A_696 = arith.constant 64 : index
        %get3A_697 = tpu.vector_load %arg9[%get3A_695, %get3A_696] {strides = array<i32>} : memref<25x80xi32, #tpu.memory_space<vmem>>, vector<16xi32>,
        %ge3A_698 = vector.broadcast %mul3A_0 : i32 to vector<16xi32>
        %ge3A_699 = arith.cmpi sge, %get3A_697, %ge3A_698 : vector<16xi32>
        %add3A_700 = arith.constant 5120 : i32
        %add3A_701 = arith.addi %mul3A_0, %add3A_700 : i32
        %lt3A_702 = vector.broadcast %add3A_701 : i32 to vector<16xi32>
        %lt3A_703 = arith.cmpi slt, %get3A_697, %lt3A_702 : vector<16xi32>
        %and3A_704 = arith.andi %ge3A_699, %lt3A_703 : vector<16xi1>
        %sub3A_705 = vector.broadcast %mul3A_0 : i32 to vector<16xi32>
        %sub3A_706 = arith.subi %get3A_697, %sub3A_705 : vector<16xi32>
        %and3A_707 = arith.constant 511 : i32
        %and3A_708 = vector.broadcast %and3A_707 : i32 to vector<16xi32>
        %and3A_709 = arith.andi %get3A_697, %and3A_708 : vector<16xi32>
        %add3A_710 = arith.constant 5120 : i32
        %add3A_711 = vector.broadcast %add3A_710 : i32 to vector<16xi32>
        %add3A_712 = arith.addi %add3A_711, %and3A_709 : vector<16xi32>
        %select_n3A_713 = arith.select %and3A_704, %sub3A_706, %add3A_712 : vector<16xi1>, vector<16xi32>
        %swap3A_714 = arith.index_cast %add3A_599 : i32 to index
        %swap3A_715 = arith.constant 64 : index
        %swap3A_716 = tpu.vector_load %arg10[%swap3A_714, %swap3A_715] {strides = array<i32>} : memref<25x80xi32, #tpu.memory_space<vmem>>, vector<16xi32>,
        tpu.vector_store %arg10[%swap3A_714, %swap3A_715], %select_n3A_713 {strides = array<i32>} : memref<25x80xi32, #tpu.memory_space<vmem>>, vector<16xi32>,
        %dma_start3A_717 = arith.constant 0 : i32
        %dma_start3A_718 = tpu.memref_slice %arg10[%add3A_599, %dma_start3A_717] : memref<25x80xi32, #tpu.memory_space<vmem>> -> memref<1x80xi32, #tpu.memory_space<vmem>>
        %dma_start3A_719 = tpu.memref_squeeze %dma_start3A_718 : memref<1x80xi32, #tpu.memory_space<vmem>> -> memref<80xi32, #tpu.memory_space<vmem>>
        %dma_start3A_720 = arith.constant 0 : i32
        %dma_start3A_721 = arith.constant 0 : i32
        %dma_start3A_722 = tpu.memref_slice %arg7[%dma_start3A_720, %dma_start3A_721] : memref<5632x128xf32, #tpu.memory_space<vmem_shared>> -> memref<5632x128xf32, #tpu.memory_space<vmem_shared>>
        tpu.enqueue_indirect_dma source(%arg15 : memref<80x128xf32, #tpu.memory_space<vmem>>) target(%dma_start3A_722 : memref<5632x128xf32, #tpu.memory_space<vmem_shared>>) offsets(%dma_start3A_719 : memref<80xi32, #tpu.memory_space<vmem>>) semaphore(%arg25 : memref<!tpu.dma_semaphore, #tpu.memory_space<semaphore_mem>>) {add = true}
        %ge3A_723 = arith.constant 3 : i32
        %ge3A_724 = arith.cmpi sge, %add3A_599, %ge3A_723 : i32
        %convert_element_type3A_725 = arith.extui %ge3A_724 : i1 to i32
        %cond3A_726 = arith.constant 0 : i32
        %cond3A_727 = arith.cmpi ne, %convert_element_type3A_725, %cond3A_726 : i32
        scf.if %cond3A_727 {
          %dma_wait3A_735 = arith.constant 0 : i32
          %dma_wait3A_736 = arith.constant 0 : i32
          %dma_wait3A_737 = tpu.memref_slice %arg10[%dma_wait3A_735, %dma_wait3A_736] : memref<25x80xi32, #tpu.memory_space<vmem>> -> memref<1x80xi32, #tpu.memory_space<vmem>>
          %dma_wait3A_738 = tpu.memref_squeeze %dma_wait3A_737 : memref<1x80xi32, #tpu.memory_space<vmem>> -> memref<80xi32, #tpu.memory_space<vmem>>
          %dma_wait3A_739 = arith.constant 0 : i32
          %dma_wait3A_740 = arith.constant 0 : i32
          %dma_wait3A_741 = tpu.memref_slice %arg7[%dma_wait3A_739, %dma_wait3A_740] : memref<5632x128xf32, #tpu.memory_space<vmem_shared>> -> memref<5632x128xf32, #tpu.memory_space<vmem_shared>>
          tpu.wait_indirect_dma semaphore(%arg22 : memref<!tpu.dma_semaphore, #tpu.memory_space<semaphore_mem>>) src(%arg12 : memref<80x128xf32, #tpu.memory_space<vmem>>) dst(%dma_wait3A_741 : memref<5632x128xf32, #tpu.memory_space<vmem_shared>>)
        } else {
        }
        %add3A_728 = arith.constant 2 : i32
        %add3A_729 = arith.addi %add3A_599, %add3A_728 : i32
        %lt3A_730 = arith.constant 25 : i32
        %lt3A_731 = arith.cmpi slt, %add3A_729, %lt3A_730 : i32
        %convert_element_type3A_732 = arith.extui %lt3A_731 : i1 to i32
        %cond3A_733 = arith.constant 0 : i32
        %cond3A_734 = arith.cmpi ne, %convert_element_type3A_732, %cond3A_733 : i32
        scf.if %cond3A_734 {
          %add3A_735 = arith.constant 2 : i32
          %add3A_736 = arith.addi %add3A_599, %add3A_735 : i32
          %dma_start3A_737 = arith.constant 0 : i32
          %dma_start3A_738 = tpu.memref_slice %arg8[%add3A_736, %dma_start3A_737] : memref<25x80xi32, #tpu.memory_space<vmem>> -> memref<1x80xi32, #tpu.memory_space<vmem>>
          %dma_start3A_739 = tpu.memref_squeeze %dma_start3A_738 : memref<1x80xi32, #tpu.memory_space<vmem>> -> memref<80xi32, #tpu.memory_space<vmem>>
          %dma_start3A_740 = arith.constant 0 : i32
          %dma_start3A_741 = arith.constant 0 : i32
          %dma_start3A_742 = tpu.memref_slice %arg2[%dma_start3A_740, %dma_start3A_741] : memref<5120x128xf32, #tpu.memory_space<hbm>> -> memref<5120x128xf32, #tpu.memory_space<hbm>>
          tpu.enqueue_indirect_dma source(%dma_start3A_742 : memref<5120x128xf32, #tpu.memory_space<hbm>>) target(%arg12 : memref<80x128xf32, #tpu.memory_space<vmem>>) offsets(%dma_start3A_739 : memref<80xi32, #tpu.memory_space<vmem>>) semaphore(%arg17 : memref<!tpu.dma_semaphore, #tpu.memory_space<semaphore_mem>>)
        } else {
        }
      }
      %scan3A_28 = arith.constant 5 : i32
      %dma_wait3A = arith.constant 0 : i32
      %dma_wait3A_29 = arith.constant 0 : i32
      %dma_wait3A_30 = tpu.memref_slice %arg10[%dma_wait3A, %dma_wait3A_29] : memref<25x80xi32, #tpu.memory_space<vmem>> -> memref<1x80xi32, #tpu.memory_space<vmem>>
      %dma_wait3A_31 = tpu.memref_squeeze %dma_wait3A_30 : memref<1x80xi32, #tpu.memory_space<vmem>> -> memref<80xi32, #tpu.memory_space<vmem>>
      %dma_wait3A_32 = arith.constant 0 : i32
      %dma_wait3A_33 = arith.constant 0 : i32
      %dma_wait3A_34 = tpu.memref_slice %arg7[%dma_wait3A_32, %dma_wait3A_33] : memref<5632x128xf32, #tpu.memory_space<vmem_shared>> -> memref<5632x128xf32, #tpu.memory_space<vmem_shared>>
      tpu.wait_indirect_dma semaphore(%arg23 : memref<!tpu.dma_semaphore, #tpu.memory_space<semaphore_mem>>) src(%arg13 : memref<80x128xf32, #tpu.memory_space<vmem>>) dst(%dma_wait3A_34 : memref<5632x128xf32, #tpu.memory_space<vmem_shared>>)
      %dma_wait3A_35 = arith.constant 0 : i32
      %dma_wait3A_36 = arith.constant 0 : i32
      %dma_wait3A_37 = tpu.memref_slice %arg10[%dma_wait3A_35, %dma_wait3A_36] : memref<25x80xi32, #tpu.memory_space<vmem>> -> memref<1x80xi32, #tpu.memory_space<vmem>>
      %dma_wait3A_38 = tpu.memref_squeeze %dma_wait3A_37 : memref<1x80xi32, #tpu.memory_space<vmem>> -> memref<80xi32, #tpu.memory_space<vmem>>
      %dma_wait3A_39 = arith.constant 0 : i32
      %dma_wait3A_40 = arith.constant 0 : i32
      %dma_wait3A_41 = tpu.memref_slice %arg7[%dma_wait3A_39, %dma_wait3A_40] : memref<5632x128xf32, #tpu.memory_space<vmem_shared>> -> memref<5632x128xf32, #tpu.memory_space<vmem_shared>>
      tpu.wait_indirect_dma semaphore(%arg24 : memref<!tpu.dma_semaphore, #tpu.memory_space<semaphore_mem>>) src(%arg14 : memref<80x128xf32, #tpu.memory_space<vmem>>) dst(%dma_wait3A_41 : memref<5632x128xf32, #tpu.memory_space<vmem_shared>>)
      %dma_wait3A_42 = arith.constant 0 : i32
      %dma_wait3A_43 = arith.constant 0 : i32
      %dma_wait3A_44 = tpu.memref_slice %arg10[%dma_wait3A_42, %dma_wait3A_43] : memref<25x80xi32, #tpu.memory_space<vmem>> -> memref<1x80xi32, #tpu.memory_space<vmem>>
      %dma_wait3A_45 = tpu.memref_squeeze %dma_wait3A_44 : memref<1x80xi32, #tpu.memory_space<vmem>> -> memref<80xi32, #tpu.memory_space<vmem>>
      %dma_wait3A_46 = arith.constant 0 : i32
      %dma_wait3A_47 = arith.constant 0 : i32
      %dma_wait3A_48 = tpu.memref_slice %arg7[%dma_wait3A_46, %dma_wait3A_47] : memref<5632x128xf32, #tpu.memory_space<vmem_shared>> -> memref<5632x128xf32, #tpu.memory_space<vmem_shared>>
      tpu.wait_indirect_dma semaphore(%arg25 : memref<!tpu.dma_semaphore, #tpu.memory_space<semaphore_mem>>) src(%arg15 : memref<80x128xf32, #tpu.memory_space<vmem>>) dst(%dma_wait3A_48 : memref<5632x128xf32, #tpu.memory_space<vmem_shared>>)
    }
    %scan3A_7 = arith.constant 10 : i32
    %barrier3A_8 = arith.constant 0 : index
    tpu.barrier barrier_id(%barrier3A_8)
    "tpu.region"() ({
      %run_scoped3A = tpu.sem_alloc : memref<!tpu.dma_semaphore, #tpu.memory_space<semaphore_mem>>
      %dma_start3A = arith.constant 0 : i32
      %dma_start3A_9 = tpu.memref_slice %arg6[%arg0, %mul3A_2, %dma_start3A] : memref<2x5632x128xf32, #tpu.memory_space<hbm>> -> memref<1x352x128xf32, #tpu.memory_space<hbm>>
      %dma_start3A_10 = tpu.memref_squeeze %dma_start3A_9 : memref<1x352x128xf32, #tpu.memory_space<hbm>> -> memref<352x128xf32, #tpu.memory_space<hbm>>
      %dma_start3A_11 = arith.constant 0 : i32
      %dma_start3A_12 = tpu.memref_slice %arg7[%mul3A_2, %dma_start3A_11] : memref<5632x128xf32, #tpu.memory_space<vmem_shared>> -> memref<352x128xf32, #tpu.memory_space<vmem_shared>>
      tpu.enqueue_dma source(%dma_start3A_12 : memref<352x128xf32, #tpu.memory_space<vmem_shared>>) target(%dma_start3A_10 : memref<352x128xf32, #tpu.memory_space<hbm>>) target_semaphore(%run_scoped3A : memref<!tpu.dma_semaphore, #tpu.memory_space<semaphore_mem>>)
      %dma_wait3A = arith.constant 0 : i32
      %dma_wait3A_13 = tpu.memref_slice %arg6[%arg0, %mul3A_2, %dma_wait3A] : memref<2x5632x128xf32, #tpu.memory_space<hbm>> -> memref<1x352x128xf32, #tpu.memory_space<hbm>>
      %dma_wait3A_14 = tpu.memref_squeeze %dma_wait3A_13 : memref<1x352x128xf32, #tpu.memory_space<hbm>> -> memref<352x128xf32, #tpu.memory_space<hbm>>
      %dma_wait3A_15 = arith.constant 0 : i32
      %dma_wait3A_16 = tpu.memref_slice %arg7[%mul3A_2, %dma_wait3A_15] : memref<5632x128xf32, #tpu.memory_space<vmem_shared>> -> memref<352x128xf32, #tpu.memory_space<vmem_shared>>
      tpu.wait_dma2 semaphore(%run_scoped3A : memref<!tpu.dma_semaphore, #tpu.memory_space<semaphore_mem>>) src(%dma_wait3A_16 : memref<352x128xf32, #tpu.memory_space<vmem_shared>>) dst(%dma_wait3A_14 : memref<352x128xf32, #tpu.memory_space<hbm>>)
      tpu.yield
    }) : () -> ()
    return
  }
}

module attributes {stable_mosaic.version = 14 : i64} {
  func.func @_linear_body(%arg0: i32, %arg1: memref<1000x128xf32, #tpu.memory_space<vmem>>, %arg2: memref<128x128xf32, #tpu.memory_space<vmem>>, %arg3: memref<1x128xf32, #tpu.memory_space<vmem>>, %arg4: memref<1000x128xf32, #tpu.memory_space<vmem>>) attributes {dimension_semantics = [#tpu.dimension_semantics<arbitrary>], iteration_bounds = array<i64: 10>, scalar_prefetch = 0 : i64, scratch_operands = 0 : i64, tpu.core_type = #tpu.core_type<tc>, window_params = [{transform_indices = @transform_0, window_bounds = array<i64: 1000, 128>}, {pipeline_mode = #tpu.pipeline_mode<synchronous>, transform_indices = @transform_1, window_bounds = array<i64: 128, 128>}, {pipeline_mode = #tpu.pipeline_mode<synchronous>, transform_indices = @transform_2, window_bounds = array<i64: 1, 128>}, {transform_indices = @transform_3, window_bounds = array<i64: 1000, 128>}]} {
    %get3A = arith.constant 0 : index
    %get3A_0 = arith.constant 0 : index
    %get3A_1 = vector.load %arg1[%get3A, %get3A_0] : memref<1000x128xf32, #tpu.memory_space<vmem>>, vector<1000x128xf32>
    %get3A_2 = arith.constant 0 : index
    %get3A_3 = arith.constant 0 : index
    %get3A_4 = vector.load %arg2[%get3A_2, %get3A_3] : memref<128x128xf32, #tpu.memory_space<vmem>>, vector<128x128xf32>
    %dot_general3A = arith.constant dense<0.000000e+00> : vector<1000x128xf32>
    %dot_general3A_5 = tpu.matmul %get3A_1, %get3A_4, %dot_general3A {dimension_numbers = #tpu.dot_dimension_numbers<[1], [0], [0], [1], [0, 0, 1, 1], [], []>, transpose_lhs_hint = false} : vector<1000x128xf32>, vector<128x128xf32>, vector<1000x128xf32> -> vector<1000x128xf32>
    %get3A_6 = arith.constant 0 : index
    %get3A_7 = arith.constant 0 : index
    %get3A_8 = vector.load %arg3[%get3A_6, %get3A_7] : memref<1x128xf32, #tpu.memory_space<vmem>>, vector<1x128xf32>
    %add3A = vector.broadcast %get3A_8 : vector<1x128xf32> to vector<1000x128xf32>
    %add3A_9 = arith.addf %dot_general3A_5, %add3A : vector<1000x128xf32>
    %swap3A = arith.constant 0 : index
    %swap3A_10 = arith.constant 0 : index
    %swap3A_11 = vector.load %arg4[%swap3A, %swap3A_10] : memref<1000x128xf32, #tpu.memory_space<vmem>>, vector<1000x128xf32>
    tpu.vector_store %arg4[%swap3A, %swap3A_10], %add3A_9 {strides = array<i32>} : memref<1000x128xf32, #tpu.memory_space<vmem>>, vector<1000x128xf32>,
    return
  }
  func.func @transform_0(%arg0: i32) -> (i32, i32) {
    %c0_i32 = arith.constant 0 : i32
    %c0_i32_0 = arith.constant 0 : i32
    return %arg0, %c0_i32 : i32, i32
  }
  func.func @transform_1(%arg0: i32) -> (i32, i32) {
    %c0_i32 = arith.constant 0 : i32
    %c0_i32_0 = arith.constant 0 : i32
    %c0_i32_1 = arith.constant 0 : i32
    return %c0_i32, %c0_i32_0 : i32, i32
  }
  func.func @transform_2(%arg0: i32) -> (i32, i32) {
    %c0_i32 = arith.constant 0 : i32
    %c0_i32_0 = arith.constant 0 : i32
    %c0_i32_1 = arith.constant 0 : i32
    return %c0_i32, %c0_i32_0 : i32, i32
  }
  func.func @transform_3(%arg0: i32) -> (i32, i32) {
    %c0_i32 = arith.constant 0 : i32
    %c0_i32_0 = arith.constant 0 : i32
    return %arg0, %c0_i32 : i32, i32
  }
}

module attributes {stable_mosaic.version = 14 : i64} {
  func.func @_combine_body(%arg0: i32, %arg1: memref<2x512x128xf32, #tpu.memory_space<vmem>>, %arg2: memref<2x16x512xf32, #tpu.memory_space<vmem>>, %arg3: memref<512x128xf32, #tpu.memory_space<vmem>>) attributes {dimension_semantics = [#tpu.dimension_semantics<arbitrary>], iteration_bounds = array<i64: 10>, scalar_prefetch = 0 : i64, scratch_operands = 0 : i64, tpu.core_type = #tpu.core_type<tc>, window_params = [{transform_indices = @transform_0, window_bounds = array<i64: 2, 512, 128>}, {transform_indices = @transform_1, window_bounds = array<i64: 2, 16, 512>}, {transform_indices = @transform_2, window_bounds = array<i64: 512, 128>}]} {
    %get3A = arith.constant 0 : index
    %get3A_0 = arith.constant 0 : index
    %get3A_1 = arith.constant 0 : index
    %get3A_2 = vector.load %arg1[%get3A, %get3A_0, %get3A_1] : memref<2x512x128xf32, #tpu.memory_space<vmem>>, vector<1x512x128xf32>
    %get3A_3 = vector.shape_cast %get3A_2 : vector<1x512x128xf32> to vector<512x128xf32>
    %get3A_4 = arith.constant 1 : index
    %get3A_5 = arith.constant 0 : index
    %get3A_6 = arith.constant 0 : index
    %get3A_7 = vector.load %arg1[%get3A_4, %get3A_5, %get3A_6] : memref<2x512x128xf32, #tpu.memory_space<vmem>>, vector<1x512x128xf32>
    %get3A_8 = vector.shape_cast %get3A_7 : vector<1x512x128xf32> to vector<512x128xf32>
    %add3A = arith.addf %get3A_3, %get3A_8 : vector<512x128xf32>
    %get3A_9 = arith.constant 0 : index
    %get3A_10 = arith.constant 0 : index
    %get3A_11 = arith.constant 0 : index
    %get3A_12 = vector.load %arg2[%get3A_9, %get3A_10, %get3A_11] : memref<2x16x512xf32, #tpu.memory_space<vmem>>, vector<2x16x512xf32>
    %reduce_sum3A = arith.constant dense<0.000000e+00> : vector<512xf32>
    %reduce_sum3A_13 = vector.multi_reduction <add>, %get3A_12, %reduce_sum3A [0, 1] : vector<2x16x512xf32> to vector<512xf32>
    %broadcast_in_dim3A = vector.shape_cast %reduce_sum3A_13 : vector<512xf32> to vector<512x1xf32>
    %max3A = arith.constant 1.000000e+00 : f32
    %max3A_14 = vector.broadcast %max3A : f32 to vector<512x1xf32>
    %max3A_15 = arith.maximumf %broadcast_in_dim3A, %max3A_14 : vector<512x1xf32>
    %div3A = vector.broadcast %max3A_15 : vector<512x1xf32> to vector<512x128xf32>
    %div3A_16 = arith.divf %add3A, %div3A : vector<512x128xf32>
    %swap3A = arith.constant 0 : index
    %swap3A_17 = arith.constant 0 : index
    %swap3A_18 = vector.load %arg3[%swap3A, %swap3A_17] : memref<512x128xf32, #tpu.memory_space<vmem>>, vector<512x128xf32>
    tpu.vector_store %arg3[%swap3A, %swap3A_17], %div3A_16 {strides = array<i32>} : memref<512x128xf32, #tpu.memory_space<vmem>>, vector<512x128xf32>,
    return
  }
  func.func @transform_0(%arg0: i32) -> (i32, i32, i32) {
    %c0_i32 = arith.constant 0 : i32
    %c0_i32_0 = arith.constant 0 : i32
    %c0_i32_1 = arith.constant 0 : i32
    return %c0_i32, %arg0, %c0_i32_0 : i32, i32, i32
  }
  func.func @transform_1(%arg0: i32) -> (i32, i32, i32) {
    %c0_i32 = arith.constant 0 : i32
    %c0_i32_0 = arith.constant 0 : i32
    %c0_i32_1 = arith.constant 0 : i32
    return %c0_i32, %c0_i32_0, %arg0 : i32, i32, i32
  }
  func.func @transform_2(%arg0: i32) -> (i32, i32) {
    %c0_i32 = arith.constant 0 : i32
    %c0_i32_0 = arith.constant 0 : i32
    return %arg0, %c0_i32 : i32, i32
  }
}

module attributes {stable_mosaic.version = 14 : i64} {
  func.func @_final_body(%arg0: i32, %arg1: memref<1x1024x128xf32, #tpu.memory_space<vmem>>, %arg2: memref<2x16x1024xf32, #tpu.memory_space<vmem>>, %arg3: memref<8x128xf32, #tpu.memory_space<vmem>>, %arg4: memref<1024x128xf32, #tpu.memory_space<vmem>>, %arg5: memref<1x1xf32, #tpu.memory_space<vmem>>) attributes {dimension_semantics = [#tpu.dimension_semantics<arbitrary>], iteration_bounds = array<i64: 10>, scalar_prefetch = 0 : i64, scratch_operands = 0 : i64, tpu.core_type = #tpu.core_type<tc>, window_params = [{transform_indices = @transform_0, window_bounds = array<i64: 1, 1024, 128>}, {transform_indices = @transform_1, window_bounds = array<i64: 2, 16, 1024>}, {pipeline_mode = #tpu.pipeline_mode<synchronous>, transform_indices = @transform_2, window_bounds = array<i64: 8, 128>}, {transform_indices = @transform_3, window_bounds = array<i64: 1024, 128>}, {pipeline_mode = #tpu.pipeline_mode<synchronous>, transform_indices = @transform_4, window_bounds = array<i64: 1, 1>}]} {
    %get3A = arith.constant 0 : index
    %get3A_0 = arith.constant 0 : index
    %get3A_1 = arith.constant 0 : index
    %get3A_2 = vector.load %arg2[%get3A, %get3A_0, %get3A_1] : memref<2x16x1024xf32, #tpu.memory_space<vmem>>, vector<2x16x1024xf32>
    %reduce_sum3A = arith.constant dense<0.000000e+00> : vector<1024xf32>
    %reduce_sum3A_3 = vector.multi_reduction <add>, %get3A_2, %reduce_sum3A [0, 1] : vector<2x16x1024xf32> to vector<1024xf32>
    %broadcast_in_dim3A = vector.shape_cast %reduce_sum3A_3 : vector<1024xf32> to vector<1024x1xf32>
    %get3A_4 = arith.constant 0 : index
    %get3A_5 = arith.constant 0 : index
    %get3A_6 = arith.constant 0 : index
    %get3A_7 = vector.load %arg1[%get3A_4, %get3A_5, %get3A_6] : memref<1x1024x128xf32, #tpu.memory_space<vmem>>, vector<1x1024x128xf32>
    %get3A_8 = vector.shape_cast %get3A_7 : vector<1x1024x128xf32> to vector<1024x128xf32>
    %max3A = arith.constant 1.000000e+00 : f32
    %max3A_9 = vector.broadcast %max3A : f32 to vector<1024x1xf32>
    %max3A_10 = arith.maximumf %broadcast_in_dim3A, %max3A_9 : vector<1024x1xf32>
    %div3A = vector.broadcast %max3A_10 : vector<1024x1xf32> to vector<1024x128xf32>
    %div3A_11 = arith.divf %get3A_8, %div3A : vector<1024x128xf32>
    %max3A_12 = arith.constant 0.000000e+00 : f32
    %max3A_13 = vector.broadcast %max3A_12 : f32 to vector<1024x128xf32>
    %max3A_14 = arith.maximumf %div3A_11, %max3A_13 : vector<1024x128xf32>
    %swap3A = arith.constant 0 : index
    %swap3A_15 = arith.constant 0 : index
    %swap3A_16 = vector.load %arg4[%swap3A, %swap3A_15] : memref<1024x128xf32, #tpu.memory_space<vmem>>, vector<1024x128xf32>
    tpu.vector_store %arg4[%swap3A, %swap3A_15], %max3A_14 {strides = array<i32>} : memref<1024x128xf32, #tpu.memory_space<vmem>>, vector<1024x128xf32>,
    %get3A_17 = arith.constant 0 : index
    %get3A_18 = arith.constant 0 : index
    %get3A_19 = vector.load %arg3[%get3A_17, %get3A_18] : memref<8x128xf32, #tpu.memory_space<vmem>>, vector<8x128xf32>
    %tile3A = tpu.concatenate %get3A_19, %get3A_19, %get3A_19, %get3A_19, %get3A_19, %get3A_19, %get3A_19, %get3A_19, %get3A_19, %get3A_19, %get3A_19, %get3A_19, %get3A_19, %get3A_19, %get3A_19, %get3A_19, %get3A_19, %get3A_19, %get3A_19, %get3A_19, %get3A_19, %get3A_19, %get3A_19, %get3A_19, %get3A_19, %get3A_19, %get3A_19, %get3A_19, %get3A_19, %get3A_19, %get3A_19, %get3A_19, %get3A_19, %get3A_19, %get3A_19, %get3A_19, %get3A_19, %get3A_19, %get3A_19, %get3A_19, %get3A_19, %get3A_19, %get3A_19, %get3A_19, %get3A_19, %get3A_19, %get3A_19, %get3A_19, %get3A_19, %get3A_19, %get3A_19, %get3A_19, %get3A_19, %get3A_19, %get3A_19, %get3A_19, %get3A_19, %get3A_19, %get3A_19, %get3A_19, %get3A_19, %get3A_19, %get3A_19, %get3A_19, %get3A_19, %get3A_19, %get3A_19, %get3A_19, %get3A_19, %get3A_19, %get3A_19, %get3A_19, %get3A_19, %get3A_19, %get3A_19, %get3A_19, %get3A_19, %get3A_19, %get3A_19, %get3A_19, %get3A_19, %get3A_19, %get3A_19, %get3A_19, %get3A_19, %get3A_19, %get3A_19, %get3A_19, %get3A_19, %get3A_19, %get3A_19, %get3A_19, %get3A_19, %get3A_19, %get3A_19, %get3A_19, %get3A_19, %get3A_19, %get3A_19, %get3A_19, %get3A_19, %get3A_19, %get3A_19, %get3A_19, %get3A_19, %get3A_19, %get3A_19, %get3A_19, %get3A_19, %get3A_19, %get3A_19, %get3A_19, %get3A_19, %get3A_19, %get3A_19, %get3A_19, %get3A_19, %get3A_19, %get3A_19, %get3A_19, %get3A_19, %get3A_19, %get3A_19, %get3A_19, %get3A_19, %get3A_19, %get3A_19, %get3A_19 in 0 : vector<8x128xf32>, vector<8x128xf32>, vector<8x128xf32>, vector<8x128xf32>, vector<8x128xf32>, vector<8x128xf32>, vector<8x128xf32>, vector<8x128xf32>, vector<8x128xf32>, vector<8x128xf32>, vector<8x128xf32>, vector<8x128xf32>, vector<8x128xf32>, vector<8x128xf32>, vector<8x128xf32>, vector<8x128xf32>, vector<8x128xf32>, vector<8x128xf32>, vector<8x128xf32>, vector<8x128xf32>, vector<8x128xf32>, vector<8x128xf32>, vector<8x128xf32>, vector<8x128xf32>, vector<8x128xf32>, vector<8x128xf32>, vector<8x128xf32>, vector<8x128xf32>, vector<8x128xf32>, vector<8x128xf32>, vector<8x128xf32>, vector<8x128xf32>, vector<8x128xf32>, vector<8x128xf32>, vector<8x128xf32>, vector<8x128xf32>, vector<8x128xf32>, vector<8x128xf32>, vector<8x128xf32>, vector<8x128xf32>, vector<8x128xf32>, vector<8x128xf32>, vector<8x128xf32>, vector<8x128xf32>, vector<8x128xf32>, vector<8x128xf32>, vector<8x128xf32>, vector<8x128xf32>, vector<8x128xf32>, vector<8x128xf32>, vector<8x128xf32>, vector<8x128xf32>, vector<8x128xf32>, vector<8x128xf32>, vector<8x128xf32>, vector<8x128xf32>, vector<8x128xf32>, vector<8x128xf32>, vector<8x128xf32>, vector<8x128xf32>, vector<8x128xf32>, vector<8x128xf32>, vector<8x128xf32>, vector<8x128xf32>, vector<8x128xf32>, vector<8x128xf32>, vector<8x128xf32>, vector<8x128xf32>, vector<8x128xf32>, vector<8x128xf32>, vector<8x128xf32>, vector<8x128xf32>, vector<8x128xf32>, vector<8x128xf32>, vector<8x128xf32>, vector<8x128xf32>, vector<8x128xf32>, vector<8x128xf32>, vector<8x128xf32>, vector<8x128xf32>, vector<8x128xf32>, vector<8x128xf32>, vector<8x128xf32>, vector<8x128xf32>, vector<8x128xf32>, vector<8x128xf32>, vector<8x128xf32>, vector<8x128xf32>, vector<8x128xf32>, vector<8x128xf32>, vector<8x128xf32>, vector<8x128xf32>, vector<8x128xf32>, vector<8x128xf32>, vector<8x128xf32>, vector<8x128xf32>, vector<8x128xf32>, vector<8x128xf32>, vector<8x128xf32>, vector<8x128xf32>, vector<8x128xf32>, vector<8x128xf32>, vector<8x128xf32>, vector<8x128xf32>, vector<8x128xf32>, vector<8x128xf32>, vector<8x128xf32>, vector<8x128xf32>, vector<8x128xf32>, vector<8x128xf32>, vector<8x128xf32>, vector<8x128xf32>, vector<8x128xf32>, vector<8x128xf32>, vector<8x128xf32>, vector<8x128xf32>, vector<8x128xf32>, vector<8x128xf32>, vector<8x128xf32>, vector<8x128xf32>, vector<8x128xf32>, vector<8x128xf32>, vector<8x128xf32>, vector<8x128xf32>, vector<8x128xf32>, vector<8x128xf32>, vector<8x128xf32>, vector<8x128xf32> -> vector<1024x128xf32>
    %mul3A = arith.mulf %max3A_14, %tile3A : vector<1024x128xf32>
    %reduce_sum3A_20 = arith.constant dense<0.000000e+00> : vector<1024xf32>
    %reduce_sum3A_21 = vector.multi_reduction <add>, %mul3A, %reduce_sum3A_20 [1] : vector<1024x128xf32> to vector<1024xf32>
    %broadcast_in_dim3A_22 = vector.shape_cast %reduce_sum3A_21 : vector<1024xf32> to vector<1024x1xf32>
    %mul3A_23 = arith.constant 7.812500e-03 : f32
    %mul3A_24 = vector.broadcast %mul3A_23 : f32 to vector<1024x1xf32>
    %mul3A_25 = arith.mulf %broadcast_in_dim3A_22, %mul3A_24 : vector<1024x1xf32>
    %ge3A = arith.constant 0.000000e+00 : f32
    %ge3A_26 = vector.broadcast %ge3A : f32 to vector<1024x1xf32>
    %ge3A_27 = arith.cmpf oge, %mul3A_25, %ge3A_26 : vector<1024x1xf32>
    %mul3A_28 = arith.constant 2.000000e-01 : f32
    %mul3A_29 = vector.broadcast %mul3A_28 : f32 to vector<1024x1xf32>
    %mul3A_30 = arith.mulf %mul3A_29, %mul3A_25 : vector<1024x1xf32>
    %select_n3A = arith.select %ge3A_27, %mul3A_25, %mul3A_30 : vector<1024x1xi1>, vector<1024x1xf32>
    %logistic3A = arith.negf %select_n3A : vector<1024x1xf32>
    %logistic3A_31 = math.exp %logistic3A : vector<1024x1xf32>
    %logistic3A_32 = arith.constant 1.000000e+00 : f32
    %logistic3A_33 = vector.broadcast %logistic3A_32 : f32 to vector<1024x1xf32>
    %logistic3A_34 = arith.addf %logistic3A_33, %logistic3A_31 : vector<1024x1xf32>
    %logistic3A_35 = arith.divf %logistic3A_33, %logistic3A_34 : vector<1024x1xf32>
    %jit3A = arith.constant 0.00999999977 : f32
    %jit3A_36 = arith.constant 9.900000e-01 : f32
    %max3A_37 = vector.broadcast %jit3A : f32 to vector<1024x1xf32>
    %max3A_38 = arith.maximumf %max3A_37, %logistic3A_35 : vector<1024x1xf32>
    %min3A = vector.broadcast %jit3A_36 : f32 to vector<1024x1xf32>
    %min3A_39 = arith.minimumf %min3A, %max3A_38 : vector<1024x1xf32>
    %div3A_40 = arith.constant 5.000000e-01 : f32
    %div3A_41 = vector.broadcast %div3A_40 : f32 to vector<1024x1xf32>
    %div3A_42 = arith.divf %min3A_39, %div3A_41 : vector<1024x1xf32>
    %log3A = math.log %div3A_42 : vector<1024x1xf32>
    %mul3A_43 = arith.mulf %min3A_39, %log3A : vector<1024x1xf32>
    %sub3A = arith.constant 1.000000e+00 : f32
    %sub3A_44 = vector.broadcast %sub3A : f32 to vector<1024x1xf32>
    %sub3A_45 = arith.subf %sub3A_44, %min3A_39 : vector<1024x1xf32>
    %sub3A_46 = arith.constant 1.000000e+00 : f32
    %sub3A_47 = vector.broadcast %sub3A_46 : f32 to vector<1024x1xf32>
    %sub3A_48 = arith.subf %sub3A_47, %min3A_39 : vector<1024x1xf32>
    %div3A_49 = arith.constant 5.000000e-01 : f32
    %div3A_50 = vector.broadcast %div3A_49 : f32 to vector<1024x1xf32>
    %div3A_51 = arith.divf %sub3A_48, %div3A_50 : vector<1024x1xf32>
    %log3A_52 = math.log %div3A_51 : vector<1024x1xf32>
    %mul3A_53 = arith.mulf %sub3A_45, %log3A_52 : vector<1024x1xf32>
    %add3A = arith.addf %mul3A_43, %mul3A_53 : vector<1024x1xf32>
    %reduce_sum3A_54 = vector.shape_cast %add3A : vector<1024x1xf32> to vector<1x1024x1xf32>
    %reduce_sum3A_55 = arith.constant dense<0.000000e+00> : vector<1xf32>
    %reduce_sum3A_56 = vector.multi_reduction <add>, %reduce_sum3A_54, %reduce_sum3A_55 [1, 2] : vector<1x1024x1xf32> to vector<1xf32>
    %reduce_sum3A_57 = vector.shape_cast %reduce_sum3A_56 : vector<1xf32> to vector<1x1x1xf32>
    %reduce_sum3A_58 = vector.extract %reduce_sum3A_57[0, 0, 0] : f32 from vector<1x1x1xf32>
    %reshape3A = vector.broadcast %reduce_sum3A_58 : f32 to vector<1x1xf32>
    %eq3A = arith.constant 0 : i32
    %eq3A_59 = arith.cmpi eq, %arg0, %eq3A : i32
    %convert_element_type3A = arith.extui %eq3A_59 : i1 to i32
    %cond3A = arith.constant 0 : i32
    %cond3A_60 = arith.cmpi ne, %convert_element_type3A, %cond3A : i32
    scf.if %cond3A_60 {
      %broadcast_in_dim3A_68 = arith.constant 0.000000e+00 : f32
      %broadcast_in_dim3A_69 = vector.broadcast %broadcast_in_dim3A_68 : f32 to vector<1x1xf32>
      %swap3A_70 = arith.constant 0 : index
      %swap3A_71 = arith.constant 0 : index
      %swap3A_72 = vector.load %arg5[%swap3A_70, %swap3A_71] : memref<1x1xf32, #tpu.memory_space<vmem>>, vector<1x1xf32>
      tpu.vector_store %arg5[%swap3A_70, %swap3A_71], %broadcast_in_dim3A_69 {strides = array<i32>} : memref<1x1xf32, #tpu.memory_space<vmem>>, vector<1x1xf32>,
    } else {
    }
    %get3A_61 = arith.constant 0 : index
    %get3A_62 = arith.constant 0 : index
    %get3A_63 = vector.load %arg5[%get3A_61, %get3A_62] : memref<1x1xf32, #tpu.memory_space<vmem>>, vector<1x1xf32>
    %add3A_64 = arith.addf %get3A_63, %reshape3A : vector<1x1xf32>
    %swap3A_65 = arith.constant 0 : index
    %swap3A_66 = arith.constant 0 : index
    %swap3A_67 = vector.load %arg5[%swap3A_65, %swap3A_66] : memref<1x1xf32, #tpu.memory_space<vmem>>, vector<1x1xf32>
    tpu.vector_store %arg5[%swap3A_65, %swap3A_66], %add3A_64 {strides = array<i32>} : memref<1x1xf32, #tpu.memory_space<vmem>>, vector<1x1xf32>,
    return
  }
  func.func @transform_0(%arg0: i32) -> (i32, i32, i32) {
    %jit3A = arith.constant 5 : i32
    %div3A = arith.divsi %arg0, %jit3A : i32
    %sign3A = arith.constant 0 : i32
    %sign3A_0 = arith.cmpi sgt, %arg0, %sign3A : i32
    %sign3A_1 = arith.extui %sign3A_0 : i1 to i32
    %sign3A_2 = arith.constant 0 : i32
    %sign3A_3 = arith.cmpi slt, %arg0, %sign3A_2 : i32
    %sign3A_4 = arith.extui %sign3A_3 : i1 to i32
    %sign3A_5 = arith.subi %sign3A_1, %sign3A_4 : i32
    %sign3A_6 = arith.constant 0 : i32
    %sign3A_7 = arith.cmpi sgt, %jit3A, %sign3A_6 : i32
    %sign3A_8 = arith.extui %sign3A_7 : i1 to i32
    %sign3A_9 = arith.constant 0 : i32
    %sign3A_10 = arith.cmpi slt, %jit3A, %sign3A_9 : i32
    %sign3A_11 = arith.extui %sign3A_10 : i1 to i32
    %sign3A_12 = arith.subi %sign3A_8, %sign3A_11 : i32
    %ne3A = arith.cmpi ne, %sign3A_5, %sign3A_12 : i32
    %rem3A = arith.remsi %arg0, %jit3A : i32
    %ne3A_13 = arith.constant 0 : i32
    %ne3A_14 = arith.cmpi ne, %rem3A, %ne3A_13 : i32
    %and3A = arith.andi %ne3A, %ne3A_14 : i1
    %sub3A = arith.constant 1 : i32
    %sub3A_15 = arith.subi %div3A, %sub3A : i32
    %select_n3A = arith.select %and3A, %sub3A_15, %div3A : i32
    %jit3A_16 = arith.constant 5 : i32
    %eq3A = arith.constant 0 : i32
    %eq3A_17 = arith.cmpi eq, %jit3A_16, %eq3A : i32
    %jit3A_18 = arith.constant 1 : i32
    %select_n3A_19 = arith.select %eq3A_17, %jit3A_18, %jit3A_16 : i32
    %rem3A_20 = arith.remsi %arg0, %select_n3A_19 : i32
    %ne3A_21 = arith.constant 0 : i32
    %ne3A_22 = arith.cmpi ne, %rem3A_20, %ne3A_21 : i32
    %lt3A = arith.constant 0 : i32
    %lt3A_23 = arith.cmpi slt, %rem3A_20, %lt3A : i32
    %lt3A_24 = arith.constant 0 : i32
    %lt3A_25 = arith.cmpi slt, %select_n3A_19, %lt3A_24 : i32
    %ne3A_26 = arith.xori %lt3A_23, %lt3A_25 : i1
    %and3A_27 = arith.andi %ne3A_26, %ne3A_22 : i1
    %add3A = arith.addi %rem3A_20, %select_n3A_19 : i32
    %select_n3A_28 = arith.select %and3A_27, %add3A, %rem3A_20 : i32
    %c0_i32 = arith.constant 0 : i32
    %c0_i32_29 = arith.constant 0 : i32
    return %select_n3A, %select_n3A_28, %c0_i32 : i32, i32, i32
  }
  func.func @transform_1(%arg0: i32) -> (i32, i32, i32) {
    %c0_i32 = arith.constant 0 : i32
    %c0_i32_0 = arith.constant 0 : i32
    %c0_i32_1 = arith.constant 0 : i32
    return %c0_i32, %c0_i32_0, %arg0 : i32, i32, i32
  }
  func.func @transform_2(%arg0: i32) -> (i32, i32) {
    %c0_i32 = arith.constant 0 : i32
    %c0_i32_0 = arith.constant 0 : i32
    %c0_i32_1 = arith.constant 0 : i32
    return %c0_i32, %c0_i32_0 : i32, i32
  }
  func.func @transform_3(%arg0: i32) -> (i32, i32) {
    %c0_i32 = arith.constant 0 : i32
    %c0_i32_0 = arith.constant 0 : i32
    return %arg0, %c0_i32 : i32, i32
  }
  func.func @transform_4(%arg0: i32) -> (i32, i32) {
    %c0_i32 = arith.constant 0 : i32
    %c0_i32_0 = arith.constant 0 : i32
    %c0_i32_1 = arith.constant 0 : i32
    return %c0_i32, %c0_i32_0 : i32, i32
  }
}

</mosaic_0001>

<sc_bundles>
// kernel: kernel.10.cloned.1.call-start
scs
__scs_entry_jumppad:
0x0: {  	(pc) =	sbr.rel $0x88, $3  }
0x1: {  	(tag) =	ssettag $0x0;
	lr =	simm.s32 $0x1  }
0x2: {  	[smem:$0x3F9B] =	sst lr;
	_ =	strace $0xD0000000  }
0x3: {  	_ = 	snop  }
0x4: {  	_ = 	snop  }
0x5: {  	_ = 	snop  }
0x6: {  	_ = 	snop  }
0x7: {  	_ = 	snop  }
__scs_overlays_trampoline_lowered:
0x8: {  	[smem:$0x3FAA] =	sst s0  }
0x9: {  	[smem:$0x3FAB] =	sst s1  }
0xa: {  	[smem:$0x3FAC] =	sst s2  }
0xb: {  	[smem:$0x3FAD] =	sst s3  }
0xc: {  	[smem:$0x3FAE] =	sst s4  }
0xd: {  	[smem:$0x3FAF] =	sst s5  }
0xe: {  	[smem:$0x3FB0] =	sst s6  }
0xf: {  	[smem:$0x3FB1] =	sst s7  }
0x10: {  	[smem:$0x3FB2] =	sst s8  }
0x11: {  	[smem:$0x3FB3] =	sst s9;
	s0 =	simm.s32 @!p0 $0x0  }
0x12: {  	s1 =	sld [smem:$0x3F99];
	s0 =	simm.s32 @p0 $0x1  }
0x13: {  	[smem:$0x3FB4] =	sst s0;
	s0 =	simm.s32 @!p1 $0x0  }
0x14: {  	s2 =	sld [smem:$0x3F98];
	s0 =	simm.s32 @p1 $0x1  }
0x15: {  	[smem:$0x3FB5] =	sst s0;
	s0 =	simm.s32 @!p2 $0x0  }
0x16: {  	s3 =	sld [smem:$0x3FDB];
	s0 =	simm.s32 @p2 $0x1  }
0x17: {  	s4 =	simm.s32 $0x1BF5;
	[smem:$0x3FB7] =	sst s0  }
0x18: {  	s0 =	sld [smem:$0x3F9A];
	_ =	swait.ge [sflag:s4], $0x0  }
0x19: {  	s7 =	sld [smem:$0x3F9B]  }
0x1a: {  	s8 =	sadd.s32 $0xFFFFE003, lr  }
0x1b: {  	s9 =	sadd.s32 $0xFFFFFEF7, lr;
	s5 =	simm.s32 $0xFFFFFFFF;
	p2 =	slt.u32 s8, $0xFFFFF086  }
0x1c: {  	p1 =	slt.u32 s9, $0xF7A;
	s5 =	simm.s32 @!p2 $0x0  }
0x1d: {  	s5 =	simm.s32 @p1 $0x1;
	p0 =	seq.s32 s7, s2  }
0x1e: {  	s7 =	smul.u32 @!p0 $0xF7A, s2;
	p2 =	seq.s32 @!p0 s5, $0x0  }
0x1f: {  	s9 =	smul.u32 $0xF7A, s1;
	s8 =	simm.s32 @!p0 $0x1BF5;
	p2 =	por !p2, p0  }
0x20: {  	[sflag:s8] =	ssyncset.s32 @!p0 $0xFFFFF086;
	s6 =	sadd.s32 @!p0 s3, s7;
	s7 =	simm.s32 @!p0 $0x108  }
0x21: {  	s3 =	sadd.s32 s3, s9;
	s6 =	sadd.s32 @!p0 $0x88, s6;
	s7 =	simm.s32 @p2 $0x1082  }
0x22: {  	[simem:s7], [sflag:s8] =	dma.local @!p0 [hbm:s6], $0xF7A  }
0x23: {  	s9 =	sor.u32 $0xD0000000, s2;
	s6 =	simm.s32 $0x108;
	_ =	swait.ge @!p0 [sflag:s8], $0x0  }
0x24: {  	s3 =	sadd.s32 $0x88, s3;
	s6 =	simm.s32 @!p1 $0x1082;
	[sflag:s4] =	ssyncset.s32 $0xFFFFF086  }
0x25: {  	[simem:s6], [sflag:s4] =	dma.local [hbm:s3], $0xF7A  }
0x26: {  	[smem:$0x3F9B] =	sst s1;
	(tag) =	ssettag s2;
	_ =	strace s9  }
0x27: {  	s1 =	sld [smem:$0x3FAB]  }
0x28: {  	s2 =	sld [smem:$0x3FAC]  }
0x29: {  	s4 =	sld [smem:$0x3FAE]  }
0x2a: {  	p0 =	seq.s32 s5, $0x0;
	s5 =	sld [smem:$0x3FAF]  }
0x2b: {  	s6 =	sld [smem:$0x3FB0]  }
0x2c: {  	s7 =	sld [smem:$0x3FB1]  }
0x2d: {  	s3 =	simm.s32 $0x108;
	s8 =	sld [smem:$0x3FB2]  }
0x2e: {  	s3 =	simm.s32 @!p0 $0x1082;
	s9 =	sld [smem:$0x3FB3]  }
0x2f: {  	lr =	sadd.s32 s0, s3;
	s0 =	sld [smem:$0x3FAA]  }
0x30: {  	s3 =	sld [smem:$0x3FAD]  }
0x31: {  	[smem:$0x3FB6] =	sst s10  }
0x32: {  	s10 =	sld [smem:$0x3FB4];
	_ =	sdelay $0x3  }
0x33: {  	p0 =	seq.s32 s10, $0x1;
	s10 =	sld [smem:$0x3FB6];
	_ =	sdelay $0x3  }
0x34: {  	[smem:$0x3FB6] =	sst s10  }
0x35: {  	s10 =	sld [smem:$0x3FB5];
	_ =	sdelay $0x3  }
0x36: {  	p1 =	seq.s32 s10, $0x1;
	s10 =	sld [smem:$0x3FB6];
	_ =	sdelay $0x3  }
0x37: {  	[smem:$0x3FB6] =	sst s10  }
0x38: {  	s10 =	sld [smem:$0x3FB7]  }
0x39: {  	_ = 	snop;
	(pc) =	sbr.ind lr, $3  }
0x3a: {  	_ = 	snop  }
0x3b: {  	_ = 	snop  }
0x3c: {  	p2 =	seq.s32 s10, $0x1;
	s10 =	sld [smem:$0x3FB6]  }
0x3d: {  	_ =	shalt  }
0x3e: {  	_ =	shalt  }
0x3f: {  	_ =	shalt  }
0x40: {  	_ =	shalt  }
0x41: {  	_ =	shalt  }
0x42: {  	_ =	shalt  }
0x43: {  	_ =	shalt  }
0x44: {  	_ =	shalt  }
0x45: {  	_ =	shalt  }
0x46: {  	_ =	shalt  }
0x47: {  	_ =	shalt  }
0x48: {  	_ =	shalt  }
0x49: {  	_ =	shalt  }
0x4a: {  	_ =	shalt  }
0x4b: {  	_ =	shalt  }
0x4c: {  	_ =	shalt  }
0x4d: {  	_ =	shalt  }
0x4e: {  	_ =	shalt  }
0x4f: {  	_ =	shalt  }
0x50: {  	_ =	shalt  }
0x51: {  	_ =	shalt  }
0x52: {  	_ =	shalt  }
0x53: {  	_ =	shalt  }
0x54: {  	_ =	shalt  }
0x55: {  	_ =	shalt  }
0x56: {  	_ =	shalt  }
0x57: {  	_ =	shalt  }
0x58: {  	_ =	shalt  }
0x59: {  	_ =	shalt  }
0x5a: {  	_ =	shalt  }
0x5b: {  	_ =	shalt  }
0x5c: {  	_ =	shalt  }
0x5d: {  	_ =	shalt  }
0x5e: {  	_ =	shalt  }
0x5f: {  	_ =	shalt  }
0x60: {  	_ =	shalt  }
0x61: {  	_ =	shalt  }
0x62: {  	_ =	shalt  }
0x63: {  	_ =	shalt  }
0x64: {  	_ =	shalt  }
0x65: {  	_ =	shalt  }
0x66: {  	_ =	shalt  }
0x67: {  	_ =	shalt  }
0x68: {  	_ =	shalt  }
0x69: {  	_ =	shalt  }
0x6a: {  	_ =	shalt  }
0x6b: {  	_ =	shalt  }
0x6c: {  	_ =	shalt  }
0x6d: {  	_ =	shalt  }
0x6e: {  	_ =	shalt  }
0x6f: {  	_ =	shalt  }
0x70: {  	_ =	shalt  }
0x71: {  	_ =	shalt  }
0x72: {  	_ =	shalt  }
0x73: {  	_ =	shalt  }
0x74: {  	_ =	shalt  }
0x75: {  	_ =	shalt  }
0x76: {  	_ =	shalt  }
0x77: {  	_ =	shalt  }
0x78: {  	_ =	shalt  }
0x79: {  	_ =	shalt  }
0x7a: {  	_ =	shalt  }
0x7b: {  	_ =	shalt  }
0x7c: {  	_ =	shalt  }
0x7d: {  	_ =	shalt  }
0x7e: {  	_ =	shalt  }
0x7f: {  	_ =	shalt  }
0x80: {  	_ =	shalt  }
0x81: {  	_ =	shalt  }
0x82: {  	_ =	shalt  }
0x83: {  	_ =	shalt  }
0x84: {  	_ =	shalt  }
0x85: {  	_ =	shalt  }
0x86: {  	_ =	shalt  }
0x87: {  	_ =	shalt  }
.Lfunc_end0:
.L_simem_size_0:
called_computation.1_lowered:
.L_overlay_start_0:
0x88: {  	s2 =	sld [smem:$0x3FD9]  }
0x89: {  	s3 =	sld [smem:$0x3FFE];
	_ =	sdelay $0x1  }
0x8a: {  	s1 =	srdreg.scid  }
0x8b: {  	s0 =	sand.u32 $0x1, s1  }
0x8c: {  	s14 =	sshll.u32 s0, $0xA;
	s2 =	sadd.s32 s3, s2  }
0x8d: {  	s2 =	sadd.s32 s2, s14  }
0x8e: {  	[smem:$0x3FC2] =	sst s2  }
0x8f: {  	_ = 	snop  }
0x90: {  	s2 =	sld [smem:$0x3FD0];
	_ =	sdelay $0x2  }
0x91: {  	s15 =	simm.s32 $0xA;
	s4 =	simm.s32 $0x10  }
0x92: {  	[smem:s4], [sflag:s15] =	dma.local [hbm:s2], $0x1  }
0x93: {  	_ =	swait.eq [sflag:s15], $0x1  }
0x94: {  	[sflag:s15] =	ssyncset.done $0x0  }
0x95: {  	[sflag:s15] =	ssyncadd.s32 $0xFFFFFFFF  }
0x96: {  	s16 =	sld [smem:$0x10];
	(tm) =	ssettm $0x1  }
0x97: {  	s17 =	sld [smem:$0x3FFB];
	_ =	sdelay $0x3  }
0x98: {  	_ =	strace s17  }
0x99: {  	s3 =	sld [smem:$0x3FFC];
	_ =	sdelay $0x3  }
0x9a: {  	_ =	strace s3  }
0x9b: {  	s3 =	sld [smem:$0x3FFD];
	_ =	sdelay $0x3  }
0x9c: {  	_ =	strace s3  }
0x9d: {  	_ =	strace $0x8FFFFFFF  }
0x9e: {  	s18 =	sld [smem:$0x3FDB];
	_ =	sdelay $0x1  }
0x9f: {  	s19 =	simm.s32 $_scs_section_size  }
0xa0: {  	s5 =	simm.s32 $_size__tile_overlayer_lowered;
	s6 =	simm.s32 $_tile_overlayer_lowered  }
0xa1: {  	s22 =	simm.s32 $0x1BFF;
	s21 =	sshll.u32 s6, $0x1;
	s3 =	sadd.s32 s19, s18  }
0xa2: {  	s7 =	simm.s32 $0x0;
	s20 =	sshll.u32 s5, $0x1;
	s5 =	sadd.s32 s21, s3  }
0xa3: {  	[timem:s7], [sflag:s22] =	dma.local [hbm:s5], s20  }
0xa4: {  	_ =	swait.ge [sflag:s22], s20  }
0xa5: {  	s4 =	ssub.s32 $0x0, s20;
	[sflag:s22] =	ssyncset.done $0x0  }
0xa6: {  	[sflag:s22] =	ssyncadd.s32 s4;
	_ =	sdelay $0x1  }
0xa7: {  	s23 =	simm.s32 $0x1B8B  }
0xa8: {  	_ =	swait.ge [sflag:s23], $0x1  }
0xa9: {  	[sflag:s23] =	ssyncset.done $0x0  }
0xaa: {  	s25 =	simm.s32 $0x1B8E;
	s24 =	sld [smem:$0x3FFE];
	[sflag:s23] =	ssyncadd.s32 $0xFFFFFFFF  }
0xab: {  	s26 =	simm.s32 $execute0_lowered;
	[smem:$0x3FD2] =	sst s25  }
0xac: {  	s5 =	sshll.u32 s26, $0x1;
	_ =	strace $0x80000049;
	[dreg:$0x1] =	wrdreg $0xFFFFFFFF  }
0xad: {  	s28 =	simm.s32 $_size_execute0_lowered;
	s3 =	sadd.s32 s3, s5;
	[dreg:$0x0] =	wrdreg $0x0  }
0xae: {  	s5 =	sshll.u32 s28, $0x1;
	[dreg:$0x2] =	wrdreg s3  }
0xaf: {  	[dreg:$0x3] =	wrdreg s5  }
0xb0: {  	[dreg:$0x4] =	wrdreg $0xC0  }
0xb1: {  	_ =	task [dreg:s7], $0x5FFFF  }
0xb2: {  	[dreg:$0x1] =	wrdreg $0xFFFFFFFF  }
0xb3: {  	[dreg:$0x0] =	wrdreg $0x60  }
0xb4: {  	[dreg:$0x2] =	wrdreg s16  }
0xb5: {  	[dreg:$0x3] =	wrdreg s24  }
0xb6: {  	[dreg:$0x4] =	wrdreg $0x0  }
0xb7: {  	[dreg:$0x5] =	wrdreg $0x9  }
0xb8: {  	_ =	task.clear_ibuf [dreg:s7], $0x6FFFF;
	_ =	strace $0x90000049  }
0xb9: {  	s29 =	simm.s32 $0x9;
	_ =	strace $0x8000004B  }
0xba: {  	_ =	swait.ge [sflag:s29], $0x1  }
0xbb: {  	[sflag:s29] =	ssyncadd.s32 $0xFFFFFFFF  }
0xbc: {  	_ =	strace $0x9000004B  }
0xbd: {  	_ =	sfence  }
0xbe: {  	s30 =	sld [smem:$0x0];
	_ =	sdelay $0x2  }
0xbf: {  	s31 =	sshll.u32 s1, $0xD;
	s1 =	sshrl.u32 s1, $0x2  }
0xc0: {  	s3 =	sand.u32 $0x4000, s31;
	s1 =	sadd.s32 s1, s30  }
0xc1: {  	s0 =	sor.u32 s3, s0;
	s1 =	sshll.u32 s1, $0x11  }
0xc2: {  	s0 =	sor.u32 s1, s0  }
0xc3: {  	s0 =	sadd.s32 $0x8F2B, s0  }
0xc4: {  	[sflag:s0] =	ssyncadd.remote.s32 $0x1  }
0xc5: {  	_ =	sfence.sel $0xFFFF  }
0xc6: {  	[dreg:$0x0] =	wrdreg $0xFFFFFFFF;
	(pc) =	sbr.abs _section_cstart, $3  }
0xc7: {  	[dreg:$0x1] =	wrdreg $0xFFFFFFFF  }
0xc8: {  	_ =	task.clear_ibuf [dreg:s7], $0x2FFFF;
	_ =	strace $0x9FFFFFFF  }
0xc9: {  	(tm) =	ssettm $0x7FFFFFFF  }
tec
execute0_lowered:
.L_overlay_start_1:
0x0: {  	(tag) =	ssettag $0x1  }
0x1: {  	s1 =	rddreg [dreg:$0x0]  }
0x2: {  	s0 =	rddreg [dreg:$0x1]  }
0x3: {  	s2 =	rddreg [dreg:$0x2]  }
0x4: {  	s3 =	srdreg.scid;
	s12 =	simm.s32 $0x0;
	s4 =	stileid.u32  }
0x5: {  	s13 =	simm.s32 $0xB;
	s14 =	simm.s32 $0xB000;
	s15 =	simm.s32 $0xC000  }
0x6: {  	s16 =	simm.s32 $0x50;
	s17 =	simm.s32 $0xE000;
	s18 =	simm.s32 $0xB080  }
0x7: {  	s19 =	simm.s32 $0x10800;
	s20 =	simm.s32 $0x1;
	s21 =	simm.s32 $0x13000  }
0x8: {  	s22 =	simm.s32 $0x2;
	s28 =	simm.s32 $0x6;
	s29 =	simm.s32 $0x5  }
0x9: {  	s30 =	simm.s32 $0x7;
	s31 =	simm.s32 $0x8;
	s3 =	sand.u32 $0x1, s3  }
0xa: {  	[smem:$0x7FF] =	sst s12;
	s8 =	smul.u32 $0xB000, s4;
	s5 =	sadd.s32 $0x77000, s0  }
0xb: {  	s6 =	sadd.s32 $0x63000, s0;
	s10 =	smul.u32 $0x2C000, s4;
	s11 =	sadd.s32 $0x2A400, s0  }
0xc: {  	s26 =	sshll.u32 s4, $0x6;
	s7 =	smul.u32 $0xB0000, s3;
	_ =	strace $0x8000004A  }
0xd: {  	s23 =	ssub.s32 $0x2, s3;
	[dreg:$0x5] =	wrdreg s11;
	s3 =	smul.u32 $0x1400, s3  }
0xe: {  	s9 =	sshrl.u32 s23, $0x1;
	s25 =	sshrl.u32 s10, $0x2;
	s7 =	sadd.s32 s8, s7  }
0xf: {  	s24 =	ssub.s32 s23, s9;
	s10 =	sadd.s32 s25, s2;
	s8 =	sor.u32 $0x1C0B, s26  }
0x10: {  	s9 =	smul.u32 $0xA000, s4;
	s4 =	sadd.s32 $0x1400, s3;
	s23 =	simm.s32 $0x15800  }
.Ltmp0:
0x11: {  	s25 =	simm.s32 $0x18000;
	v0 =	vmov s3;
	s3 =	simm.s32 $0xA;
	(pc) =	sbr.rel .LBB2_1-.Ltmp0, $4  }
0x12: {  	s7 =	sshrl.u32 s7, $0x3;
	s26 =	smax.u32 s24, $0x1;
	[dreg:$0x6] =	wrdreg s8  }
0x13: {  	s0 =	sadd.s32 s7, s0;
	[dreg:$0x8] =	wrdreg s26;
	s7 =	sshrl.u32 s10, $0x3  }
0x14: {  	s24 =	simm.s32 $0x3;
	s0 =	sadd.s32 $0x2BA00, s0;
	[dreg:$0x9] =	wrdreg s7  }
0x15: {  	v1 =	vmov s4;
	s26 =	simm.s32 $0x4;
	[dreg:$0x7] =	wrdreg s0;
	s0 =	simm.s32 $0x9  }
.LBB2_6:
0x16: {  	[bflag:$0x0] =	sbarrier.arrive $0xFFFF  }
0x17: {  	s8 =	rddreg [dreg:$0x6]  }
0x18: {  	s4 =	rddreg [dreg:$0x7]  }
0x19: {  	s7 =	rddreg [dreg:$0x9]  }
0x1a: {  	[hbm:s4], [sflag:s8] =	dma.local [spmem:s7], $0x1600  }
0x1b: {  	_ =	swait.ge [sflag:s13], $0x1600  }
0x1c: {  	s12 =	rddreg [dreg:$0x4]  }
0x1d: {  	s11 =	rddreg [dreg:$0x8];
	s12 =	sadd.s32 $0x1, s12  }
0x1e: {  	p0 =	sne.s32 s12, s11  }
.Ltmp1:
0x1f: {  	_ = 	snop;
	(pc) =	sbr.rel @!p0 .LBB2_7-.Ltmp1, $3  }
0x20: {  	_ =	sdelay $0x1  }
0x21: {  	[sflag:s13] =	ssyncset.done $0x0  }
0x22: {  	[sflag:s13] =	ssyncadd.s32 $0xFFFFEA00  }
.LBB2_1:
0x23: {  	[dreg:$0x4] =	wrdreg s12  }
0x24: {  	s4 =	rddreg [dreg:$0x5]  }
0x25: {  	[spmem:s7], [sflag:s8] =	dma.local [hbm:s4], $0x1600  }
.Ltmp2:
0x26: {  	_ =	swait.ge [sflag:s13], $0x1600;
	(pc) =	sbr.rel .LBB2_2-.Ltmp2, $4  }
0x27: {  	[sflag:s13] =	ssyncset.done $0x0  }
0x28: {  	[sflag:s13] =	ssyncadd.s32 $0xFFFFEA00  }
0x29: {  	[bflag:$0x0] =	sbarrier.arrive $0xFFFF  }
0x2a: {  	s7 =	simm.s32 $0x0  }
.LBB2_5:
0x2b: {  	_ =	swait.ge [sflag:s31], $0x2800  }
0x2c: {  	[sflag:s31] =	ssyncset.done $0x0  }
0x2d: {  	s7 =	sadd.s32 $0x1, s7;
	[sflag:s31] =	ssyncadd.s32 $0xFFFFD800  }
0x2e: {  	p0 =	sne.s32 s7, $0xA;
	_ =	swait.ge [sflag:s0], $0x2800  }
.Ltmp3:
0x2f: {  	[sflag:s0] =	ssyncset.done $0x0;
	(pc) =	sbr.rel @!p0 .LBB2_6-.Ltmp3, $4  }
0x30: {  	[sflag:s0] =	ssyncadd.s32 $0xFFFFD800  }
0x31: {  	_ =	swait.ge [sflag:s3], $0x2800  }
0x32: {  	[sflag:s3] =	ssyncset.done $0x0  }
0x33: {  	[sflag:s3] =	ssyncadd.s32 $0xFFFFD800  }
.LBB2_2:
0x34: {  	s10 =	sshll.u32 s7, $0xC  }
0x35: {  	s10 =	sadd.s32 s9, s10  }
0x36: {  	s11 =	sshrl.u32 s10, $0x3  }
0x37: {  	s10 =	simm.s32 $0x0;
	s8 =	sadd.s32 s5, s11  }
0x38: {  	[tilespmem:s14], [sflag:$0xB] =	stream.linear.gather [hbm4b:s8+s10], $0xC80, $0x38;
	[tilespmem:$0x1A800] =	vst v63  }
0x39: {  	_ =	swait.ge [sflag:s13], $0xC80  }
0x3a: {  	[sflag:s13] =	ssyncset.done $0x0  }
0x3b: {  	s12 =	sadd.s32 s6, s11;
	[sflag:s13] =	ssyncadd.s32 $0xFFFFF380  }
0x3c: {  	[tilespmem:s15], [sflag:$0xB] =	stream.linear.gather [hbm4b:s12+s10], $0xC80, $0x38;
	[tilespmem:$0x1A800] =	vst v63  }
0x3d: {  	_ =	swait.ge [sflag:s13], $0xC80  }
0x3e: {  	[sflag:s13] =	ssyncset.done $0x0  }
0x3f: {  	[sflag:s13] =	ssyncadd.s32 $0xFFFFF380  }
0x40: {  	[tilespmem:s17], [sflag:$0x1] =	stream.indirect.gather [hbm4b:s1+s16], $0x80, s14, s16, $0xb8;
	[tilespmem:$0x1A800] =	vst v63  }
0x41: {  	_ = 	snop  }
0x42: {  	[tilespmem:s19], [sflag:$0x2] =	stream.indirect.gather [hbm4b:s1+s16], $0x80, s18, s16, $0xb8;
	[tilespmem:$0x1A800] =	vst v63  }
.LBB2_3:
0x43: {  	_ =	swait.ge [sflag:s20], $0x2800  }
0x44: {  	[sflag:s20] =	ssyncset.done $0x0  }
0x45: {  	s11 =	sshra.s32 s10, $0x2;
	[sflag:s20] =	ssyncadd.s32 $0xFFFFD800  }
0x46: {  	v2 =	vld [tilespmem:s11+$0xC000];
	_ =	sdelay $0x1  }
0x47: {  	v3 =	vld [tilespmem:s11+$0xC010]  }
0x48: {  	v4 =	vld [tilespmem:s11+$0xC020]  }
0x49: {  	v6 =	vld [tilespmem:s11+$0xC030]  }
0x4a: {  	vm0 =	vge.s32 v2, v0  }
0x4b: {  	v7 =	vld [tilespmem:s11+$0xC040];
	vm1 =	vlt.s32 v2, v1;
	v5 =	vsub.s32 v2, v0;
	v2 =	vand.u32 $0x1FF, v2  }
0x4c: {  	vm11 =	vge.s32 v3, v0;
	vm2 =	vlt.s32 v3, v1;
	v30 =	vand.u32 $0x1FF, v3  }
0x4d: {  	vm13 =	vge.s32 v4, v0;
	vm14 =	vlt.s32 v4, v1;
	v3 =	vsub.s32 v3, v0  }
0x4e: {  	v8 =	vsub.s32 v4, v0;
	vm15 =	vge.s32 v6, v0;
	vm3 =	vlt.s32 v6, v1  }
0x4f: {  	v4 =	vand.u32 $0x1FF, v4;
	v9 =	vand.u32 $0x1FF, v6;
	v6 =	vsub.s32 v6, v0  }
0x50: {  	vm5 =	vge.s32 v7, v0;
	vm6 =	vlt.s32 v7, v1;
	vm0 =	vmand vm0, vm1  }
0x51: {  	v2 =	vor.u32 $0x1400, v2;
	vm12 =	vmand vm11, vm2;
	vm1 =	vmand vm13, vm14  }
0x52: {  	vm2 =	vmand vm15, vm3;
	v2 =	vsel vm0, v5, v2;
	v5 =	vor.u32 $0x1400, v30  }
0x53: {  	v4 =	vor.u32 $0x1400, v4;
	v9 =	vor.u32 $0x1400, v9;
	[tilespmem:s11+$0xD000] =	vst v2;
	v2 =	vsel vm12, v3, v5  }
0x54: {  	v31 =	vsel vm2, v6, v9;
	v3 =	vsel vm1, v8, v4;
	[tilespmem:s11+$0xD010] =	vst v2;
	v2 =	vand.u32 $0x1FF, v7  }
0x55: {  	vm0 =	vmand vm5, vm6;
	[tilespmem:s11+$0xD020] =	vst v3;
	v3 =	vsub.s32 v7, v0;
	v2 =	vor.u32 $0x1400, v2  }
0x56: {  	[tilespmem:s11+$0xD030] =	vst v31;
	v2 =	vsel vm0, v3, v2  }
0x57: {  	p0 =	seq.s32 s10, $0x0;
	s8 =	sadd.s32 $0xD000, s11;
	[tilespmem:s11+$0xD040] =	vst v2  }
0x58: {  	[spmem:s2] =	stream.indirect.scatter.add.f32 [tilespmem:s17], [sflag:$0x6], $0x80, s8, s16, $0xb8;
	[tilespmem:$0x1A800] =	vst v63  }
0x59: {  	s8 =	simm.s32 @!p0 $0x8  }
0x5a: {  	_ =	swait.ge @!p0 [sflag:s8], $0x2800  }
0x5b: {  	[sflag:s8] =	ssyncset.done @!p0 $0x0  }
0x5c: {  	s12 =	sadd.s32 $0xB100, s11;
	[sflag:s8] =	ssyncadd.s32 @!p0 $0xFFFFD800  }
0x5d: {  	[tilespmem:s21], [sflag:$0x3] =	stream.indirect.gather [hbm4b:s1+s16], $0x80, s12, s16, $0xb8;
	[tilespmem:$0x1A800] =	vst v63  }
0x5e: {  	_ =	swait.ge [sflag:s22], $0x2800  }
0x5f: {  	[sflag:s22] =	ssyncset.done $0x0  }
0x60: {  	[sflag:s22] =	ssyncadd.s32 $0xFFFFD800  }
0x61: {  	v2 =	vld [tilespmem:s11+$0xC080];
	_ =	sdelay $0x1  }
0x62: {  	v3 =	vld [tilespmem:s11+$0xC090]  }
0x63: {  	v32 =	vld [tilespmem:s11+$0xC0A0]  }
0x64: {  	v34 =	vld [tilespmem:s11+$0xC0B0]  }
0x65: {  	vm7 =	vge.s32 v2, v0  }
0x66: {  	v36 =	vld [tilespmem:s11+$0xC0C0];
	vm8 =	vlt.s32 v2, v1;
	v33 =	vsub.s32 v2, v0;
	v2 =	vand.u32 $0x1FF, v2  }
0x67: {  	vm9 =	vge.s32 v3, v0;
	vm10 =	vlt.s32 v3, v1;
	v35 =	vand.u32 $0x1FF, v3  }
0x68: {  	vm12 =	vge.s32 v32, v0;
	vm13 =	vlt.s32 v32, v1;
	v3 =	vsub.s32 v3, v0  }
0x69: {  	v37 =	vsub.s32 v32, v0;
	vm14 =	vge.s32 v34, v0;
	vm15 =	vlt.s32 v34, v1  }
0x6a: {  	v4 =	vand.u32 $0x1FF, v32;
	v38 =	vand.u32 $0x1FF, v34;
	v6 =	vsub.s32 v34, v0  }
0x6b: {  	vm5 =	vge.s32 v36, v0;
	vm6 =	vlt.s32 v36, v1;
	vm0 =	vmand vm7, vm8  }
0x6c: {  	v2 =	vor.u32 $0x1400, v2;
	vm11 =	vmand vm9, vm10;
	v5 =	vor.u32 $0x1400, v35  }
0x6d: {  	vm1 =	vmand vm12, vm13;
	vm2 =	vmand vm14, vm15;
	v2 =	vsel vm0, v33, v2  }
0x6e: {  	v4 =	vor.u32 $0x1400, v4;
	v9 =	vor.u32 $0x1400, v38;
	[tilespmem:s11+$0xD080] =	vst v2;
	v2 =	vsel vm11, v3, v5  }
0x6f: {  	v39 =	vsel vm2, v6, v9;
	v3 =	vsel vm1, v37, v4;
	[tilespmem:s11+$0xD090] =	vst v2;
	v2 =	vand.u32 $0x1FF, v36  }
0x70: {  	vm0 =	vmand vm5, vm6;
	[tilespmem:s11+$0xD0A0] =	vst v3;
	v3 =	vsub.s32 v36, v0;
	v2 =	vor.u32 $0x1400, v2  }
0x71: {  	[tilespmem:s11+$0xD0B0] =	vst v39;
	v2 =	vsel vm0, v3, v2  }
0x72: {  	s4 =	sadd.s32 $0xD080, s11;
	s8 =	simm.s32 @!p0 $0x9;
	[tilespmem:s11+$0xD0C0] =	vst v2  }
0x73: {  	[spmem:s2] =	stream.indirect.scatter.add.f32 [tilespmem:s19], [sflag:$0x7], $0x80, s4, s16, $0xb8;
	[tilespmem:$0x1A800] =	vst v63  }
0x74: {  	_ =	swait.ge @!p0 [sflag:s8], $0x2800  }
0x75: {  	[sflag:s8] =	ssyncset.done @!p0 $0x0  }
0x76: {  	s12 =	sadd.s32 $0xB180, s11;
	[sflag:s8] =	ssyncadd.s32 @!p0 $0xFFFFD800  }
0x77: {  	[tilespmem:s23], [sflag:$0x4] =	stream.indirect.gather [hbm4b:s1+s16], $0x80, s12, s16, $0xb8;
	[tilespmem:$0x1A800] =	vst v63  }
0x78: {  	_ =	swait.ge [sflag:s24], $0x2800  }
0x79: {  	[sflag:s24] =	ssyncset.done $0x0  }
0x7a: {  	[sflag:s24] =	ssyncadd.s32 $0xFFFFD800  }
0x7b: {  	v2 =	vld [tilespmem:s11+$0xC100];
	_ =	sdelay $0x1  }
0x7c: {  	v3 =	vld [tilespmem:s11+$0xC110]  }
0x7d: {  	v40 =	vld [tilespmem:s11+$0xC120]  }
0x7e: {  	v42 =	vld [tilespmem:s11+$0xC130]  }
0x7f: {  	vm7 =	vge.s32 v2, v0  }
0x80: {  	v44 =	vld [tilespmem:s11+$0xC140];
	vm8 =	vlt.s32 v2, v1;
	v41 =	vsub.s32 v2, v0;
	v2 =	vand.u32 $0x1FF, v2  }
0x81: {  	vm9 =	vge.s32 v3, v0;
	vm10 =	vlt.s32 v3, v1;
	v43 =	vand.u32 $0x1FF, v3  }
0x82: {  	vm12 =	vge.s32 v40, v0;
	vm13 =	vlt.s32 v40, v1;
	v3 =	vsub.s32 v3, v0  }
0x83: {  	v45 =	vsub.s32 v40, v0;
	vm14 =	vge.s32 v42, v0;
	vm15 =	vlt.s32 v42, v1  }
0x84: {  	v4 =	vand.u32 $0x1FF, v40;
	v46 =	vand.u32 $0x1FF, v42;
	v6 =	vsub.s32 v42, v0  }
0x85: {  	vm4 =	vge.s32 v44, v0;
	vm5 =	vlt.s32 v44, v1;
	vm0 =	vmand vm7, vm8  }
0x86: {  	v2 =	vor.u32 $0x1400, v2;
	vm11 =	vmand vm9, vm10;
	v5 =	vor.u32 $0x1400, v43  }
0x87: {  	vm1 =	vmand vm12, vm13;
	vm2 =	vmand vm14, vm15;
	v2 =	vsel vm0, v41, v2  }
0x88: {  	v4 =	vor.u32 $0x1400, v4;
	v9 =	vor.u32 $0x1400, v46;
	[tilespmem:s11+$0xD100] =	vst v2;
	v2 =	vsel vm11, v3, v5  }
0x89: {  	v47 =	vsel vm2, v6, v9;
	v3 =	vsel vm1, v45, v4;
	[tilespmem:s11+$0xD110] =	vst v2;
	v2 =	vand.u32 $0x1FF, v44  }
0x8a: {  	vm0 =	vmand vm4, vm5;
	[tilespmem:s11+$0xD120] =	vst v3;
	v3 =	vsub.s32 v44, v0;
	v2 =	vor.u32 $0x1400, v2  }
0x8b: {  	[tilespmem:s11+$0xD130] =	vst v47;
	v2 =	vsel vm0, v3, v2  }
0x8c: {  	s4 =	sadd.s32 $0xD100, s11;
	s8 =	simm.s32 @!p0 $0xA;
	[tilespmem:s11+$0xD140] =	vst v2  }
0x8d: {  	[spmem:s2] =	stream.indirect.scatter.add.f32 [tilespmem:s21], [sflag:$0x8], $0x80, s4, s16, $0xb8;
	[tilespmem:$0x1A800] =	vst v63  }
0x8e: {  	_ =	swait.ge @!p0 [sflag:s8], $0x2800  }
0x8f: {  	[sflag:s8] =	ssyncset.done @!p0 $0x0  }
0x90: {  	s12 =	sadd.s32 $0xB200, s11;
	[sflag:s8] =	ssyncadd.s32 @!p0 $0xFFFFD800  }
0x91: {  	[tilespmem:s25], [sflag:$0x5] =	stream.indirect.gather [hbm4b:s1+s16], $0x80, s12, s16, $0xb8;
	[tilespmem:$0x1A800] =	vst v63  }
0x92: {  	_ =	swait.ge [sflag:s26], $0x2800  }
0x93: {  	[sflag:s26] =	ssyncset.done $0x0  }
0x94: {  	[sflag:s26] =	ssyncadd.s32 $0xFFFFD800  }
0x95: {  	v2 =	vld [tilespmem:s11+$0xC180];
	_ =	sdelay $0x1  }
0x96: {  	v3 =	vld [tilespmem:s11+$0xC190]  }
0x97: {  	v48 =	vld [tilespmem:s11+$0xC1A0]  }
0x98: {  	v50 =	vld [tilespmem:s11+$0xC1B0]  }
0x99: {  	vm6 =	vge.s32 v2, v0  }
0x9a: {  	v52 =	vld [tilespmem:s11+$0xC1C0];
	vm7 =	vlt.s32 v2, v1;
	v49 =	vsub.s32 v2, v0;
	v2 =	vand.u32 $0x1FF, v2  }
0x9b: {  	vm8 =	vge.s32 v3, v0;
	vm9 =	vlt.s32 v3, v1;
	v51 =	vand.u32 $0x1FF, v3  }
0x9c: {  	vm11 =	vge.s32 v48, v0;
	vm12 =	vlt.s32 v48, v1;
	v3 =	vsub.s32 v3, v0  }
0x9d: {  	v53 =	vsub.s32 v48, v0;
	vm13 =	vge.s32 v50, v0;
	vm14 =	vlt.s32 v50, v1  }
0x9e: {  	v4 =	vand.u32 $0x1FF, v48;
	v54 =	vand.u32 $0x1FF, v50;
	v6 =	vsub.s32 v50, v0  }
0x9f: {  	vm15 =	vge.s32 v52, v0;
	vm4 =	vlt.s32 v52, v1;
	vm0 =	vmand vm6, vm7  }
0xa0: {  	v2 =	vor.u32 $0x1400, v2;
	vm10 =	vmand vm8, vm9;
	v5 =	vor.u32 $0x1400, v51  }
0xa1: {  	vm1 =	vmand vm11, vm12;
	vm2 =	vmand vm13, vm14;
	v2 =	vsel vm0, v49, v2  }
0xa2: {  	v4 =	vor.u32 $0x1400, v4;
	v9 =	vor.u32 $0x1400, v54;
	[tilespmem:s11+$0xD180] =	vst v2;
	v2 =	vsel vm10, v3, v5  }
0xa3: {  	v55 =	vsel vm2, v6, v9;
	v3 =	vsel vm1, v53, v4;
	[tilespmem:s11+$0xD190] =	vst v2;
	v2 =	vand.u32 $0x1FF, v52  }
0xa4: {  	vm0 =	vmand vm15, vm4;
	[tilespmem:s11+$0xD1A0] =	vst v3;
	v3 =	vsub.s32 v52, v0;
	v2 =	vor.u32 $0x1400, v2  }
0xa5: {  	[tilespmem:s11+$0xD1B0] =	vst v55;
	v2 =	vsel vm0, v3, v2  }
0xa6: {  	s4 =	sadd.s32 $0xD180, s11;
	[tilespmem:s11+$0xD1C0] =	vst v2  }
0xa7: {  	[spmem:s2] =	stream.indirect.scatter.add.f32 [tilespmem:s23], [sflag:$0x9], $0x80, s4, s16, $0xb8;
	[tilespmem:$0x1A800] =	vst v63  }
0xa8: {  	p0 =	seq.s32 s10, $0x2800;
	_ =	swait.ge [sflag:s28], $0x2800  }
0xa9: {  	s8 =	sshra.s32 @!p0 s10, $0x2;
	s12 =	simm.s32 @!p0 $0x50;
	[sflag:s28] =	ssyncset.done $0x0  }
0xaa: {  	s8 =	sadd.s32 @!p0 $0xB280, s8;
	s4 =	simm.s32 @!p0 $0xE000;
	[sflag:s28] =	ssyncadd.s32 $0xFFFFD800  }
0xab: {  	[tilespmem:s4], [sflag:$0x1] =	stream.indirect.gather @!p0 [hbm4b:s1+s12], $0x80, s8, s12, $0xb8;
	[tilespmem:$0x1A800] =	vst v63  }
0xac: {  	_ =	swait.ge [sflag:s29], $0x2800  }
0xad: {  	[sflag:s29] =	ssyncset.done $0x0  }
0xae: {  	[sflag:s29] =	ssyncadd.s32 $0xFFFFD800  }
0xaf: {  	v2 =	vld [tilespmem:s11+$0xC200]  }
0xb0: {  	v3 =	vld [tilespmem:s11+$0xC210]  }
0xb1: {  	v56 =	vld [tilespmem:s11+$0xC220]  }
0xb2: {  	v57 =	vld [tilespmem:s11+$0xC230];
	_ =	sdelay $0x1  }
0xb3: {  	vm5 =	vge.s32 v2, v0  }
0xb4: {  	v60 =	vld [tilespmem:s11+$0xC240];
	vm6 =	vlt.s32 v2, v1;
	v58 =	vsub.s32 v2, v0;
	v2 =	vand.u32 $0x1FF, v2  }
0xb5: {  	vm7 =	vge.s32 v3, v0;
	vm8 =	vlt.s32 v3, v1;
	v59 =	vand.u32 $0x1FF, v3  }
0xb6: {  	vm10 =	vge.s32 v56, v0;
	vm11 =	vlt.s32 v56, v1;
	vm12 =	vge.s32 v57, v0  }
0xb7: {  	vm13 =	vlt.s32 v57, v1;
	v3 =	vsub.s32 v3, v0;
	v61 =	vsub.s32 v56, v0  }
0xb8: {  	v4 =	vand.u32 $0x1FF, v56;
	v62 =	vand.u32 $0x1FF, v57;
	v5 =	vsub.s32 v57, v0  }
0xb9: {  	vm14 =	vge.s32 v60, v0;
	vm15 =	vlt.s32 v60, v1;
	vm0 =	vmand vm5, vm6  }
0xba: {  	v2 =	vor.u32 $0x1400, v2;
	vm9 =	vmand vm7, vm8;
	vm1 =	vmand vm10, vm11  }
0xbb: {  	vm2 =	vmand vm12, vm13;
	v6 =	vor.u32 $0x1400, v59;
	v2 =	vsel vm0, v58, v2  }
0xbc: {  	v4 =	vor.u32 $0x1400, v4;
	v9 =	vor.u32 $0x1400, v62;
	v3 =	vsel vm9, v3, v6;
	[tilespmem:s11+$0xD200] =	vst v2  }
0xbd: {  	v63 =	vsel vm2, v5, v9;
	v2 =	vsel vm1, v61, v4;
	[tilespmem:s11+$0xD210] =	vst v3;
	v3 =	vand.u32 $0x1FF, v60  }
0xbe: {  	vm0 =	vmand vm14, vm15;
	[tilespmem:s11+$0xD220] =	vst v2;
	v2 =	vsub.s32 v60, v0;
	v3 =	vor.u32 $0x1400, v3  }
0xbf: {  	[tilespmem:s11+$0xD230] =	vst v63;
	v2 =	vsel vm0, v2, v3  }
.Ltmp4:
0xc0: {  	s12 =	sadd.s32 $0xD200, s11;
	[tilespmem:s11+$0xD240] =	vst v2;
	(pc) =	sbr.rel @p0 .LBB2_5-.Ltmp4, $4  }
0xc1: {  	[spmem:s2] =	stream.indirect.scatter.add.f32 [tilespmem:s25], [sflag:$0xA], $0x80, s12, s16, $0xb8;
	[tilespmem:$0x1A800] =	vst v63  }
0xc2: {  	_ =	swait.ge [sflag:s30], $0x2800  }
0xc3: {  	[sflag:s30] =	ssyncset.done $0x0  }
0xc4: {  	[sflag:s30] =	ssyncadd.s32 $0xFFFFD800  }
.Ltmp5:
0xc5: {  	(pc) =	sbr.rel .LBB2_3-.Ltmp5, $3  }
0xc6: {  	_ =	sdelay $0x1  }
0xc7: {  	s4 =	sadd.s32 $0xB300, s11;
	s10 =	sadd.s32 $0xA00, s10  }
0xc8: {  	[tilespmem:s19], [sflag:$0x2] =	stream.indirect.gather [hbm4b:s1+s16], $0x80, s4, s16, $0xb8;
	[tilespmem:$0x1A800] =	vst v63  }
.LBB2_7:
0xc9: {  	_ =	sfence.sel $0x180000  }
0xca: {  	[bflag:$0x0] =	sbarrier.arrive $0xFFFF  }
0xcb: {  	_ =	strace $0x9000004A  }
0xcc: {  	s0 =	stileid.u32;
	[bflag:$0x2] =	sbarrier.arrive $0xFFFF  }
0xcd: {  	p0 =	sne.s32 s0, $0x0;
	s0 =	rddreg [dreg:$0x3]  }
0xce: {  	s0 =	sadd.s32 @!p0 $0x100000, s0  }
0xcf: {  	[sflag:s0] =	ssyncadd.tile.s32 @!p0 $0x1;
	_ =	shalt  }
.Lfunc_end2:
_tile_overlayer_lowered:
.L_overlay_start_2:
0xd0: {  	(tag) =	ssettag $0x2  }
0xd1: {  	s0 =	rddreg [dreg:$0x0];
	s2 =	stileid.u32  }
0xd2: {  	s1 =	rddreg [dreg:$0x1];
	p0 =	sne.s32 s2, $0x0  }
0xd3: {  	s3 =	rddreg [dreg:$0x2];
	[bflag:$0x3] =	sbarrier.arrive $0xFFFF;
	s2 =	simm.s32 @!p0 $0x1C0B  }
0xd4: {  	[timem:s3], [sflag:s2] =	dma.local @!p0 [hbm:s0], s1  }
0xd5: {  	s0 =	simm.s32 @!p0 $0xB  }
0xd6: {  	_ =	swait.ge @!p0 [sflag:s0], s1  }
0xd7: {  	s1 =	ssub.s32 @!p0 $0x0, s1;
	[sflag:s0] =	ssyncset.done @!p0 $0x0  }
0xd8: {  	[sflag:s0] =	ssyncadd.s32 @!p0 s1  }
0xd9: {  	[bflag:$0x3] =	sbarrier.arrive $0xFFFF  }
0xda: {  	_ =	shalt  }

// kernel: kernel.7.cloned.1.call-start
scs
__scs_entry_jumppad:
0x0: {  	(pc) =	sbr.rel $0x88, $3  }
0x1: {  	(tag) =	ssettag $0x0;
	lr =	simm.s32 $0x1  }
0x2: {  	[smem:$0x3F9B] =	sst lr;
	_ =	strace $0xD0000000  }
0x3: {  	_ = 	snop  }
0x4: {  	_ = 	snop  }
0x5: {  	_ = 	snop  }
0x6: {  	_ = 	snop  }
0x7: {  	_ = 	snop  }
__scs_overlays_trampoline_lowered:
0x8: {  	[smem:$0x3FAA] =	sst s0  }
0x9: {  	[smem:$0x3FAB] =	sst s1  }
0xa: {  	[smem:$0x3FAC] =	sst s2  }
0xb: {  	[smem:$0x3FAD] =	sst s3  }
0xc: {  	[smem:$0x3FAE] =	sst s4  }
0xd: {  	[smem:$0x3FAF] =	sst s5  }
0xe: {  	[smem:$0x3FB0] =	sst s6  }
0xf: {  	[smem:$0x3FB1] =	sst s7  }
0x10: {  	[smem:$0x3FB2] =	sst s8  }
0x11: {  	[smem:$0x3FB3] =	sst s9;
	s0 =	simm.s32 @!p0 $0x0  }
0x12: {  	s1 =	sld [smem:$0x3F99];
	s0 =	simm.s32 @p0 $0x1  }
0x13: {  	[smem:$0x3FB4] =	sst s0;
	s0 =	simm.s32 @!p1 $0x0  }
0x14: {  	s2 =	sld [smem:$0x3F98];
	s0 =	simm.s32 @p1 $0x1  }
0x15: {  	[smem:$0x3FB5] =	sst s0;
	s0 =	simm.s32 @!p2 $0x0  }
0x16: {  	s3 =	sld [smem:$0x3FDB];
	s0 =	simm.s32 @p2 $0x1  }
0x17: {  	s4 =	simm.s32 $0x1BF5;
	[smem:$0x3FB7] =	sst s0  }
0x18: {  	s0 =	sld [smem:$0x3F9A];
	_ =	swait.ge [sflag:s4], $0x0  }
0x19: {  	s7 =	sld [smem:$0x3F9B]  }
0x1a: {  	s8 =	sadd.s32 $0xFFFFE003, lr  }
0x1b: {  	s9 =	sadd.s32 $0xFFFFFEF7, lr;
	s5 =	simm.s32 $0xFFFFFFFF;
	p2 =	slt.u32 s8, $0xFFFFF086  }
0x1c: {  	p1 =	slt.u32 s9, $0xF7A;
	s5 =	simm.s32 @!p2 $0x0  }
0x1d: {  	s5 =	simm.s32 @p1 $0x1;
	p0 =	seq.s32 s7, s2  }
0x1e: {  	s7 =	smul.u32 @!p0 $0xF7A, s2;
	p2 =	seq.s32 @!p0 s5, $0x0  }
0x1f: {  	s9 =	smul.u32 $0xF7A, s1;
	s8 =	simm.s32 @!p0 $0x1BF5;
	p2 =	por !p2, p0  }
0x20: {  	[sflag:s8] =	ssyncset.s32 @!p0 $0xFFFFF086;
	s6 =	sadd.s32 @!p0 s3, s7;
	s7 =	simm.s32 @!p0 $0x108  }
0x21: {  	s3 =	sadd.s32 s3, s9;
	s6 =	sadd.s32 @!p0 $0x88, s6;
	s7 =	simm.s32 @p2 $0x1082  }
0x22: {  	[simem:s7], [sflag:s8] =	dma.local @!p0 [hbm:s6], $0xF7A  }
0x23: {  	s9 =	sor.u32 $0xD0000000, s2;
	s6 =	simm.s32 $0x108;
	_ =	swait.ge @!p0 [sflag:s8], $0x0  }
0x24: {  	s3 =	sadd.s32 $0x88, s3;
	s6 =	simm.s32 @!p1 $0x1082;
	[sflag:s4] =	ssyncset.s32 $0xFFFFF086  }
0x25: {  	[simem:s6], [sflag:s4] =	dma.local [hbm:s3], $0xF7A  }
0x26: {  	[smem:$0x3F9B] =	sst s1;
	(tag) =	ssettag s2;
	_ =	strace s9  }
0x27: {  	s1 =	sld [smem:$0x3FAB]  }
0x28: {  	s2 =	sld [smem:$0x3FAC]  }
0x29: {  	s4 =	sld [smem:$0x3FAE]  }
0x2a: {  	p0 =	seq.s32 s5, $0x0;
	s5 =	sld [smem:$0x3FAF]  }
0x2b: {  	s6 =	sld [smem:$0x3FB0]  }
0x2c: {  	s7 =	sld [smem:$0x3FB1]  }
0x2d: {  	s3 =	simm.s32 $0x108;
	s8 =	sld [smem:$0x3FB2]  }
0x2e: {  	s3 =	simm.s32 @!p0 $0x1082;
	s9 =	sld [smem:$0x3FB3]  }
0x2f: {  	lr =	sadd.s32 s0, s3;
	s0 =	sld [smem:$0x3FAA]  }
0x30: {  	s3 =	sld [smem:$0x3FAD]  }
0x31: {  	[smem:$0x3FB6] =	sst s10  }
0x32: {  	s10 =	sld [smem:$0x3FB4];
	_ =	sdelay $0x3  }
0x33: {  	p0 =	seq.s32 s10, $0x1;
	s10 =	sld [smem:$0x3FB6];
	_ =	sdelay $0x3  }
0x34: {  	[smem:$0x3FB6] =	sst s10  }
0x35: {  	s10 =	sld [smem:$0x3FB5];
	_ =	sdelay $0x3  }
0x36: {  	p1 =	seq.s32 s10, $0x1;
	s10 =	sld [smem:$0x3FB6];
	_ =	sdelay $0x3  }
0x37: {  	[smem:$0x3FB6] =	sst s10  }
0x38: {  	s10 =	sld [smem:$0x3FB7]  }
0x39: {  	_ = 	snop;
	(pc) =	sbr.ind lr, $3  }
0x3a: {  	_ = 	snop  }
0x3b: {  	_ = 	snop  }
0x3c: {  	p2 =	seq.s32 s10, $0x1;
	s10 =	sld [smem:$0x3FB6]  }
0x3d: {  	_ =	shalt  }
0x3e: {  	_ =	shalt  }
0x3f: {  	_ =	shalt  }
0x40: {  	_ =	shalt  }
0x41: {  	_ =	shalt  }
0x42: {  	_ =	shalt  }
0x43: {  	_ =	shalt  }
0x44: {  	_ =	shalt  }
0x45: {  	_ =	shalt  }
0x46: {  	_ =	shalt  }
0x47: {  	_ =	shalt  }
0x48: {  	_ =	shalt  }
0x49: {  	_ =	shalt  }
0x4a: {  	_ =	shalt  }
0x4b: {  	_ =	shalt  }
0x4c: {  	_ =	shalt  }
0x4d: {  	_ =	shalt  }
0x4e: {  	_ =	shalt  }
0x4f: {  	_ =	shalt  }
0x50: {  	_ =	shalt  }
0x51: {  	_ =	shalt  }
0x52: {  	_ =	shalt  }
0x53: {  	_ =	shalt  }
0x54: {  	_ =	shalt  }
0x55: {  	_ =	shalt  }
0x56: {  	_ =	shalt  }
0x57: {  	_ =	shalt  }
0x58: {  	_ =	shalt  }
0x59: {  	_ =	shalt  }
0x5a: {  	_ =	shalt  }
0x5b: {  	_ =	shalt  }
0x5c: {  	_ =	shalt  }
0x5d: {  	_ =	shalt  }
0x5e: {  	_ =	shalt  }
0x5f: {  	_ =	shalt  }
0x60: {  	_ =	shalt  }
0x61: {  	_ =	shalt  }
0x62: {  	_ =	shalt  }
0x63: {  	_ =	shalt  }
0x64: {  	_ =	shalt  }
0x65: {  	_ =	shalt  }
0x66: {  	_ =	shalt  }
0x67: {  	_ =	shalt  }
0x68: {  	_ =	shalt  }
0x69: {  	_ =	shalt  }
0x6a: {  	_ =	shalt  }
0x6b: {  	_ =	shalt  }
0x6c: {  	_ =	shalt  }
0x6d: {  	_ =	shalt  }
0x6e: {  	_ =	shalt  }
0x6f: {  	_ =	shalt  }
0x70: {  	_ =	shalt  }
0x71: {  	_ =	shalt  }
0x72: {  	_ =	shalt  }
0x73: {  	_ =	shalt  }
0x74: {  	_ =	shalt  }
0x75: {  	_ =	shalt  }
0x76: {  	_ =	shalt  }
0x77: {  	_ =	shalt  }
0x78: {  	_ =	shalt  }
0x79: {  	_ =	shalt  }
0x7a: {  	_ =	shalt  }
0x7b: {  	_ =	shalt  }
0x7c: {  	_ =	shalt  }
0x7d: {  	_ =	shalt  }
0x7e: {  	_ =	shalt  }
0x7f: {  	_ =	shalt  }
0x80: {  	_ =	shalt  }
0x81: {  	_ =	shalt  }
0x82: {  	_ =	shalt  }
0x83: {  	_ =	shalt  }
0x84: {  	_ =	shalt  }
0x85: {  	_ =	shalt  }
0x86: {  	_ =	shalt  }
0x87: {  	_ =	shalt  }
.Lfunc_end0:
.L_simem_size_0:
called_computation_lowered:
.L_overlay_start_0:
0x88: {  	s2 =	sld [smem:$0x3FD9]  }
0x89: {  	s3 =	sld [smem:$0x3FFE];
	_ =	sdelay $0x1  }
0x8a: {  	s1 =	srdreg.scid  }
0x8b: {  	s0 =	sand.u32 $0x1, s1  }
0x8c: {  	s14 =	sshll.u32 s0, $0xA;
	s2 =	sadd.s32 s3, s2  }
0x8d: {  	s2 =	sadd.s32 s2, s14  }
0x8e: {  	[smem:$0x3FC2] =	sst s2  }
0x8f: {  	_ = 	snop  }
0x90: {  	s2 =	sld [smem:$0x3FD0];
	_ =	sdelay $0x2  }
0x91: {  	s15 =	simm.s32 $0xA;
	s4 =	simm.s32 $0x10  }
0x92: {  	[smem:s4], [sflag:s15] =	dma.local [hbm:s2], $0x1  }
0x93: {  	_ =	swait.eq [sflag:s15], $0x1  }
0x94: {  	[sflag:s15] =	ssyncset.done $0x0  }
0x95: {  	[sflag:s15] =	ssyncadd.s32 $0xFFFFFFFF  }
0x96: {  	s16 =	sld [smem:$0x10];
	(tm) =	ssettm $0x1  }
0x97: {  	s17 =	sld [smem:$0x3FFB];
	_ =	sdelay $0x3  }
0x98: {  	_ =	strace s17  }
0x99: {  	s3 =	sld [smem:$0x3FFC];
	_ =	sdelay $0x3  }
0x9a: {  	_ =	strace s3  }
0x9b: {  	s3 =	sld [smem:$0x3FFD];
	_ =	sdelay $0x3  }
0x9c: {  	_ =	strace s3  }
0x9d: {  	_ =	strace $0x8FFFFFFF  }
0x9e: {  	s18 =	sld [smem:$0x3FDB];
	_ =	sdelay $0x1  }
0x9f: {  	s19 =	simm.s32 $_scs_section_size  }
0xa0: {  	s5 =	simm.s32 $_size__tile_overlayer_lowered;
	s6 =	simm.s32 $_tile_overlayer_lowered  }
0xa1: {  	s22 =	simm.s32 $0x1BFF;
	s21 =	sshll.u32 s6, $0x1;
	s3 =	sadd.s32 s19, s18  }
0xa2: {  	s7 =	simm.s32 $0x0;
	s20 =	sshll.u32 s5, $0x1;
	s5 =	sadd.s32 s21, s3  }
0xa3: {  	[timem:s7], [sflag:s22] =	dma.local [hbm:s5], s20  }
0xa4: {  	_ =	swait.ge [sflag:s22], s20  }
0xa5: {  	s4 =	ssub.s32 $0x0, s20;
	[sflag:s22] =	ssyncset.done $0x0  }
0xa6: {  	[sflag:s22] =	ssyncadd.s32 s4;
	_ =	sdelay $0x1  }
0xa7: {  	s23 =	simm.s32 $0x1B8B  }
0xa8: {  	_ =	swait.ge [sflag:s23], $0x1  }
0xa9: {  	[sflag:s23] =	ssyncset.done $0x0  }
0xaa: {  	s25 =	simm.s32 $0x1B8E;
	s24 =	sld [smem:$0x3FFE];
	[sflag:s23] =	ssyncadd.s32 $0xFFFFFFFF  }
0xab: {  	s26 =	simm.s32 $execute0_lowered;
	[smem:$0x3FD2] =	sst s25  }
0xac: {  	s5 =	sshll.u32 s26, $0x1;
	_ =	strace $0x80000046;
	[dreg:$0x1] =	wrdreg $0xFFFFFFFF  }
0xad: {  	s28 =	simm.s32 $_size_execute0_lowered;
	s3 =	sadd.s32 s3, s5;
	[dreg:$0x0] =	wrdreg $0x0  }
0xae: {  	s5 =	sshll.u32 s28, $0x1;
	[dreg:$0x2] =	wrdreg s3  }
0xaf: {  	[dreg:$0x3] =	wrdreg s5  }
0xb0: {  	[dreg:$0x4] =	wrdreg $0xC0  }
0xb1: {  	_ =	task [dreg:s7], $0x5FFFF  }
0xb2: {  	[dreg:$0x1] =	wrdreg $0xFFFFFFFF  }
0xb3: {  	[dreg:$0x0] =	wrdreg $0x60  }
0xb4: {  	[dreg:$0x2] =	wrdreg s16  }
0xb5: {  	[dreg:$0x3] =	wrdreg s24  }
0xb6: {  	[dreg:$0x4] =	wrdreg $0x0  }
0xb7: {  	[dreg:$0x5] =	wrdreg $0x9  }
0xb8: {  	_ =	task.clear_ibuf [dreg:s7], $0x6FFFF;
	_ =	strace $0x90000046  }
0xb9: {  	s29 =	simm.s32 $0x9;
	_ =	strace $0x80000048  }
0xba: {  	_ =	swait.ge [sflag:s29], $0x1  }
0xbb: {  	[sflag:s29] =	ssyncadd.s32 $0xFFFFFFFF  }
0xbc: {  	_ =	strace $0x90000048  }
0xbd: {  	_ =	sfence  }
0xbe: {  	s30 =	sld [smem:$0x0];
	_ =	sdelay $0x2  }
0xbf: {  	s31 =	sshll.u32 s1, $0xD;
	s1 =	sshrl.u32 s1, $0x2  }
0xc0: {  	s3 =	sand.u32 $0x4000, s31;
	s1 =	sadd.s32 s1, s30  }
0xc1: {  	s0 =	sor.u32 s3, s0;
	s1 =	sshll.u32 s1, $0x11  }
0xc2: {  	s0 =	sor.u32 s1, s0  }
0xc3: {  	s0 =	sadd.s32 $0x8F2B, s0  }
0xc4: {  	[sflag:s0] =	ssyncadd.remote.s32 $0x1  }
0xc5: {  	_ =	sfence.sel $0xFFFF  }
0xc6: {  	[dreg:$0x0] =	wrdreg $0xFFFFFFFF;
	(pc) =	sbr.abs _section_cstart, $3  }
0xc7: {  	[dreg:$0x1] =	wrdreg $0xFFFFFFFF  }
0xc8: {  	_ =	task.clear_ibuf [dreg:s7], $0x2FFFF;
	_ =	strace $0x9FFFFFFF  }
0xc9: {  	(tm) =	ssettm $0x7FFFFFFF  }
tec
execute0_lowered:
.L_overlay_start_1:
0x0: {  	(tag) =	ssettag $0x1  }
0x1: {  	s1 =	rddreg [dreg:$0x0]  }
0x2: {  	s0 =	rddreg [dreg:$0x1]  }
0x3: {  	s2 =	rddreg [dreg:$0x2];
	s4 =	simm.s32 $0x0  }
0x4: {  	s3 =	srdreg.scid;
	s5 =	stileid.u32;
	s28 =	simm.s32 $0x2  }
0x5: {  	s29 =	simm.s32 $0x13800;
	s30 =	simm.s32 $0x3;
	s31 =	simm.s32 $0x16000  }
0x6: {  	s12 =	simm.s32 $0x9;
	s13 =	simm.s32 $0xA;
	s7 =	smul.u32 $0xA000, s5  }
0x7: {  	[smem:$0x7FF] =	sst s4;
	s3 =	sand.u32 $0x1, s3;
	s20 =	smul.u32 $0x28000, s5  }
0x8: {  	s6 =	sadd.s32 $0x2400, s0;
	s9 =	sshrl.u32 s5, $0x3;
	s14 =	smul.u32 $0xA0000, s3  }
0x9: {  	s10 =	sadd.s32 $0x2A400, s0;
	s16 =	sshll.u32 s5, $0x7;
	s8 =	smul.u32 $0x14000, s3  }
0xa: {  	s17 =	sadd.s32 $0x2BA00, s0;
	s23 =	sshll.u32 s5, $0x6;
	s15 =	smul.u32 $0xA000, s9  }
0xb: {  	_ =	strace $0x80000047;
	[dreg:$0x4] =	wrdreg s6;
	s11 =	smul.u32 $0x28000, s3  }
0xc: {  	s6 =	sadd.s32 $0x16400, s0;
	[dreg:$0x5] =	wrdreg s10;
	s9 =	smul.u32 $0x14000, s9  }
0xd: {  	[dreg:$0x6] =	wrdreg s17;
	s18 =	ssub.s32 $0x2, s3;
	s3 =	sshll.u32 s3, $0x4  }
0xe: {  	s17 =	simm.s32 $0x18800;
	s19 =	sshrl.u32 s18, $0x1;
	s3 =	sor.u32 s5, s3  }
0xf: {  	s22 =	sshrl.u32 s20, $0x2;
	s4 =	sadd.s32 s7, s14;
	s8 =	sadd.s32 s8, s15  }
0x10: {  	s7 =	sand.u32 $0x380, s16;
	s9 =	sadd.s32 s11, s9;
	s21 =	ssub.s32 s18, s19  }
0x11: {  	s14 =	sor.u32 $0x1C0B, s23;
	s10 =	smul.u32 $0x5000, s3;
	s16 =	simm.s32 $0xB  }
0x12: {  	s18 =	simm.s32 $0x19C00;
	s19 =	simm.s32 $0xA000;
	s3 =	simm.s32 $0x6  }
0x13: {  	s11 =	simm.s32 $0x8;
	s4 =	sshrl.u32 s4, $0x3;
	s8 =	sor.u32 s7, s8  }
0x14: {  	s7 =	sor.u32 s7, s9;
	s9 =	sadd.s32 s22, s2;
	s26 =	smax.u32 s21, $0x1  }
0x15: {  	s21 =	simm.s32 $0x50;
	s22 =	simm.s32 $0xC000;
	[dreg:$0x7] =	wrdreg s14  }
0x16: {  	s4 =	sadd.s32 s4, s0;
	s8 =	sshrl.u32 s8, $0x3;
	s7 =	sshrl.u32 s7, $0x3  }
0x17: {  	[dreg:$0xb] =	wrdreg s26;
	s26 =	simm.s32 $0x11000;
	s8 =	sadd.s32 s8, s0  }
0x18: {  	s0 =	sadd.s32 s7, s0;
	s24 =	sadd.s32 $0x2C000, s4;
	s4 =	simm.s32 $0x5  }
0x19: {  	s7 =	simm.s32 $0x7;
	[dreg:$0x8] =	wrdreg s24;
	s25 =	sadd.s32 $0x54000, s8  }
0x1a: {  	s0 =	sadd.s32 $0x59000, s0;
	s8 =	sshrl.u32 s9, $0x3;
	[dreg:$0x9] =	wrdreg s25  }
0x1b: {  	s24 =	simm.s32 $0xE800;
	s9 =	simm.s32 $0x0;
	[dreg:$0xa] =	wrdreg s0  }
0x1c: {  	v0 =	vimm.f32 $1.000000000e+00;
	s25 =	simm.s32 $0x1;
	s0 =	simm.s32 $0x4;
	[dreg:$0xc] =	wrdreg s8  }
.LBB2_1:
0x1d: {  	[dreg:$0xd] =	wrdreg s9  }
0x1e: {  	s5 =	rddreg [dreg:$0x5]  }
0x1f: {  	[spmem:s8], [sflag:s14] =	dma.local [hbm:s5], $0x1400  }
0x20: {  	_ =	swait.ge [sflag:s16], $0x1400  }
0x21: {  	[sflag:s16] =	ssyncset.done $0x0  }
0x22: {  	s20 =	simm.s32 $0x0;
	s23 =	rddreg [dreg:$0x6];
	[sflag:s16] =	ssyncadd.s32 $0xFFFFEC00  }
0x23: {  	[tilespmem:s17], [sflag:$0xB] =	stream.linear.gather [hbm4b:s23+s20], $0x1400, $0x38;
	[tilespmem:$0x1C400] =	vst v63  }
0x24: {  	_ =	swait.ge [sflag:s16], $0x1400  }
0x25: {  	[sflag:s16] =	ssyncset.done $0x0  }
0x26: {  	[sflag:s16] =	ssyncadd.s32 $0xFFFFEC00  }
0x27: {  	[tilespmem:s18], [sflag:$0xB] =	stream.linear.gather [hbm4b:s23+s20], $0x2800, $0x38;
	[tilespmem:$0x1C400] =	vst v63  }
0x28: {  	_ =	swait.ge [sflag:s16], $0x2800  }
0x29: {  	[sflag:s16] =	ssyncset.done $0x0  }
0x2a: {  	[sflag:s16] =	ssyncadd.s32 $0xFFFFD800  }
0x2b: {  	s8 =	simm.s32 $0x0;
	[bflag:$0x0] =	sbarrier.arrive $0xFFFF  }
.LBB2_2:
0x2c: {  	s9 =	sshll.u32 s8, $0xC  }
0x2d: {  	s9 =	sadd.s32 s10, s9  }
0x2e: {  	s5 =	rddreg [dreg:$0x4];
	s15 =	sshrl.u32 s9, $0x3  }
0x2f: {  	s9 =	simm.s32 $0x0;
	s14 =	sadd.s32 s5, s15  }
0x30: {  	[tilespmem:s19], [sflag:$0xB] =	stream.linear.gather [hbm4b:s14+s9], $0xC80, $0x38;
	[tilespmem:$0x1C400] =	vst v63  }
0x31: {  	_ =	swait.ge [sflag:s16], $0xC80  }
0x32: {  	[sflag:s16] =	ssyncset.done $0x0  }
0x33: {  	s20 =	simm.s32 $0xB000;
	s15 =	sadd.s32 s6, s15;
	[sflag:s16] =	ssyncadd.s32 $0xFFFFF380  }
0x34: {  	[tilespmem:s20], [sflag:$0xB] =	stream.linear.gather [hbm4b:s15+s9], $0xC80, $0x38;
	[tilespmem:$0x1C400] =	vst v63  }
0x35: {  	_ =	swait.ge [sflag:s16], $0xC80  }
0x36: {  	[sflag:s16] =	ssyncset.done $0x0  }
0x37: {  	[sflag:s16] =	ssyncadd.s32 $0xFFFFF380  }
0x38: {  	[tilespmem:s22], [sflag:$0x1] =	stream.indirect.gather [hbm4b:s1+s21], $0x80, s19, s21, $0xb8;
	[tilespmem:$0x1C400] =	vst v63  }
0x39: {  	s23 =	simm.s32 $0xA080  }
0x3a: {  	[tilespmem:s24], [sflag:$0x2] =	stream.indirect.gather [hbm4b:s1+s21], $0x80, s23, s21, $0xb8;
	[tilespmem:$0x1C400] =	vst v63  }
.LBB2_3:
0x3b: {  	_ =	swait.ge [sflag:s25], $0x2800  }
0x3c: {  	s15 =	sshra.s32 s9, $0x2;
	[sflag:s25] =	ssyncset.done $0x0  }
0x3d: {  	p0 =	seq.s32 s9, $0x0;
	s14 =	sadd.s32 $0xB000, s15;
	[sflag:s25] =	ssyncadd.s32 $0xFFFFD800  }
0x3e: {  	[spmem:s2] =	stream.indirect.scatter.add.f32 [tilespmem:s22], [sflag:$0x6], $0x80, s14, s21, $0xb8;
	[tilespmem:$0x1C400] =	vst v63  }
0x3f: {  	s14 =	simm.s32 @!p0 $0x8  }
0x40: {  	_ =	swait.ge @!p0 [sflag:s14], $0x2800  }
0x41: {  	[sflag:s14] =	ssyncset.done @!p0 $0x0  }
0x42: {  	s20 =	sadd.s32 $0xA100, s15;
	[sflag:s14] =	ssyncadd.s32 @!p0 $0xFFFFD800  }
0x43: {  	[tilespmem:s26], [sflag:$0x3] =	stream.indirect.gather [hbm4b:s1+s21], $0x80, s20, s21, $0xb8;
	[tilespmem:$0x1C400] =	vst v63  }
0x44: {  	v1 =	vld [tilespmem:s15+$0xB000];
	_ =	sdelay $0x7  }
0x45: {  	[tilespmem:v1+s17+$0x0] =	vst.idx.add.f32.msk $0xffff, v0  }
0x46: {  	v1 =	vld [tilespmem:s15+$0xA000];
	_ =	sdelay $0x7  }
0x47: {  	[tilespmem:v1+s18+$0x0] =	vst.idx.add.f32.msk $0xffff, v0  }
0x48: {  	v1 =	vld [tilespmem:s15+$0xB010];
	_ =	sdelay $0x7  }
0x49: {  	[tilespmem:v1+s17+$0x0] =	vst.idx.add.f32.msk $0xffff, v0  }
0x4a: {  	v1 =	vld [tilespmem:s15+$0xA010];
	_ =	sdelay $0x7  }
0x4b: {  	[tilespmem:v1+s18+$0x0] =	vst.idx.add.f32.msk $0xffff, v0  }
0x4c: {  	v1 =	vld [tilespmem:s15+$0xB020];
	_ =	sdelay $0x7  }
0x4d: {  	[tilespmem:v1+s17+$0x0] =	vst.idx.add.f32.msk $0xffff, v0  }
0x4e: {  	v1 =	vld [tilespmem:s15+$0xA020];
	_ =	sdelay $0x7  }
0x4f: {  	[tilespmem:v1+s18+$0x0] =	vst.idx.add.f32.msk $0xffff, v0  }
0x50: {  	v1 =	vld [tilespmem:s15+$0xB030];
	_ =	sdelay $0x7  }
0x51: {  	[tilespmem:v1+s17+$0x0] =	vst.idx.add.f32.msk $0xffff, v0  }
0x52: {  	v1 =	vld [tilespmem:s15+$0xA030];
	_ =	sdelay $0x7  }
0x53: {  	[tilespmem:v1+s18+$0x0] =	vst.idx.add.f32.msk $0xffff, v0  }
0x54: {  	v1 =	vld [tilespmem:s15+$0xB040];
	_ =	sdelay $0x7  }
0x55: {  	[tilespmem:v1+s17+$0x0] =	vst.idx.add.f32.msk $0xffff, v0  }
0x56: {  	v1 =	vld [tilespmem:s15+$0xA040];
	_ =	sdelay $0x7  }
0x57: {  	[tilespmem:v1+s18+$0x0] =	vst.idx.add.f32.msk $0xffff, v0  }
0x58: {  	_ =	swait.ge [sflag:s28], $0x2800  }
0x59: {  	[sflag:s28] =	ssyncset.done $0x0  }
0x5a: {  	s23 =	sadd.s32 $0xB080, s15;
	s14 =	simm.s32 @!p0 $0x9;
	[sflag:s28] =	ssyncadd.s32 $0xFFFFD800  }
0x5b: {  	[spmem:s2] =	stream.indirect.scatter.add.f32 [tilespmem:s24], [sflag:$0x7], $0x80, s23, s21, $0xb8;
	[tilespmem:$0x1C400] =	vst v63  }
0x5c: {  	_ =	swait.ge @!p0 [sflag:s14], $0x2800  }
0x5d: {  	[sflag:s14] =	ssyncset.done @!p0 $0x0  }
0x5e: {  	s5 =	sadd.s32 $0xA180, s15;
	[sflag:s14] =	ssyncadd.s32 @!p0 $0xFFFFD800  }
0x5f: {  	[tilespmem:s29], [sflag:$0x4] =	stream.indirect.gather [hbm4b:s1+s21], $0x80, s5, s21, $0xb8;
	[tilespmem:$0x1C400] =	vst v63  }
0x60: {  	v1 =	vld [tilespmem:s15+$0xB080];
	_ =	sdelay $0x7  }
0x61: {  	[tilespmem:v1+s17+$0x0] =	vst.idx.add.f32.msk $0xffff, v0  }
0x62: {  	v1 =	vld [tilespmem:s15+$0xA080];
	_ =	sdelay $0x7  }
0x63: {  	[tilespmem:v1+s18+$0x0] =	vst.idx.add.f32.msk $0xffff, v0  }
0x64: {  	v1 =	vld [tilespmem:s15+$0xB090];
	_ =	sdelay $0x7  }
0x65: {  	[tilespmem:v1+s17+$0x0] =	vst.idx.add.f32.msk $0xffff, v0  }
0x66: {  	v1 =	vld [tilespmem:s15+$0xA090];
	_ =	sdelay $0x7  }
0x67: {  	[tilespmem:v1+s18+$0x0] =	vst.idx.add.f32.msk $0xffff, v0  }
0x68: {  	v1 =	vld [tilespmem:s15+$0xB0A0];
	_ =	sdelay $0x7  }
0x69: {  	[tilespmem:v1+s17+$0x0] =	vst.idx.add.f32.msk $0xffff, v0  }
0x6a: {  	v1 =	vld [tilespmem:s15+$0xA0A0];
	_ =	sdelay $0x7  }
0x6b: {  	[tilespmem:v1+s18+$0x0] =	vst.idx.add.f32.msk $0xffff, v0  }
0x6c: {  	v1 =	vld [tilespmem:s15+$0xB0B0];
	_ =	sdelay $0x7  }
0x6d: {  	[tilespmem:v1+s17+$0x0] =	vst.idx.add.f32.msk $0xffff, v0  }
0x6e: {  	v1 =	vld [tilespmem:s15+$0xA0B0];
	_ =	sdelay $0x7  }
0x6f: {  	[tilespmem:v1+s18+$0x0] =	vst.idx.add.f32.msk $0xffff, v0  }
0x70: {  	v1 =	vld [tilespmem:s15+$0xB0C0];
	_ =	sdelay $0x7  }
0x71: {  	[tilespmem:v1+s17+$0x0] =	vst.idx.add.f32.msk $0xffff, v0  }
0x72: {  	v1 =	vld [tilespmem:s15+$0xA0C0];
	_ =	sdelay $0x7  }
0x73: {  	[tilespmem:v1+s18+$0x0] =	vst.idx.add.f32.msk $0xffff, v0  }
0x74: {  	_ =	swait.ge [sflag:s30], $0x2800  }
0x75: {  	[sflag:s30] =	ssyncset.done $0x0  }
0x76: {  	s20 =	sadd.s32 $0xB100, s15;
	s14 =	simm.s32 @!p0 $0xA;
	[sflag:s30] =	ssyncadd.s32 $0xFFFFD800  }
0x77: {  	[spmem:s2] =	stream.indirect.scatter.add.f32 [tilespmem:s26], [sflag:$0x8], $0x80, s20, s21, $0xb8;
	[tilespmem:$0x1C400] =	vst v63  }
0x78: {  	_ =	swait.ge @!p0 [sflag:s14], $0x2800  }
0x79: {  	[sflag:s14] =	ssyncset.done @!p0 $0x0  }
0x7a: {  	s23 =	sadd.s32 $0xA200, s15;
	[sflag:s14] =	ssyncadd.s32 @!p0 $0xFFFFD800  }
0x7b: {  	[tilespmem:s31], [sflag:$0x5] =	stream.indirect.gather [hbm4b:s1+s21], $0x80, s23, s21, $0xb8;
	[tilespmem:$0x1C400] =	vst v63  }
0x7c: {  	v1 =	vld [tilespmem:s15+$0xB100];
	_ =	sdelay $0x7  }
0x7d: {  	[tilespmem:v1+s17+$0x0] =	vst.idx.add.f32.msk $0xffff, v0  }
0x7e: {  	v1 =	vld [tilespmem:s15+$0xA100];
	_ =	sdelay $0x7  }
0x7f: {  	[tilespmem:v1+s18+$0x0] =	vst.idx.add.f32.msk $0xffff, v0  }
0x80: {  	v1 =	vld [tilespmem:s15+$0xB110];
	_ =	sdelay $0x7  }
0x81: {  	[tilespmem:v1+s17+$0x0] =	vst.idx.add.f32.msk $0xffff, v0  }
0x82: {  	v1 =	vld [tilespmem:s15+$0xA110];
	_ =	sdelay $0x7  }
0x83: {  	[tilespmem:v1+s18+$0x0] =	vst.idx.add.f32.msk $0xffff, v0  }
0x84: {  	v1 =	vld [tilespmem:s15+$0xB120];
	_ =	sdelay $0x7  }
0x85: {  	[tilespmem:v1+s17+$0x0] =	vst.idx.add.f32.msk $0xffff, v0  }
0x86: {  	v1 =	vld [tilespmem:s15+$0xA120];
	_ =	sdelay $0x7  }
0x87: {  	[tilespmem:v1+s18+$0x0] =	vst.idx.add.f32.msk $0xffff, v0  }
0x88: {  	v1 =	vld [tilespmem:s15+$0xB130];
	_ =	sdelay $0x7  }
0x89: {  	[tilespmem:v1+s17+$0x0] =	vst.idx.add.f32.msk $0xffff, v0  }
0x8a: {  	v1 =	vld [tilespmem:s15+$0xA130];
	_ =	sdelay $0x7  }
0x8b: {  	[tilespmem:v1+s18+$0x0] =	vst.idx.add.f32.msk $0xffff, v0  }
0x8c: {  	v1 =	vld [tilespmem:s15+$0xB140];
	_ =	sdelay $0x7  }
0x8d: {  	[tilespmem:v1+s17+$0x0] =	vst.idx.add.f32.msk $0xffff, v0  }
0x8e: {  	v1 =	vld [tilespmem:s15+$0xA140];
	_ =	sdelay $0x7  }
0x8f: {  	[tilespmem:v1+s18+$0x0] =	vst.idx.add.f32.msk $0xffff, v0  }
0x90: {  	_ =	swait.ge [sflag:s0], $0x2800  }
0x91: {  	[sflag:s0] =	ssyncset.done $0x0  }
0x92: {  	s5 =	sadd.s32 $0xB180, s15;
	[sflag:s0] =	ssyncadd.s32 $0xFFFFD800  }
0x93: {  	[spmem:s2] =	stream.indirect.scatter.add.f32 [tilespmem:s29], [sflag:$0x9], $0x80, s5, s21, $0xb8;
	[tilespmem:$0x1C400] =	vst v63  }
0x94: {  	p0 =	seq.s32 s9, $0x2800;
	_ =	swait.ge [sflag:s3], $0x2800  }
0x95: {  	s14 =	sshra.s32 @!p0 s9, $0x2;
	s23 =	simm.s32 @!p0 $0x50;
	[sflag:s3] =	ssyncset.done $0x0  }
0x96: {  	s20 =	sadd.s32 @!p0 $0xA280, s14;
	s5 =	simm.s32 @!p0 $0xC000;
	[sflag:s3] =	ssyncadd.s32 $0xFFFFD800  }
0x97: {  	[tilespmem:s5], [sflag:$0x1] =	stream.indirect.gather @!p0 [hbm4b:s1+s23], $0x80, s20, s23, $0xb8;
	[tilespmem:$0x1C400] =	vst v63  }
0x98: {  	v1 =	vld [tilespmem:s15+$0xB180];
	_ =	sdelay $0x7  }
0x99: {  	[tilespmem:v1+s17+$0x0] =	vst.idx.add.f32.msk $0xffff, v0  }
0x9a: {  	v1 =	vld [tilespmem:s15+$0xA180];
	_ =	sdelay $0x7  }
0x9b: {  	[tilespmem:v1+s18+$0x0] =	vst.idx.add.f32.msk $0xffff, v0  }
0x9c: {  	v1 =	vld [tilespmem:s15+$0xB190];
	_ =	sdelay $0x7  }
0x9d: {  	[tilespmem:v1+s17+$0x0] =	vst.idx.add.f32.msk $0xffff, v0  }
0x9e: {  	v1 =	vld [tilespmem:s15+$0xA190];
	_ =	sdelay $0x7  }
0x9f: {  	[tilespmem:v1+s18+$0x0] =	vst.idx.add.f32.msk $0xffff, v0  }
0xa0: {  	v1 =	vld [tilespmem:s15+$0xB1A0];
	_ =	sdelay $0x7  }
0xa1: {  	[tilespmem:v1+s17+$0x0] =	vst.idx.add.f32.msk $0xffff, v0  }
0xa2: {  	v1 =	vld [tilespmem:s15+$0xA1A0];
	_ =	sdelay $0x7  }
0xa3: {  	[tilespmem:v1+s18+$0x0] =	vst.idx.add.f32.msk $0xffff, v0  }
0xa4: {  	v1 =	vld [tilespmem:s15+$0xB1B0];
	_ =	sdelay $0x7  }
0xa5: {  	[tilespmem:v1+s17+$0x0] =	vst.idx.add.f32.msk $0xffff, v0  }
0xa6: {  	v1 =	vld [tilespmem:s15+$0xA1B0];
	_ =	sdelay $0x7  }
0xa7: {  	[tilespmem:v1+s18+$0x0] =	vst.idx.add.f32.msk $0xffff, v0  }
0xa8: {  	v1 =	vld [tilespmem:s15+$0xB1C0];
	_ =	sdelay $0x7  }
0xa9: {  	[tilespmem:v1+s17+$0x0] =	vst.idx.add.f32.msk $0xffff, v0  }
0xaa: {  	v1 =	vld [tilespmem:s15+$0xA1C0];
	_ =	sdelay $0x7  }
0xab: {  	[tilespmem:v1+s18+$0x0] =	vst.idx.add.f32.msk $0xffff, v0  }
0xac: {  	_ =	swait.ge [sflag:s4], $0x2800  }
0xad: {  	[sflag:s4] =	ssyncset.done $0x0  }
0xae: {  	s20 =	sadd.s32 $0xB200, s15;
	[sflag:s4] =	ssyncadd.s32 $0xFFFFD800  }
0xaf: {  	[spmem:s2] =	stream.indirect.scatter.add.f32 [tilespmem:s31], [sflag:$0xA], $0x80, s20, s21, $0xb8;
	[tilespmem:$0x1C400] =	vst v63  }
0xb0: {  	_ =	swait.ge [sflag:s7], $0x2800  }
0xb1: {  	[sflag:s7] =	ssyncset.done $0x0  }
0xb2: {  	s5 =	sadd.s32 @!p0 $0xA300, s14;
	s14 =	simm.s32 @!p0 $0xE800;
	[sflag:s7] =	ssyncadd.s32 $0xFFFFD800  }
0xb3: {  	[tilespmem:s14], [sflag:$0x2] =	stream.indirect.gather @!p0 [hbm4b:s1+s23], $0x80, s5, s23, $0xb8;
	[tilespmem:$0x1C400] =	vst v63  }
0xb4: {  	v1 =	vld [tilespmem:s15+$0xB200];
	_ =	sdelay $0x7  }
0xb5: {  	[tilespmem:v1+s17+$0x0] =	vst.idx.add.f32.msk $0xffff, v0  }
0xb6: {  	v1 =	vld [tilespmem:s15+$0xA200];
	_ =	sdelay $0x7  }
0xb7: {  	[tilespmem:v1+s18+$0x0] =	vst.idx.add.f32.msk $0xffff, v0  }
0xb8: {  	v1 =	vld [tilespmem:s15+$0xB210];
	_ =	sdelay $0x7  }
0xb9: {  	[tilespmem:v1+s17+$0x0] =	vst.idx.add.f32.msk $0xffff, v0  }
0xba: {  	v1 =	vld [tilespmem:s15+$0xA210];
	_ =	sdelay $0x7  }
0xbb: {  	[tilespmem:v1+s18+$0x0] =	vst.idx.add.f32.msk $0xffff, v0  }
0xbc: {  	v1 =	vld [tilespmem:s15+$0xB220];
	_ =	sdelay $0x7  }
0xbd: {  	[tilespmem:v1+s17+$0x0] =	vst.idx.add.f32.msk $0xffff, v0  }
0xbe: {  	v1 =	vld [tilespmem:s15+$0xA220];
	_ =	sdelay $0x7  }
0xbf: {  	[tilespmem:v1+s18+$0x0] =	vst.idx.add.f32.msk $0xffff, v0  }
0xc0: {  	v1 =	vld [tilespmem:s15+$0xB230];
	_ =	sdelay $0x7  }
0xc1: {  	[tilespmem:v1+s17+$0x0] =	vst.idx.add.f32.msk $0xffff, v0  }
0xc2: {  	v1 =	vld [tilespmem:s15+$0xA230];
	_ =	sdelay $0x7  }
0xc3: {  	[tilespmem:v1+s18+$0x0] =	vst.idx.add.f32.msk $0xffff, v0  }
0xc4: {  	v1 =	vld [tilespmem:s15+$0xB240];
	_ =	sdelay $0x7  }
0xc5: {  	[tilespmem:v1+s17+$0x0] =	vst.idx.add.f32.msk $0xffff, v0  }
0xc6: {  	v1 =	vld [tilespmem:s15+$0xA240];
	_ =	sdelay $0x1  }
0xc7: {  	s9 =	sadd.s32 $0xA00, s9  }
0xc8: {  	p0 =	sne.s32 s9, $0x3200  }
.Ltmp0:
0xc9: {  	_ = 	snop;
	(pc) =	sbr.rel @p0 .LBB2_3-.Ltmp0, $2  }
0xca: {  	_ =	sdelay $0x2  }
0xcb: {  	[tilespmem:v1+s18+$0x0] =	vst.idx.add.f32.msk $0xffff, v0  }
0xcc: {  	_ =	swait.ge [sflag:s11], $0x2800  }
0xcd: {  	[sflag:s11] =	ssyncset.done $0x0  }
0xce: {  	s8 =	sadd.s32 $0x1, s8;
	[sflag:s11] =	ssyncadd.s32 $0xFFFFD800  }
0xcf: {  	p0 =	sne.s32 s8, $0x5;
	_ =	swait.ge [sflag:s12], $0x2800  }
.Ltmp1:
0xd0: {  	[sflag:s12] =	ssyncset.done $0x0;
	(pc) =	sbr.rel @p0 .LBB2_2-.Ltmp1, $4  }
0xd1: {  	[sflag:s12] =	ssyncadd.s32 $0xFFFFD800  }
0xd2: {  	_ =	swait.ge [sflag:s13], $0x2800  }
0xd3: {  	[sflag:s13] =	ssyncset.done $0x0  }
0xd4: {  	[sflag:s13] =	ssyncadd.s32 $0xFFFFD800  }
0xd5: {  	[bflag:$0x0] =	sbarrier.arrive $0xFFFF  }
0xd6: {  	s14 =	rddreg [dreg:$0x7]  }
0xd7: {  	s5 =	rddreg [dreg:$0x8]  }
0xd8: {  	s8 =	rddreg [dreg:$0xc]  }
0xd9: {  	[hbm:s5], [sflag:s14] =	dma.local [spmem:s8], $0x1400  }
0xda: {  	_ =	swait.ge [sflag:s16], $0x1400  }
0xdb: {  	s9 =	simm.s32 $0x80;
	[sflag:s16] =	ssyncset.done $0x0  }
0xdc: {  	s15 =	simm.s32 $0x400;
	s20 =	rddreg [dreg:$0x9];
	[sflag:s16] =	ssyncadd.s32 $0xFFFFEC00  }
0xdd: {  	[hbm4b:s20+s9] =	stream.strided.scatter [tilespmem:s17], [sflag:$0xB], $0x1400, s15, s9, $0x38;
	[tilespmem:$0x1C400] =	vst v63  }
0xde: {  	_ =	swait.ge [sflag:s16], $0x1400  }
0xdf: {  	[sflag:s16] =	ssyncset.done $0x0  }
0xe0: {  	s23 =	rddreg [dreg:$0xa];
	[sflag:s16] =	ssyncadd.s32 $0xFFFFEC00  }
0xe1: {  	[hbm4b:s23+s9] =	stream.strided.scatter [tilespmem:s18], [sflag:$0xB], $0x2800, s15, s9, $0x38;
	[tilespmem:$0x1C400] =	vst v63  }
0xe2: {  	_ =	swait.ge [sflag:s16], $0x2800  }
0xe3: {  	s20 =	rddreg [dreg:$0xd]  }
0xe4: {  	s23 =	rddreg [dreg:$0xb];
	s9 =	sadd.s32 $0x1, s20  }
0xe5: {  	p0 =	sne.s32 s9, s23  }
.Ltmp2:
0xe6: {  	_ = 	snop;
	(pc) =	sbr.rel @p0 .LBB2_1-.Ltmp2, $3  }
0xe7: {  	_ =	sdelay $0x1  }
0xe8: {  	[sflag:s16] =	ssyncset.done $0x0  }
0xe9: {  	[sflag:s16] =	ssyncadd.s32 $0xFFFFD800  }
0xea: {  	_ =	sfence.sel $0x180000  }
0xeb: {  	[bflag:$0x0] =	sbarrier.arrive $0xFFFF  }
0xec: {  	_ =	strace $0x90000047  }
0xed: {  	s0 =	stileid.u32;
	[bflag:$0x2] =	sbarrier.arrive $0xFFFF  }
0xee: {  	p0 =	sne.s32 s0, $0x0;
	s0 =	rddreg [dreg:$0x3]  }
0xef: {  	s0 =	sadd.s32 @!p0 $0x100000, s0  }
0xf0: {  	[sflag:s0] =	ssyncadd.tile.s32 @!p0 $0x1;
	_ =	shalt  }
.Lfunc_end2:
_tile_overlayer_lowered:
.L_overlay_start_2:
0xf1: {  	(tag) =	ssettag $0x2  }
0xf2: {  	s0 =	rddreg [dreg:$0x0];
	s2 =	stileid.u32  }
0xf3: {  	s1 =	rddreg [dreg:$0x1];
	p0 =	sne.s32 s2, $0x0  }
0xf4: {  	s3 =	rddreg [dreg:$0x2];
	[bflag:$0x3] =	sbarrier.arrive $0xFFFF;
	s2 =	simm.s32 @!p0 $0x1C0B  }
0xf5: {  	[timem:s3], [sflag:s2] =	dma.local @!p0 [hbm:s0], s1  }
0xf6: {  	s0 =	simm.s32 @!p0 $0xB  }
0xf7: {  	_ =	swait.ge @!p0 [sflag:s0], s1  }
0xf8: {  	s1 =	ssub.s32 @!p0 $0x0, s1;
	[sflag:s0] =	ssyncset.done @!p0 $0x0  }
0xf9: {  	[sflag:s0] =	ssyncadd.s32 @!p0 s1  }
0xfa: {  	[bflag:$0x3] =	sbarrier.arrive $0xFFFF  }
0xfb: {  	_ =	shalt  }

</sc_bundles>
